<compile_context>
chip_gen: v7x
topology: tpu7x:2x2x1
jax: 0.10.2.dev20260603
libtpu: 0.0.44.dev20260713+nightly
codegen_flags: <defaults>
</compile_context>

<pallas_src>
import jax
import jax.numpy as jnp
from jax import lax
from jax.experimental import pallas as pl
from jax.experimental.pallas import tpu as pltpu
from jax.experimental.pallas import tpu_sc as plsc

_LANES = 16
_IDXCOLS = 100
_NW = 32
_NBUF = 3


def _emb_body(idx_hbm, tok_hbm, pos_hbm, out_hbm,
              pos_v, idx_v, rows0, rows1, rows2,
              gs0, gs1, gs2, os0, os1, os2, isem, psem):
    seq, d = pos_v.shape
    nseq = out_hbm.shape[0] // seq // _NW
    wid = lax.axis_index("c") * 16 + lax.axis_index("s")
    seq0 = wid * nseq

    idx_cp = pltpu.async_copy(
        idx_hbm.at[pl.ds(seq0 * 2, nseq * 2)], idx_v, isem)
    pos_cp = pltpu.async_copy(pos_hbm, pos_v, psem)
    idx_cp.wait()

    rows = (rows0, rows1, rows2)
    gs = (gs0, gs1, gs2)
    os = (os0, os1, os2)

    def fire_gather(c, b):
        pltpu.async_copy(
            tok_hbm.at[idx_v.at[2 * c]], rows[b].at[pl.ds(0, _IDXCOLS)], gs[b])
        pltpu.async_copy(
            tok_hbm.at[idx_v.at[2 * c + 1]],
            rows[b].at[pl.ds(_IDXCOLS, _IDXCOLS)], gs[b])

    def wait_gather(b):
        pltpu.make_async_copy(tok_hbm.at[pl.ds(0, seq)], rows[b], gs[b]).wait()

    split = 104

    def fire_out_piece(c, b, lo, n):
        pltpu.async_copy(rows[b].at[pl.ds(lo, n)],
                         out_hbm.at[pl.ds((seq0 + c) * seq + lo, n)], os[b])

    def wait_out(b):
        pltpu.make_async_copy(rows[b], out_hbm.at[pl.ds(0, seq)], os[b]).wait()

    def add_rows(b, lo, hi):
        buf = rows[b]

        def add_row(r, acc):
            for j in range(d // _LANES):
                sl = pl.ds(j * _LANES, _LANES)
                buf[r, sl] = buf[r, sl] + pos_v[r, sl]
            return acc

        lax.fori_loop(lo, hi, add_row, 0)

    fire_gather(0, 0)
    fire_gather(1, 1)

    wait_gather(0)
    fire_gather(2, 2)
    pos_cp.wait()
    add_rows(0, 0, split)
    fire_out_piece(0, 0, 0, split)
    add_rows(0, split, seq)
    fire_out_piece(0, 0, split, seq - split)

    wait_gather(1)
    add_rows(1, 0, split)
    fire_out_piece(1, 1, 0, split)
    wait_out(0)
    fire_gather(3, 0)
    add_rows(1, split, seq)
    fire_out_piece(1, 1, split, seq - split)

    wait_gather(2)
    add_rows(2, 0, split)
    fire_out_piece(2, 2, 0, split)
    wait_out(1)
    fire_gather(4, 1)
    add_rows(2, split, seq)
    fire_out_piece(2, 2, split, seq - split)

    def triple_body(gg, carry):
        c = 3 * gg
        for b in range(_NBUF):
            bn = (b + 2) % _NBUF
            wait_gather(b)
            add_rows(b, 0, split)
            fire_out_piece(c + b, b, 0, split)
            wait_out(bn)
            fire_gather(c + b + 2, bn)
            add_rows(b, split, seq)
            fire_out_piece(c + b, b, split, seq - split)
        return carry

    lax.fori_loop(1, (nseq - 2) // 3, triple_body, 0)

    wait_gather(0)
    add_rows(0, 0, split)
    fire_out_piece(nseq - 2, 0, 0, split)
    add_rows(0, split, seq)
    fire_out_piece(nseq - 2, 0, split, seq - split)

    wait_gather(1)
    add_rows(1, 0, split)
    fire_out_piece(nseq - 1, 1, 0, split)
    add_rows(1, split, seq)
    fire_out_piece(nseq - 1, 1, split, seq - split)

    wait_out(2)
    wait_out(0)
    wait_out(1)


def kernel(inputs, token_table, pos_table):
    b, s = inputs.shape
    v, d = token_table.shape
    nseq = b // _NW
    idx = inputs.astype(jnp.int32).reshape(b * s // _IDXCOLS, _IDXCOLS)
    mesh = plsc.VectorSubcoreMesh(core_axis_name="c", subcore_axis_name="s")
    run = pl.kernel(
        _emb_body,
        mesh=mesh,
        out_type=jax.ShapeDtypeStruct((b * s, d), jnp.float32),
        scratch_types=[
            pltpu.VMEM((s, d), jnp.float32),
            pltpu.VMEM((nseq * 2, _IDXCOLS), jnp.int32),
            pltpu.VMEM((s, d), jnp.float32),
            pltpu.VMEM((s, d), jnp.float32),
            pltpu.VMEM((s, d), jnp.float32),
            pltpu.SemaphoreType.DMA,
            pltpu.SemaphoreType.DMA,
            pltpu.SemaphoreType.DMA,
            pltpu.SemaphoreType.DMA,
            pltpu.SemaphoreType.DMA,
            pltpu.SemaphoreType.DMA,
            pltpu.SemaphoreType.DMA,
            pltpu.SemaphoreType.DMA,
        ],
    )
    out = run(idx, token_table, pos_table)
    return out.reshape(b, s, d)

# --- scband reference (transcript-rebuilt; emitter-appended) ---
"""Pipeline reference for scband-positional-embedding-35914516529732 (READ-ONLY COPY).

The authoritative reference and input builder live on the scoring server;
editing this copy changes nothing except your own understanding.
"""

import jax, jax.numpy as jnp
import numpy as np

VOCAB_SIZE = 100000
SEQ_LEN = 200
EMBED_DIM = 128
BATCH = 1024


def setup_inputs(seed: int = 0) -> dict:
    key = jax.random.key(seed)
    k1, k2, k3 = jax.random.split(key, 3)
    inputs = jax.random.randint(k1, (BATCH, SEQ_LEN), 0, VOCAB_SIZE, dtype=jnp.int64 if jax.config.jax_enable_x64 else jnp.int32)
    token_table = jax.random.normal(k2, (VOCAB_SIZE, EMBED_DIM), dtype=jnp.float32) * 0.02
    pos_table = jax.random.normal(k3, (SEQ_LEN, EMBED_DIM), dtype=jnp.float32) * 0.02
    return {"inputs": inputs, "token_table": token_table, "pos_table": pos_table}


def reference(inputs, token_table, pos_table):
    # positions = range(0, seq_len)
    seq_len = inputs.shape[1]
    positions = jnp.arange(seq_len)
    embedded_tokens = jnp.take(token_table, inputs, axis=0)          # [B, S, D]
    embedded_positions = jnp.take(pos_table, positions, axis=0)      # [S, D]
    return embedded_tokens + embedded_positions[None, :, :]

if __name__ == "__main__":
    import jax
    _d = setup_inputs()
    print(jax.jit(kernel)(*tuple(_d.values())))

</pallas_src>

<mosaic_0001>
#map = affine_map<(d0, d1) -> (0, 0)>
module attributes {stable_mosaic.version = 14 : i64} {
  func.func @_emb_body(%arg0: i32, %arg1: i32, %arg2: memref<2048x100xi32, #tpu.memory_space<hbm>>, %arg3: memref<100000x128xf32, #tpu.memory_space<hbm>>, %arg4: memref<200x128xf32, #tpu.memory_space<hbm>>, %arg5: memref<204800x128xf32, #tpu.memory_space<hbm>>, %arg6: memref<200x128xf32, #tpu.memory_space<vmem>>, %arg7: memref<64x100xi32, #tpu.memory_space<vmem>>, %arg8: memref<200x128xf32, #tpu.memory_space<vmem>>, %arg9: memref<200x128xf32, #tpu.memory_space<vmem>>, %arg10: memref<200x128xf32, #tpu.memory_space<vmem>>, %arg11: memref<!tpu.dma_semaphore, #tpu.memory_space<semaphore_mem>>, %arg12: memref<!tpu.dma_semaphore, #tpu.memory_space<semaphore_mem>>, %arg13: memref<!tpu.dma_semaphore, #tpu.memory_space<semaphore_mem>>, %arg14: memref<!tpu.dma_semaphore, #tpu.memory_space<semaphore_mem>>, %arg15: memref<!tpu.dma_semaphore, #tpu.memory_space<semaphore_mem>>, %arg16: memref<!tpu.dma_semaphore, #tpu.memory_space<semaphore_mem>>, %arg17: memref<!tpu.dma_semaphore, #tpu.memory_space<semaphore_mem>>, %arg18: memref<!tpu.dma_semaphore, #tpu.memory_space<semaphore_mem>>) attributes {dimension_semantics = [#tpu.dimension_semantics<core_parallel>, #tpu.dimension_semantics<subcore_parallel>], iteration_bounds = array<i64: 2, 16>, scalar_prefetch = 0 : i64, scratch_operands = 13 : i64, tpu.core_type = #tpu.core_type<sc_vector_subcore>, window_params = [{transform_indices = #map}, {transform_indices = #map}, {transform_indices = #map}, {transform_indices = #map}]} {
    %mul3A = arith.constant 16 : i32
    %mul3A_0 = arith.muli %arg0, %mul3A : i32
    %add3A = arith.addi %mul3A_0, %arg1 : i32
    %mul3A_1 = arith.constant 32 : i32
    %mul3A_2 = arith.muli %add3A, %mul3A_1 : i32
    %mul3A_3 = arith.constant 2 : i32
    %mul3A_4 = arith.muli %mul3A_2, %mul3A_3 : i32
    %dma_start3A = arith.constant 0 : i32
    %dma_start3A_5 = tpu.memref_slice %arg2[%mul3A_4, %dma_start3A] : memref<2048x100xi32, #tpu.memory_space<hbm>> -> memref<64x100xi32, #tpu.memory_space<hbm>>
    %dma_start3A_6 = arith.constant 0 : i32
    %dma_start3A_7 = tpu.memref_slice %arg2[%mul3A_4, %dma_start3A_6] : memref<2048x100xi32, #tpu.memory_space<hbm>> -> memref<64x100xi32, #tpu.memory_space<hbm>>
    tpu.enqueue_dma source(%dma_start3A_7 : memref<64x100xi32, #tpu.memory_space<hbm>>) target(%arg7 : memref<64x100xi32, #tpu.memory_space<vmem>>) target_semaphore(%arg17 : memref<!tpu.dma_semaphore, #tpu.memory_space<semaphore_mem>>)
    tpu.enqueue_dma source(%arg4 : memref<200x128xf32, #tpu.memory_space<hbm>>) target(%arg6 : memref<200x128xf32, #tpu.memory_space<vmem>>) target_semaphore(%arg18 : memref<!tpu.dma_semaphore, #tpu.memory_space<semaphore_mem>>)
    %dma_wait3A = arith.constant 0 : i32
    %dma_wait3A_8 = tpu.memref_slice %arg2[%mul3A_4, %dma_wait3A] : memref<2048x100xi32, #tpu.memory_space<hbm>> -> memref<64x100xi32, #tpu.memory_space<hbm>>
    %dma_wait3A_9 = arith.constant 0 : i32
    %dma_wait3A_10 = tpu.memref_slice %arg2[%mul3A_4, %dma_wait3A_9] : memref<2048x100xi32, #tpu.memory_space<hbm>> -> memref<64x100xi32, #tpu.memory_space<hbm>>
    tpu.wait_dma2 semaphore(%arg17 : memref<!tpu.dma_semaphore, #tpu.memory_space<semaphore_mem>>) src(%dma_wait3A_10 : memref<64x100xi32, #tpu.memory_space<hbm>>) dst(%arg7 : memref<64x100xi32, #tpu.memory_space<vmem>>)
    %dma_start3A_11 = arith.constant 0 : i32
    %dma_start3A_12 = arith.constant 0 : i32
    %dma_start3A_13 = arith.constant 0 : i32
    %dma_start3A_14 = tpu.memref_slice %arg8[%dma_start3A_12, %dma_start3A_13] : memref<200x128xf32, #tpu.memory_space<vmem>> -> memref<100x128xf32, #tpu.memory_space<vmem>>
    %dma_start3A_15 = arith.constant 0 : i32
    %dma_start3A_16 = tpu.memref_slice %arg7[%dma_start3A_11, %dma_start3A_15] : memref<64x100xi32, #tpu.memory_space<vmem>> -> memref<1x100xi32, #tpu.memory_space<vmem>>
    %dma_start3A_17 = tpu.memref_squeeze %dma_start3A_16 : memref<1x100xi32, #tpu.memory_space<vmem>> -> memref<100xi32, #tpu.memory_space<vmem>>
    %dma_start3A_18 = arith.constant 0 : i32
    %dma_start3A_19 = arith.constant 0 : i32
    %dma_start3A_20 = tpu.memref_slice %arg3[%dma_start3A_18, %dma_start3A_19] : memref<100000x128xf32, #tpu.memory_space<hbm>> -> memref<100000x128xf32, #tpu.memory_space<hbm>>
    tpu.enqueue_indirect_dma source(%dma_start3A_20 : memref<100000x128xf32, #tpu.memory_space<hbm>>) target(%dma_start3A_14 : memref<100x128xf32, #tpu.memory_space<vmem>>) offsets(%dma_start3A_17 : memref<100xi32, #tpu.memory_space<vmem>>) semaphore(%arg11 : memref<!tpu.dma_semaphore, #tpu.memory_space<semaphore_mem>>)
    %dma_start3A_21 = arith.constant 1 : i32
    %dma_start3A_22 = arith.constant 100 : i32
    %dma_start3A_23 = arith.constant 0 : i32
    %dma_start3A_24 = tpu.memref_slice %arg8[%dma_start3A_22, %dma_start3A_23] : memref<200x128xf32, #tpu.memory_space<vmem>> -> memref<100x128xf32, #tpu.memory_space<vmem>>
    %dma_start3A_25 = arith.constant 0 : i32
    %dma_start3A_26 = tpu.memref_slice %arg7[%dma_start3A_21, %dma_start3A_25] : memref<64x100xi32, #tpu.memory_space<vmem>> -> memref<1x100xi32, #tpu.memory_space<vmem>>
    %dma_start3A_27 = tpu.memref_squeeze %dma_start3A_26 : memref<1x100xi32, #tpu.memory_space<vmem>> -> memref<100xi32, #tpu.memory_space<vmem>>
    %dma_start3A_28 = arith.constant 0 : i32
    %dma_start3A_29 = arith.constant 0 : i32
    %dma_start3A_30 = tpu.memref_slice %arg3[%dma_start3A_28, %dma_start3A_29] : memref<100000x128xf32, #tpu.memory_space<hbm>> -> memref<100000x128xf32, #tpu.memory_space<hbm>>
    tpu.enqueue_indirect_dma source(%dma_start3A_30 : memref<100000x128xf32, #tpu.memory_space<hbm>>) target(%dma_start3A_24 : memref<100x128xf32, #tpu.memory_space<vmem>>) offsets(%dma_start3A_27 : memref<100xi32, #tpu.memory_space<vmem>>) semaphore(%arg11 : memref<!tpu.dma_semaphore, #tpu.memory_space<semaphore_mem>>)
    %dma_start3A_31 = arith.constant 2 : i32
    %dma_start3A_32 = arith.constant 0 : i32
    %dma_start3A_33 = arith.constant 0 : i32
    %dma_start3A_34 = tpu.memref_slice %arg9[%dma_start3A_32, %dma_start3A_33] : memref<200x128xf32, #tpu.memory_space<vmem>> -> memref<100x128xf32, #tpu.memory_space<vmem>>
    %dma_start3A_35 = arith.constant 0 : i32
    %dma_start3A_36 = tpu.memref_slice %arg7[%dma_start3A_31, %dma_start3A_35] : memref<64x100xi32, #tpu.memory_space<vmem>> -> memref<1x100xi32, #tpu.memory_space<vmem>>
    %dma_start3A_37 = tpu.memref_squeeze %dma_start3A_36 : memref<1x100xi32, #tpu.memory_space<vmem>> -> memref<100xi32, #tpu.memory_space<vmem>>
    %dma_start3A_38 = arith.constant 0 : i32
    %dma_start3A_39 = arith.constant 0 : i32
    %dma_start3A_40 = tpu.memref_slice %arg3[%dma_start3A_38, %dma_start3A_39] : memref<100000x128xf32, #tpu.memory_space<hbm>> -> memref<100000x128xf32, #tpu.memory_space<hbm>>
    tpu.enqueue_indirect_dma source(%dma_start3A_40 : memref<100000x128xf32, #tpu.memory_space<hbm>>) target(%dma_start3A_34 : memref<100x128xf32, #tpu.memory_space<vmem>>) offsets(%dma_start3A_37 : memref<100xi32, #tpu.memory_space<vmem>>) semaphore(%arg12 : memref<!tpu.dma_semaphore, #tpu.memory_space<semaphore_mem>>)
    %dma_start3A_41 = arith.constant 3 : i32
    %dma_start3A_42 = arith.constant 100 : i32
    %dma_start3A_43 = arith.constant 0 : i32
    %dma_start3A_44 = tpu.memref_slice %arg9[%dma_start3A_42, %dma_start3A_43] : memref<200x128xf32, #tpu.memory_space<vmem>> -> memref<100x128xf32, #tpu.memory_space<vmem>>
    %dma_start3A_45 = arith.constant 0 : i32
    %dma_start3A_46 = tpu.memref_slice %arg7[%dma_start3A_41, %dma_start3A_45] : memref<64x100xi32, #tpu.memory_space<vmem>> -> memref<1x100xi32, #tpu.memory_space<vmem>>
    %dma_start3A_47 = tpu.memref_squeeze %dma_start3A_46 : memref<1x100xi32, #tpu.memory_space<vmem>> -> memref<100xi32, #tpu.memory_space<vmem>>
    %dma_start3A_48 = arith.constant 0 : i32
    %dma_start3A_49 = arith.constant 0 : i32
    %dma_start3A_50 = tpu.memref_slice %arg3[%dma_start3A_48, %dma_start3A_49] : memref<100000x128xf32, #tpu.memory_space<hbm>> -> memref<100000x128xf32, #tpu.memory_space<hbm>>
    tpu.enqueue_indirect_dma source(%dma_start3A_50 : memref<100000x128xf32, #tpu.memory_space<hbm>>) target(%dma_start3A_44 : memref<100x128xf32, #tpu.memory_space<vmem>>) offsets(%dma_start3A_47 : memref<100xi32, #tpu.memory_space<vmem>>) semaphore(%arg12 : memref<!tpu.dma_semaphore, #tpu.memory_space<semaphore_mem>>)
    %dma_wait3A_51 = arith.constant 0 : i32
    %dma_wait3A_52 = arith.constant 0 : i32
    %dma_wait3A_53 = tpu.memref_slice %arg3[%dma_wait3A_51, %dma_wait3A_52] : memref<100000x128xf32, #tpu.memory_space<hbm>> -> memref<200x128xf32, #tpu.memory_space<hbm>>
    %dma_wait3A_54 = arith.constant 0 : i32
    %dma_wait3A_55 = arith.constant 0 : i32
    %dma_wait3A_56 = tpu.memref_slice %arg3[%dma_wait3A_54, %dma_wait3A_55] : memref<100000x128xf32, #tpu.memory_space<hbm>> -> memref<200x128xf32, #tpu.memory_space<hbm>>
    tpu.wait_dma2 semaphore(%arg11 : memref<!tpu.dma_semaphore, #tpu.memory_space<semaphore_mem>>) src(%dma_wait3A_56 : memref<200x128xf32, #tpu.memory_space<hbm>>) dst(%arg8 : memref<200x128xf32, #tpu.memory_space<vmem>>)
    %dma_start3A_57 = arith.constant 4 : i32
    %dma_start3A_58 = arith.constant 0 : i32
    %dma_start3A_59 = arith.constant 0 : i32
    %dma_start3A_60 = tpu.memref_slice %arg10[%dma_start3A_58, %dma_start3A_59] : memref<200x128xf32, #tpu.memory_space<vmem>> -> memref<100x128xf32, #tpu.memory_space<vmem>>
    %dma_start3A_61 = arith.constant 0 : i32
    %dma_start3A_62 = tpu.memref_slice %arg7[%dma_start3A_57, %dma_start3A_61] : memref<64x100xi32, #tpu.memory_space<vmem>> -> memref<1x100xi32, #tpu.memory_space<vmem>>
    %dma_start3A_63 = tpu.memref_squeeze %dma_start3A_62 : memref<1x100xi32, #tpu.memory_space<vmem>> -> memref<100xi32, #tpu.memory_space<vmem>>
    %dma_start3A_64 = arith.constant 0 : i32
    %dma_start3A_65 = arith.constant 0 : i32
    %dma_start3A_66 = tpu.memref_slice %arg3[%dma_start3A_64, %dma_start3A_65] : memref<100000x128xf32, #tpu.memory_space<hbm>> -> memref<100000x128xf32, #tpu.memory_space<hbm>>
    tpu.enqueue_indirect_dma source(%dma_start3A_66 : memref<100000x128xf32, #tpu.memory_space<hbm>>) target(%dma_start3A_60 : memref<100x128xf32, #tpu.memory_space<vmem>>) offsets(%dma_start3A_63 : memref<100xi32, #tpu.memory_space<vmem>>) semaphore(%arg13 : memref<!tpu.dma_semaphore, #tpu.memory_space<semaphore_mem>>)
    %dma_start3A_67 = arith.constant 5 : i32
    %dma_start3A_68 = arith.constant 100 : i32
    %dma_start3A_69 = arith.constant 0 : i32
    %dma_start3A_70 = tpu.memref_slice %arg10[%dma_start3A_68, %dma_start3A_69] : memref<200x128xf32, #tpu.memory_space<vmem>> -> memref<100x128xf32, #tpu.memory_space<vmem>>
    %dma_start3A_71 = arith.constant 0 : i32
    %dma_start3A_72 = tpu.memref_slice %arg7[%dma_start3A_67, %dma_start3A_71] : memref<64x100xi32, #tpu.memory_space<vmem>> -> memref<1x100xi32, #tpu.memory_space<vmem>>
    %dma_start3A_73 = tpu.memref_squeeze %dma_start3A_72 : memref<1x100xi32, #tpu.memory_space<vmem>> -> memref<100xi32, #tpu.memory_space<vmem>>
    %dma_start3A_74 = arith.constant 0 : i32
    %dma_start3A_75 = arith.constant 0 : i32
    %dma_start3A_76 = tpu.memref_slice %arg3[%dma_start3A_74, %dma_start3A_75] : memref<100000x128xf32, #tpu.memory_space<hbm>> -> memref<100000x128xf32, #tpu.memory_space<hbm>>
    tpu.enqueue_indirect_dma source(%dma_start3A_76 : memref<100000x128xf32, #tpu.memory_space<hbm>>) target(%dma_start3A_70 : memref<100x128xf32, #tpu.memory_space<vmem>>) offsets(%dma_start3A_73 : memref<100xi32, #tpu.memory_space<vmem>>) semaphore(%arg13 : memref<!tpu.dma_semaphore, #tpu.memory_space<semaphore_mem>>)
    tpu.wait_dma2 semaphore(%arg18 : memref<!tpu.dma_semaphore, #tpu.memory_space<semaphore_mem>>) src(%arg4 : memref<200x128xf32, #tpu.memory_space<hbm>>) dst(%arg6 : memref<200x128xf32, #tpu.memory_space<vmem>>)
    %scan3A = arith.constant 0 : i32
    %scan3A_77 = arith.constant 0 : i32
    %scan3A_78 = arith.constant 104 : i32
    %scan3A_79 = arith.addi %scan3A_77, %scan3A_78 : i32
    %scan3A_80 = arith.constant 1 : i32
    scf.for %scan3A_396 = %scan3A_77 to %scan3A_79 step %scan3A_80  : i32 {
      %get3A = arith.index_cast %scan3A_396 : i32 to index
      %get3A_397 = arith.constant 0 : index
      %get3A_398 = tpu.vector_load %arg8[%get3A, %get3A_397] {strides = array<i32>} : memref<200x128xf32, #tpu.memory_space<vmem>>, vector<1x16xf32>,
      %get3A_399 = vector.shape_cast %get3A_398 : vector<1x16xf32> to vector<16xf32>
      %get3A_400 = arith.index_cast %scan3A_396 : i32 to index
      %get3A_401 = arith.constant 0 : index
      %get3A_402 = tpu.vector_load %arg6[%get3A_400, %get3A_401] {strides = array<i32>} : memref<200x128xf32, #tpu.memory_space<vmem>>, vector<1x16xf32>,
      %get3A_403 = vector.shape_cast %get3A_402 : vector<1x16xf32> to vector<16xf32>
      %add3A_404 = arith.addf %get3A_399, %get3A_403 : vector<16xf32>
      %swap3A = arith.index_cast %scan3A_396 : i32 to index
      %swap3A_405 = arith.constant 0 : index
      %swap3A_406 = tpu.vector_load %arg8[%swap3A, %swap3A_405] {strides = array<i32>} : memref<200x128xf32, #tpu.memory_space<vmem>>, vector<1x16xf32>,
      %swap3A_407 = vector.shape_cast %swap3A_406 : vector<1x16xf32> to vector<16xf32>
      %swap3A_408 = vector.shape_cast %add3A_404 : vector<16xf32> to vector<1x16xf32>
      tpu.vector_store %arg8[%swap3A, %swap3A_405], %swap3A_408 {strides = array<i32>} : memref<200x128xf32, #tpu.memory_space<vmem>>, vector<1x16xf32>,
      %get3A_409 = arith.index_cast %scan3A_396 : i32 to index
      %get3A_410 = arith.constant 16 : index
      %get3A_411 = tpu.vector_load %arg8[%get3A_409, %get3A_410] {strides = array<i32>} : memref<200x128xf32, #tpu.memory_space<vmem>>, vector<1x16xf32>,
      %get3A_412 = vector.shape_cast %get3A_411 : vector<1x16xf32> to vector<16xf32>
      %get3A_413 = arith.index_cast %scan3A_396 : i32 to index
      %get3A_414 = arith.constant 16 : index
      %get3A_415 = tpu.vector_load %arg6[%get3A_413, %get3A_414] {strides = array<i32>} : memref<200x128xf32, #tpu.memory_space<vmem>>, vector<1x16xf32>,
      %get3A_416 = vector.shape_cast %get3A_415 : vector<1x16xf32> to vector<16xf32>
      %add3A_417 = arith.addf %get3A_412, %get3A_416 : vector<16xf32>
      %swap3A_418 = arith.index_cast %scan3A_396 : i32 to index
      %swap3A_419 = arith.constant 16 : index
      %swap3A_420 = tpu.vector_load %arg8[%swap3A_418, %swap3A_419] {strides = array<i32>} : memref<200x128xf32, #tpu.memory_space<vmem>>, vector<1x16xf32>,
      %swap3A_421 = vector.shape_cast %swap3A_420 : vector<1x16xf32> to vector<16xf32>
      %swap3A_422 = vector.shape_cast %add3A_417 : vector<16xf32> to vector<1x16xf32>
      tpu.vector_store %arg8[%swap3A_418, %swap3A_419], %swap3A_422 {strides = array<i32>} : memref<200x128xf32, #tpu.memory_space<vmem>>, vector<1x16xf32>,
      %get3A_423 = arith.index_cast %scan3A_396 : i32 to index
      %get3A_424 = arith.constant 32 : index
      %get3A_425 = tpu.vector_load %arg8[%get3A_423, %get3A_424] {strides = array<i32>} : memref<200x128xf32, #tpu.memory_space<vmem>>, vector<1x16xf32>,
      %get3A_426 = vector.shape_cast %get3A_425 : vector<1x16xf32> to vector<16xf32>
      %get3A_427 = arith.index_cast %scan3A_396 : i32 to index
      %get3A_428 = arith.constant 32 : index
      %get3A_429 = tpu.vector_load %arg6[%get3A_427, %get3A_428] {strides = array<i32>} : memref<200x128xf32, #tpu.memory_space<vmem>>, vector<1x16xf32>,
      %get3A_430 = vector.shape_cast %get3A_429 : vector<1x16xf32> to vector<16xf32>
      %add3A_431 = arith.addf %get3A_426, %get3A_430 : vector<16xf32>
      %swap3A_432 = arith.index_cast %scan3A_396 : i32 to index
      %swap3A_433 = arith.constant 32 : index
      %swap3A_434 = tpu.vector_load %arg8[%swap3A_432, %swap3A_433] {strides = array<i32>} : memref<200x128xf32, #tpu.memory_space<vmem>>, vector<1x16xf32>,
      %swap3A_435 = vector.shape_cast %swap3A_434 : vector<1x16xf32> to vector<16xf32>
      %swap3A_436 = vector.shape_cast %add3A_431 : vector<16xf32> to vector<1x16xf32>
      tpu.vector_store %arg8[%swap3A_432, %swap3A_433], %swap3A_436 {strides = array<i32>} : memref<200x128xf32, #tpu.memory_space<vmem>>, vector<1x16xf32>,
      %get3A_437 = arith.index_cast %scan3A_396 : i32 to index
      %get3A_438 = arith.constant 48 : index
      %get3A_439 = tpu.vector_load %arg8[%get3A_437, %get3A_438] {strides = array<i32>} : memref<200x128xf32, #tpu.memory_space<vmem>>, vector<1x16xf32>,
      %get3A_440 = vector.shape_cast %get3A_439 : vector<1x16xf32> to vector<16xf32>
      %get3A_441 = arith.index_cast %scan3A_396 : i32 to index
      %get3A_442 = arith.constant 48 : index
      %get3A_443 = tpu.vector_load %arg6[%get3A_441, %get3A_442] {strides = array<i32>} : memref<200x128xf32, #tpu.memory_space<vmem>>, vector<1x16xf32>,
      %get3A_444 = vector.shape_cast %get3A_443 : vector<1x16xf32> to vector<16xf32>
      %add3A_445 = arith.addf %get3A_440, %get3A_444 : vector<16xf32>
      %swap3A_446 = arith.index_cast %scan3A_396 : i32 to index
      %swap3A_447 = arith.constant 48 : index
      %swap3A_448 = tpu.vector_load %arg8[%swap3A_446, %swap3A_447] {strides = array<i32>} : memref<200x128xf32, #tpu.memory_space<vmem>>, vector<1x16xf32>,
      %swap3A_449 = vector.shape_cast %swap3A_448 : vector<1x16xf32> to vector<16xf32>
      %swap3A_450 = vector.shape_cast %add3A_445 : vector<16xf32> to vector<1x16xf32>
      tpu.vector_store %arg8[%swap3A_446, %swap3A_447], %swap3A_450 {strides = array<i32>} : memref<200x128xf32, #tpu.memory_space<vmem>>, vector<1x16xf32>,
      %get3A_451 = arith.index_cast %scan3A_396 : i32 to index
      %get3A_452 = arith.constant 64 : index
      %get3A_453 = tpu.vector_load %arg8[%get3A_451, %get3A_452] {strides = array<i32>} : memref<200x128xf32, #tpu.memory_space<vmem>>, vector<1x16xf32>,
      %get3A_454 = vector.shape_cast %get3A_453 : vector<1x16xf32> to vector<16xf32>
      %get3A_455 = arith.index_cast %scan3A_396 : i32 to index
      %get3A_456 = arith.constant 64 : index
      %get3A_457 = tpu.vector_load %arg6[%get3A_455, %get3A_456] {strides = array<i32>} : memref<200x128xf32, #tpu.memory_space<vmem>>, vector<1x16xf32>,
      %get3A_458 = vector.shape_cast %get3A_457 : vector<1x16xf32> to vector<16xf32>
      %add3A_459 = arith.addf %get3A_454, %get3A_458 : vector<16xf32>
      %swap3A_460 = arith.index_cast %scan3A_396 : i32 to index
      %swap3A_461 = arith.constant 64 : index
      %swap3A_462 = tpu.vector_load %arg8[%swap3A_460, %swap3A_461] {strides = array<i32>} : memref<200x128xf32, #tpu.memory_space<vmem>>, vector<1x16xf32>,
      %swap3A_463 = vector.shape_cast %swap3A_462 : vector<1x16xf32> to vector<16xf32>
      %swap3A_464 = vector.shape_cast %add3A_459 : vector<16xf32> to vector<1x16xf32>
      tpu.vector_store %arg8[%swap3A_460, %swap3A_461], %swap3A_464 {strides = array<i32>} : memref<200x128xf32, #tpu.memory_space<vmem>>, vector<1x16xf32>,
      %get3A_465 = arith.index_cast %scan3A_396 : i32 to index
      %get3A_466 = arith.constant 80 : index
      %get3A_467 = tpu.vector_load %arg8[%get3A_465, %get3A_466] {strides = array<i32>} : memref<200x128xf32, #tpu.memory_space<vmem>>, vector<1x16xf32>,
      %get3A_468 = vector.shape_cast %get3A_467 : vector<1x16xf32> to vector<16xf32>
      %get3A_469 = arith.index_cast %scan3A_396 : i32 to index
      %get3A_470 = arith.constant 80 : index
      %get3A_471 = tpu.vector_load %arg6[%get3A_469, %get3A_470] {strides = array<i32>} : memref<200x128xf32, #tpu.memory_space<vmem>>, vector<1x16xf32>,
      %get3A_472 = vector.shape_cast %get3A_471 : vector<1x16xf32> to vector<16xf32>
      %add3A_473 = arith.addf %get3A_468, %get3A_472 : vector<16xf32>
      %swap3A_474 = arith.index_cast %scan3A_396 : i32 to index
      %swap3A_475 = arith.constant 80 : index
      %swap3A_476 = tpu.vector_load %arg8[%swap3A_474, %swap3A_475] {strides = array<i32>} : memref<200x128xf32, #tpu.memory_space<vmem>>, vector<1x16xf32>,
      %swap3A_477 = vector.shape_cast %swap3A_476 : vector<1x16xf32> to vector<16xf32>
      %swap3A_478 = vector.shape_cast %add3A_473 : vector<16xf32> to vector<1x16xf32>
      tpu.vector_store %arg8[%swap3A_474, %swap3A_475], %swap3A_478 {strides = array<i32>} : memref<200x128xf32, #tpu.memory_space<vmem>>, vector<1x16xf32>,
      %get3A_479 = arith.index_cast %scan3A_396 : i32 to index
      %get3A_480 = arith.constant 96 : index
      %get3A_481 = tpu.vector_load %arg8[%get3A_479, %get3A_480] {strides = array<i32>} : memref<200x128xf32, #tpu.memory_space<vmem>>, vector<1x16xf32>,
      %get3A_482 = vector.shape_cast %get3A_481 : vector<1x16xf32> to vector<16xf32>
      %get3A_483 = arith.index_cast %scan3A_396 : i32 to index
      %get3A_484 = arith.constant 96 : index
      %get3A_485 = tpu.vector_load %arg6[%get3A_483, %get3A_484] {strides = array<i32>} : memref<200x128xf32, #tpu.memory_space<vmem>>, vector<1x16xf32>,
      %get3A_486 = vector.shape_cast %get3A_485 : vector<1x16xf32> to vector<16xf32>
      %add3A_487 = arith.addf %get3A_482, %get3A_486 : vector<16xf32>
      %swap3A_488 = arith.index_cast %scan3A_396 : i32 to index
      %swap3A_489 = arith.constant 96 : index
      %swap3A_490 = tpu.vector_load %arg8[%swap3A_488, %swap3A_489] {strides = array<i32>} : memref<200x128xf32, #tpu.memory_space<vmem>>, vector<1x16xf32>,
      %swap3A_491 = vector.shape_cast %swap3A_490 : vector<1x16xf32> to vector<16xf32>
      %swap3A_492 = vector.shape_cast %add3A_487 : vector<16xf32> to vector<1x16xf32>
      tpu.vector_store %arg8[%swap3A_488, %swap3A_489], %swap3A_492 {strides = array<i32>} : memref<200x128xf32, #tpu.memory_space<vmem>>, vector<1x16xf32>,
      %get3A_493 = arith.index_cast %scan3A_396 : i32 to index
      %get3A_494 = arith.constant 112 : index
      %get3A_495 = tpu.vector_load %arg8[%get3A_493, %get3A_494] {strides = array<i32>} : memref<200x128xf32, #tpu.memory_space<vmem>>, vector<1x16xf32>,
      %get3A_496 = vector.shape_cast %get3A_495 : vector<1x16xf32> to vector<16xf32>
      %get3A_497 = arith.index_cast %scan3A_396 : i32 to index
      %get3A_498 = arith.constant 112 : index
      %get3A_499 = tpu.vector_load %arg6[%get3A_497, %get3A_498] {strides = array<i32>} : memref<200x128xf32, #tpu.memory_space<vmem>>, vector<1x16xf32>,
      %get3A_500 = vector.shape_cast %get3A_499 : vector<1x16xf32> to vector<16xf32>
      %add3A_501 = arith.addf %get3A_496, %get3A_500 : vector<16xf32>
      %swap3A_502 = arith.index_cast %scan3A_396 : i32 to index
      %swap3A_503 = arith.constant 112 : index
      %swap3A_504 = tpu.vector_load %arg8[%swap3A_502, %swap3A_503] {strides = array<i32>} : memref<200x128xf32, #tpu.memory_space<vmem>>, vector<1x16xf32>,
      %swap3A_505 = vector.shape_cast %swap3A_504 : vector<1x16xf32> to vector<16xf32>
      %swap3A_506 = vector.shape_cast %add3A_501 : vector<16xf32> to vector<1x16xf32>
      tpu.vector_store %arg8[%swap3A_502, %swap3A_503], %swap3A_506 {strides = array<i32>} : memref<200x128xf32, #tpu.memory_space<vmem>>, vector<1x16xf32>,
    }
    %scan3A_81 = arith.constant 104 : i32
    %add3A_82 = arith.constant 0 : i32
    %add3A_83 = arith.addi %mul3A_2, %add3A_82 : i32
    %mul3A_84 = arith.constant 200 : i32
    %mul3A_85 = arith.muli %add3A_83, %mul3A_84 : i32
    %add3A_86 = arith.constant 0 : i32
    %add3A_87 = arith.addi %mul3A_85, %add3A_86 : i32
    %dma_start3A_88 = arith.constant 0 : i32
    %dma_start3A_89 = arith.constant 0 : i32
    %dma_start3A_90 = tpu.memref_slice %arg8[%dma_start3A_88, %dma_start3A_89] : memref<200x128xf32, #tpu.memory_space<vmem>> -> memref<104x128xf32, #tpu.memory_space<vmem>>
    %dma_start3A_91 = arith.constant 0 : i32
    %dma_start3A_92 = tpu.memref_slice %arg5[%add3A_87, %dma_start3A_91] : memref<204800x128xf32, #tpu.memory_space<hbm>> -> memref<104x128xf32, #tpu.memory_space<hbm>>
    %dma_start3A_93 = arith.constant 0 : i32
    %dma_start3A_94 = tpu.memref_slice %arg5[%add3A_87, %dma_start3A_93] : memref<204800x128xf32, #tpu.memory_space<hbm>> -> memref<104x128xf32, #tpu.memory_space<hbm>>
    %dma_start3A_95 = arith.constant 0 : i32
    %dma_start3A_96 = arith.constant 0 : i32
    %dma_start3A_97 = tpu.memref_slice %arg8[%dma_start3A_95, %dma_start3A_96] : memref<200x128xf32, #tpu.memory_space<vmem>> -> memref<104x128xf32, #tpu.memory_space<vmem>>
    tpu.enqueue_dma source(%dma_start3A_97 : memref<104x128xf32, #tpu.memory_space<vmem>>) target(%dma_start3A_94 : memref<104x128xf32, #tpu.memory_space<hbm>>) target_semaphore(%arg14 : memref<!tpu.dma_semaphore, #tpu.memory_space<semaphore_mem>>)
    %scan3A_98 = arith.constant 0 : i32
    %scan3A_99 = arith.constant 104 : i32
    %scan3A_100 = arith.constant 96 : i32
    %scan3A_101 = arith.addi %scan3A_99, %scan3A_100 : i32
    %scan3A_102 = arith.constant 1 : i32
    scf.for %scan3A_396 = %scan3A_99 to %scan3A_101 step %scan3A_102  : i32 {
      %get3A = arith.index_cast %scan3A_396 : i32 to index
      %get3A_397 = arith.constant 0 : index
      %get3A_398 = tpu.vector_load %arg8[%get3A, %get3A_397] {strides = array<i32>} : memref<200x128xf32, #tpu.memory_space<vmem>>, vector<1x16xf32>,
      %get3A_399 = vector.shape_cast %get3A_398 : vector<1x16xf32> to vector<16xf32>
      %get3A_400 = arith.index_cast %scan3A_396 : i32 to index
      %get3A_401 = arith.constant 0 : index
      %get3A_402 = tpu.vector_load %arg6[%get3A_400, %get3A_401] {strides = array<i32>} : memref<200x128xf32, #tpu.memory_space<vmem>>, vector<1x16xf32>,
      %get3A_403 = vector.shape_cast %get3A_402 : vector<1x16xf32> to vector<16xf32>
      %add3A_404 = arith.addf %get3A_399, %get3A_403 : vector<16xf32>
      %swap3A = arith.index_cast %scan3A_396 : i32 to index
      %swap3A_405 = arith.constant 0 : index
      %swap3A_406 = tpu.vector_load %arg8[%swap3A, %swap3A_405] {strides = array<i32>} : memref<200x128xf32, #tpu.memory_space<vmem>>, vector<1x16xf32>,
      %swap3A_407 = vector.shape_cast %swap3A_406 : vector<1x16xf32> to vector<16xf32>
      %swap3A_408 = vector.shape_cast %add3A_404 : vector<16xf32> to vector<1x16xf32>
      tpu.vector_store %arg8[%swap3A, %swap3A_405], %swap3A_408 {strides = array<i32>} : memref<200x128xf32, #tpu.memory_space<vmem>>, vector<1x16xf32>,
      %get3A_409 = arith.index_cast %scan3A_396 : i32 to index
      %get3A_410 = arith.constant 16 : index
      %get3A_411 = tpu.vector_load %arg8[%get3A_409, %get3A_410] {strides = array<i32>} : memref<200x128xf32, #tpu.memory_space<vmem>>, vector<1x16xf32>,
      %get3A_412 = vector.shape_cast %get3A_411 : vector<1x16xf32> to vector<16xf32>
      %get3A_413 = arith.index_cast %scan3A_396 : i32 to index
      %get3A_414 = arith.constant 16 : index
      %get3A_415 = tpu.vector_load %arg6[%get3A_413, %get3A_414] {strides = array<i32>} : memref<200x128xf32, #tpu.memory_space<vmem>>, vector<1x16xf32>,
      %get3A_416 = vector.shape_cast %get3A_415 : vector<1x16xf32> to vector<16xf32>
      %add3A_417 = arith.addf %get3A_412, %get3A_416 : vector<16xf32>
      %swap3A_418 = arith.index_cast %scan3A_396 : i32 to index
      %swap3A_419 = arith.constant 16 : index
      %swap3A_420 = tpu.vector_load %arg8[%swap3A_418, %swap3A_419] {strides = array<i32>} : memref<200x128xf32, #tpu.memory_space<vmem>>, vector<1x16xf32>,
      %swap3A_421 = vector.shape_cast %swap3A_420 : vector<1x16xf32> to vector<16xf32>
      %swap3A_422 = vector.shape_cast %add3A_417 : vector<16xf32> to vector<1x16xf32>
      tpu.vector_store %arg8[%swap3A_418, %swap3A_419], %swap3A_422 {strides = array<i32>} : memref<200x128xf32, #tpu.memory_space<vmem>>, vector<1x16xf32>,
      %get3A_423 = arith.index_cast %scan3A_396 : i32 to index
      %get3A_424 = arith.constant 32 : index
      %get3A_425 = tpu.vector_load %arg8[%get3A_423, %get3A_424] {strides = array<i32>} : memref<200x128xf32, #tpu.memory_space<vmem>>, vector<1x16xf32>,
      %get3A_426 = vector.shape_cast %get3A_425 : vector<1x16xf32> to vector<16xf32>
      %get3A_427 = arith.index_cast %scan3A_396 : i32 to index
      %get3A_428 = arith.constant 32 : index
      %get3A_429 = tpu.vector_load %arg6[%get3A_427, %get3A_428] {strides = array<i32>} : memref<200x128xf32, #tpu.memory_space<vmem>>, vector<1x16xf32>,
      %get3A_430 = vector.shape_cast %get3A_429 : vector<1x16xf32> to vector<16xf32>
      %add3A_431 = arith.addf %get3A_426, %get3A_430 : vector<16xf32>
      %swap3A_432 = arith.index_cast %scan3A_396 : i32 to index
      %swap3A_433 = arith.constant 32 : index
      %swap3A_434 = tpu.vector_load %arg8[%swap3A_432, %swap3A_433] {strides = array<i32>} : memref<200x128xf32, #tpu.memory_space<vmem>>, vector<1x16xf32>,
      %swap3A_435 = vector.shape_cast %swap3A_434 : vector<1x16xf32> to vector<16xf32>
      %swap3A_436 = vector.shape_cast %add3A_431 : vector<16xf32> to vector<1x16xf32>
      tpu.vector_store %arg8[%swap3A_432, %swap3A_433], %swap3A_436 {strides = array<i32>} : memref<200x128xf32, #tpu.memory_space<vmem>>, vector<1x16xf32>,
      %get3A_437 = arith.index_cast %scan3A_396 : i32 to index
      %get3A_438 = arith.constant 48 : index
      %get3A_439 = tpu.vector_load %arg8[%get3A_437, %get3A_438] {strides = array<i32>} : memref<200x128xf32, #tpu.memory_space<vmem>>, vector<1x16xf32>,
      %get3A_440 = vector.shape_cast %get3A_439 : vector<1x16xf32> to vector<16xf32>
      %get3A_441 = arith.index_cast %scan3A_396 : i32 to index
      %get3A_442 = arith.constant 48 : index
      %get3A_443 = tpu.vector_load %arg6[%get3A_441, %get3A_442] {strides = array<i32>} : memref<200x128xf32, #tpu.memory_space<vmem>>, vector<1x16xf32>,
      %get3A_444 = vector.shape_cast %get3A_443 : vector<1x16xf32> to vector<16xf32>
      %add3A_445 = arith.addf %get3A_440, %get3A_444 : vector<16xf32>
      %swap3A_446 = arith.index_cast %scan3A_396 : i32 to index
      %swap3A_447 = arith.constant 48 : index
      %swap3A_448 = tpu.vector_load %arg8[%swap3A_446, %swap3A_447] {strides = array<i32>} : memref<200x128xf32, #tpu.memory_space<vmem>>, vector<1x16xf32>,
      %swap3A_449 = vector.shape_cast %swap3A_448 : vector<1x16xf32> to vector<16xf32>
      %swap3A_450 = vector.shape_cast %add3A_445 : vector<16xf32> to vector<1x16xf32>
      tpu.vector_store %arg8[%swap3A_446, %swap3A_447], %swap3A_450 {strides = array<i32>} : memref<200x128xf32, #tpu.memory_space<vmem>>, vector<1x16xf32>,
      %get3A_451 = arith.index_cast %scan3A_396 : i32 to index
      %get3A_452 = arith.constant 64 : index
      %get3A_453 = tpu.vector_load %arg8[%get3A_451, %get3A_452] {strides = array<i32>} : memref<200x128xf32, #tpu.memory_space<vmem>>, vector<1x16xf32>,
      %get3A_454 = vector.shape_cast %get3A_453 : vector<1x16xf32> to vector<16xf32>
      %get3A_455 = arith.index_cast %scan3A_396 : i32 to index
      %get3A_456 = arith.constant 64 : index
      %get3A_457 = tpu.vector_load %arg6[%get3A_455, %get3A_456] {strides = array<i32>} : memref<200x128xf32, #tpu.memory_space<vmem>>, vector<1x16xf32>,
      %get3A_458 = vector.shape_cast %get3A_457 : vector<1x16xf32> to vector<16xf32>
      %add3A_459 = arith.addf %get3A_454, %get3A_458 : vector<16xf32>
      %swap3A_460 = arith.index_cast %scan3A_396 : i32 to index
      %swap3A_461 = arith.constant 64 : index
      %swap3A_462 = tpu.vector_load %arg8[%swap3A_460, %swap3A_461] {strides = array<i32>} : memref<200x128xf32, #tpu.memory_space<vmem>>, vector<1x16xf32>,
      %swap3A_463 = vector.shape_cast %swap3A_462 : vector<1x16xf32> to vector<16xf32>
      %swap3A_464 = vector.shape_cast %add3A_459 : vector<16xf32> to vector<1x16xf32>
      tpu.vector_store %arg8[%swap3A_460, %swap3A_461], %swap3A_464 {strides = array<i32>} : memref<200x128xf32, #tpu.memory_space<vmem>>, vector<1x16xf32>,
      %get3A_465 = arith.index_cast %scan3A_396 : i32 to index
      %get3A_466 = arith.constant 80 : index
      %get3A_467 = tpu.vector_load %arg8[%get3A_465, %get3A_466] {strides = array<i32>} : memref<200x128xf32, #tpu.memory_space<vmem>>, vector<1x16xf32>,
      %get3A_468 = vector.shape_cast %get3A_467 : vector<1x16xf32> to vector<16xf32>
      %get3A_469 = arith.index_cast %scan3A_396 : i32 to index
      %get3A_470 = arith.constant 80 : index
      %get3A_471 = tpu.vector_load %arg6[%get3A_469, %get3A_470] {strides = array<i32>} : memref<200x128xf32, #tpu.memory_space<vmem>>, vector<1x16xf32>,
      %get3A_472 = vector.shape_cast %get3A_471 : vector<1x16xf32> to vector<16xf32>
      %add3A_473 = arith.addf %get3A_468, %get3A_472 : vector<16xf32>
      %swap3A_474 = arith.index_cast %scan3A_396 : i32 to index
      %swap3A_475 = arith.constant 80 : index
      %swap3A_476 = tpu.vector_load %arg8[%swap3A_474, %swap3A_475] {strides = array<i32>} : memref<200x128xf32, #tpu.memory_space<vmem>>, vector<1x16xf32>,
      %swap3A_477 = vector.shape_cast %swap3A_476 : vector<1x16xf32> to vector<16xf32>
      %swap3A_478 = vector.shape_cast %add3A_473 : vector<16xf32> to vector<1x16xf32>
      tpu.vector_store %arg8[%swap3A_474, %swap3A_475], %swap3A_478 {strides = array<i32>} : memref<200x128xf32, #tpu.memory_space<vmem>>, vector<1x16xf32>,
      %get3A_479 = arith.index_cast %scan3A_396 : i32 to index
      %get3A_480 = arith.constant 96 : index
      %get3A_481 = tpu.vector_load %arg8[%get3A_479, %get3A_480] {strides = array<i32>} : memref<200x128xf32, #tpu.memory_space<vmem>>, vector<1x16xf32>,
      %get3A_482 = vector.shape_cast %get3A_481 : vector<1x16xf32> to vector<16xf32>
      %get3A_483 = arith.index_cast %scan3A_396 : i32 to index
      %get3A_484 = arith.constant 96 : index
      %get3A_485 = tpu.vector_load %arg6[%get3A_483, %get3A_484] {strides = array<i32>} : memref<200x128xf32, #tpu.memory_space<vmem>>, vector<1x16xf32>,
      %get3A_486 = vector.shape_cast %get3A_485 : vector<1x16xf32> to vector<16xf32>
      %add3A_487 = arith.addf %get3A_482, %get3A_486 : vector<16xf32>
      %swap3A_488 = arith.index_cast %scan3A_396 : i32 to index
      %swap3A_489 = arith.constant 96 : index
      %swap3A_490 = tpu.vector_load %arg8[%swap3A_488, %swap3A_489] {strides = array<i32>} : memref<200x128xf32, #tpu.memory_space<vmem>>, vector<1x16xf32>,
      %swap3A_491 = vector.shape_cast %swap3A_490 : vector<1x16xf32> to vector<16xf32>
      %swap3A_492 = vector.shape_cast %add3A_487 : vector<16xf32> to vector<1x16xf32>
      tpu.vector_store %arg8[%swap3A_488, %swap3A_489], %swap3A_492 {strides = array<i32>} : memref<200x128xf32, #tpu.memory_space<vmem>>, vector<1x16xf32>,
      %get3A_493 = arith.index_cast %scan3A_396 : i32 to index
      %get3A_494 = arith.constant 112 : index
      %get3A_495 = tpu.vector_load %arg8[%get3A_493, %get3A_494] {strides = array<i32>} : memref<200x128xf32, #tpu.memory_space<vmem>>, vector<1x16xf32>,
      %get3A_496 = vector.shape_cast %get3A_495 : vector<1x16xf32> to vector<16xf32>
      %get3A_497 = arith.index_cast %scan3A_396 : i32 to index
      %get3A_498 = arith.constant 112 : index
      %get3A_499 = tpu.vector_load %arg6[%get3A_497, %get3A_498] {strides = array<i32>} : memref<200x128xf32, #tpu.memory_space<vmem>>, vector<1x16xf32>,
      %get3A_500 = vector.shape_cast %get3A_499 : vector<1x16xf32> to vector<16xf32>
      %add3A_501 = arith.addf %get3A_496, %get3A_500 : vector<16xf32>
      %swap3A_502 = arith.index_cast %scan3A_396 : i32 to index
      %swap3A_503 = arith.constant 112 : index
      %swap3A_504 = tpu.vector_load %arg8[%swap3A_502, %swap3A_503] {strides = array<i32>} : memref<200x128xf32, #tpu.memory_space<vmem>>, vector<1x16xf32>,
      %swap3A_505 = vector.shape_cast %swap3A_504 : vector<1x16xf32> to vector<16xf32>
      %swap3A_506 = vector.shape_cast %add3A_501 : vector<16xf32> to vector<1x16xf32>
      tpu.vector_store %arg8[%swap3A_502, %swap3A_503], %swap3A_506 {strides = array<i32>} : memref<200x128xf32, #tpu.memory_space<vmem>>, vector<1x16xf32>,
    }
    %scan3A_103 = arith.constant 96 : i32
    %add3A_104 = arith.constant 0 : i32
    %add3A_105 = arith.addi %mul3A_2, %add3A_104 : i32
    %mul3A_106 = arith.constant 200 : i32
    %mul3A_107 = arith.muli %add3A_105, %mul3A_106 : i32
    %add3A_108 = arith.constant 104 : i32
    %add3A_109 = arith.addi %mul3A_107, %add3A_108 : i32
    %dma_start3A_110 = arith.constant 104 : i32
    %dma_start3A_111 = arith.constant 0 : i32
    %dma_start3A_112 = tpu.memref_slice %arg8[%dma_start3A_110, %dma_start3A_111] : memref<200x128xf32, #tpu.memory_space<vmem>> -> memref<96x128xf32, #tpu.memory_space<vmem>>
    %dma_start3A_113 = arith.constant 0 : i32
    %dma_start3A_114 = tpu.memref_slice %arg5[%add3A_109, %dma_start3A_113] : memref<204800x128xf32, #tpu.memory_space<hbm>> -> memref<96x128xf32, #tpu.memory_space<hbm>>
    %dma_start3A_115 = arith.constant 0 : i32
    %dma_start3A_116 = tpu.memref_slice %arg5[%add3A_109, %dma_start3A_115] : memref<204800x128xf32, #tpu.memory_space<hbm>> -> memref<96x128xf32, #tpu.memory_space<hbm>>
    %dma_start3A_117 = arith.constant 104 : i32
    %dma_start3A_118 = arith.constant 0 : i32
    %dma_start3A_119 = tpu.memref_slice %arg8[%dma_start3A_117, %dma_start3A_118] : memref<200x128xf32, #tpu.memory_space<vmem>> -> memref<96x128xf32, #tpu.memory_space<vmem>>
    tpu.enqueue_dma source(%dma_start3A_119 : memref<96x128xf32, #tpu.memory_space<vmem>>) target(%dma_start3A_116 : memref<96x128xf32, #tpu.memory_space<hbm>>) target_semaphore(%arg14 : memref<!tpu.dma_semaphore, #tpu.memory_space<semaphore_mem>>)
    %dma_wait3A_120 = arith.constant 0 : i32
    %dma_wait3A_121 = arith.constant 0 : i32
    %dma_wait3A_122 = tpu.memref_slice %arg3[%dma_wait3A_120, %dma_wait3A_121] : memref<100000x128xf32, #tpu.memory_space<hbm>> -> memref<200x128xf32, #tpu.memory_space<hbm>>
    %dma_wait3A_123 = arith.constant 0 : i32
    %dma_wait3A_124 = arith.constant 0 : i32
    %dma_wait3A_125 = tpu.memref_slice %arg3[%dma_wait3A_123, %dma_wait3A_124] : memref<100000x128xf32, #tpu.memory_space<hbm>> -> memref<200x128xf32, #tpu.memory_space<hbm>>
    tpu.wait_dma2 semaphore(%arg12 : memref<!tpu.dma_semaphore, #tpu.memory_space<semaphore_mem>>) src(%dma_wait3A_125 : memref<200x128xf32, #tpu.memory_space<hbm>>) dst(%arg9 : memref<200x128xf32, #tpu.memory_space<vmem>>)
    %scan3A_126 = arith.constant 0 : i32
    %scan3A_127 = arith.constant 0 : i32
    %scan3A_128 = arith.constant 104 : i32
    %scan3A_129 = arith.addi %scan3A_127, %scan3A_128 : i32
    %scan3A_130 = arith.constant 1 : i32
    scf.for %scan3A_396 = %scan3A_127 to %scan3A_129 step %scan3A_130  : i32 {
      %get3A = arith.index_cast %scan3A_396 : i32 to index
      %get3A_397 = arith.constant 0 : index
      %get3A_398 = tpu.vector_load %arg9[%get3A, %get3A_397] {strides = array<i32>} : memref<200x128xf32, #tpu.memory_space<vmem>>, vector<1x16xf32>,
      %get3A_399 = vector.shape_cast %get3A_398 : vector<1x16xf32> to vector<16xf32>
      %get3A_400 = arith.index_cast %scan3A_396 : i32 to index
      %get3A_401 = arith.constant 0 : index
      %get3A_402 = tpu.vector_load %arg6[%get3A_400, %get3A_401] {strides = array<i32>} : memref<200x128xf32, #tpu.memory_space<vmem>>, vector<1x16xf32>,
      %get3A_403 = vector.shape_cast %get3A_402 : vector<1x16xf32> to vector<16xf32>
      %add3A_404 = arith.addf %get3A_399, %get3A_403 : vector<16xf32>
      %swap3A = arith.index_cast %scan3A_396 : i32 to index
      %swap3A_405 = arith.constant 0 : index
      %swap3A_406 = tpu.vector_load %arg9[%swap3A, %swap3A_405] {strides = array<i32>} : memref<200x128xf32, #tpu.memory_space<vmem>>, vector<1x16xf32>,
      %swap3A_407 = vector.shape_cast %swap3A_406 : vector<1x16xf32> to vector<16xf32>
      %swap3A_408 = vector.shape_cast %add3A_404 : vector<16xf32> to vector<1x16xf32>
      tpu.vector_store %arg9[%swap3A, %swap3A_405], %swap3A_408 {strides = array<i32>} : memref<200x128xf32, #tpu.memory_space<vmem>>, vector<1x16xf32>,
      %get3A_409 = arith.index_cast %scan3A_396 : i32 to index
      %get3A_410 = arith.constant 16 : index
      %get3A_411 = tpu.vector_load %arg9[%get3A_409, %get3A_410] {strides = array<i32>} : memref<200x128xf32, #tpu.memory_space<vmem>>, vector<1x16xf32>,
      %get3A_412 = vector.shape_cast %get3A_411 : vector<1x16xf32> to vector<16xf32>
      %get3A_413 = arith.index_cast %scan3A_396 : i32 to index
      %get3A_414 = arith.constant 16 : index
      %get3A_415 = tpu.vector_load %arg6[%get3A_413, %get3A_414] {strides = array<i32>} : memref<200x128xf32, #tpu.memory_space<vmem>>, vector<1x16xf32>,
      %get3A_416 = vector.shape_cast %get3A_415 : vector<1x16xf32> to vector<16xf32>
      %add3A_417 = arith.addf %get3A_412, %get3A_416 : vector<16xf32>
      %swap3A_418 = arith.index_cast %scan3A_396 : i32 to index
      %swap3A_419 = arith.constant 16 : index
      %swap3A_420 = tpu.vector_load %arg9[%swap3A_418, %swap3A_419] {strides = array<i32>} : memref<200x128xf32, #tpu.memory_space<vmem>>, vector<1x16xf32>,
      %swap3A_421 = vector.shape_cast %swap3A_420 : vector<1x16xf32> to vector<16xf32>
      %swap3A_422 = vector.shape_cast %add3A_417 : vector<16xf32> to vector<1x16xf32>
      tpu.vector_store %arg9[%swap3A_418, %swap3A_419], %swap3A_422 {strides = array<i32>} : memref<200x128xf32, #tpu.memory_space<vmem>>, vector<1x16xf32>,
      %get3A_423 = arith.index_cast %scan3A_396 : i32 to index
      %get3A_424 = arith.constant 32 : index
      %get3A_425 = tpu.vector_load %arg9[%get3A_423, %get3A_424] {strides = array<i32>} : memref<200x128xf32, #tpu.memory_space<vmem>>, vector<1x16xf32>,
      %get3A_426 = vector.shape_cast %get3A_425 : vector<1x16xf32> to vector<16xf32>
      %get3A_427 = arith.index_cast %scan3A_396 : i32 to index
      %get3A_428 = arith.constant 32 : index
      %get3A_429 = tpu.vector_load %arg6[%get3A_427, %get3A_428] {strides = array<i32>} : memref<200x128xf32, #tpu.memory_space<vmem>>, vector<1x16xf32>,
      %get3A_430 = vector.shape_cast %get3A_429 : vector<1x16xf32> to vector<16xf32>
      %add3A_431 = arith.addf %get3A_426, %get3A_430 : vector<16xf32>
      %swap3A_432 = arith.index_cast %scan3A_396 : i32 to index
      %swap3A_433 = arith.constant 32 : index
      %swap3A_434 = tpu.vector_load %arg9[%swap3A_432, %swap3A_433] {strides = array<i32>} : memref<200x128xf32, #tpu.memory_space<vmem>>, vector<1x16xf32>,
      %swap3A_435 = vector.shape_cast %swap3A_434 : vector<1x16xf32> to vector<16xf32>
      %swap3A_436 = vector.shape_cast %add3A_431 : vector<16xf32> to vector<1x16xf32>
      tpu.vector_store %arg9[%swap3A_432, %swap3A_433], %swap3A_436 {strides = array<i32>} : memref<200x128xf32, #tpu.memory_space<vmem>>, vector<1x16xf32>,
      %get3A_437 = arith.index_cast %scan3A_396 : i32 to index
      %get3A_438 = arith.constant 48 : index
      %get3A_439 = tpu.vector_load %arg9[%get3A_437, %get3A_438] {strides = array<i32>} : memref<200x128xf32, #tpu.memory_space<vmem>>, vector<1x16xf32>,
      %get3A_440 = vector.shape_cast %get3A_439 : vector<1x16xf32> to vector<16xf32>
      %get3A_441 = arith.index_cast %scan3A_396 : i32 to index
      %get3A_442 = arith.constant 48 : index
      %get3A_443 = tpu.vector_load %arg6[%get3A_441, %get3A_442] {strides = array<i32>} : memref<200x128xf32, #tpu.memory_space<vmem>>, vector<1x16xf32>,
      %get3A_444 = vector.shape_cast %get3A_443 : vector<1x16xf32> to vector<16xf32>
      %add3A_445 = arith.addf %get3A_440, %get3A_444 : vector<16xf32>
      %swap3A_446 = arith.index_cast %scan3A_396 : i32 to index
      %swap3A_447 = arith.constant 48 : index
      %swap3A_448 = tpu.vector_load %arg9[%swap3A_446, %swap3A_447] {strides = array<i32>} : memref<200x128xf32, #tpu.memory_space<vmem>>, vector<1x16xf32>,
      %swap3A_449 = vector.shape_cast %swap3A_448 : vector<1x16xf32> to vector<16xf32>
      %swap3A_450 = vector.shape_cast %add3A_445 : vector<16xf32> to vector<1x16xf32>
      tpu.vector_store %arg9[%swap3A_446, %swap3A_447], %swap3A_450 {strides = array<i32>} : memref<200x128xf32, #tpu.memory_space<vmem>>, vector<1x16xf32>,
      %get3A_451 = arith.index_cast %scan3A_396 : i32 to index
      %get3A_452 = arith.constant 64 : index
      %get3A_453 = tpu.vector_load %arg9[%get3A_451, %get3A_452] {strides = array<i32>} : memref<200x128xf32, #tpu.memory_space<vmem>>, vector<1x16xf32>,
      %get3A_454 = vector.shape_cast %get3A_453 : vector<1x16xf32> to vector<16xf32>
      %get3A_455 = arith.index_cast %scan3A_396 : i32 to index
      %get3A_456 = arith.constant 64 : index
      %get3A_457 = tpu.vector_load %arg6[%get3A_455, %get3A_456] {strides = array<i32>} : memref<200x128xf32, #tpu.memory_space<vmem>>, vector<1x16xf32>,
      %get3A_458 = vector.shape_cast %get3A_457 : vector<1x16xf32> to vector<16xf32>
      %add3A_459 = arith.addf %get3A_454, %get3A_458 : vector<16xf32>
      %swap3A_460 = arith.index_cast %scan3A_396 : i32 to index
      %swap3A_461 = arith.constant 64 : index
      %swap3A_462 = tpu.vector_load %arg9[%swap3A_460, %swap3A_461] {strides = array<i32>} : memref<200x128xf32, #tpu.memory_space<vmem>>, vector<1x16xf32>,
      %swap3A_463 = vector.shape_cast %swap3A_462 : vector<1x16xf32> to vector<16xf32>
      %swap3A_464 = vector.shape_cast %add3A_459 : vector<16xf32> to vector<1x16xf32>
      tpu.vector_store %arg9[%swap3A_460, %swap3A_461], %swap3A_464 {strides = array<i32>} : memref<200x128xf32, #tpu.memory_space<vmem>>, vector<1x16xf32>,
      %get3A_465 = arith.index_cast %scan3A_396 : i32 to index
      %get3A_466 = arith.constant 80 : index
      %get3A_467 = tpu.vector_load %arg9[%get3A_465, %get3A_466] {strides = array<i32>} : memref<200x128xf32, #tpu.memory_space<vmem>>, vector<1x16xf32>,
      %get3A_468 = vector.shape_cast %get3A_467 : vector<1x16xf32> to vector<16xf32>
      %get3A_469 = arith.index_cast %scan3A_396 : i32 to index
      %get3A_470 = arith.constant 80 : index
      %get3A_471 = tpu.vector_load %arg6[%get3A_469, %get3A_470] {strides = array<i32>} : memref<200x128xf32, #tpu.memory_space<vmem>>, vector<1x16xf32>,
      %get3A_472 = vector.shape_cast %get3A_471 : vector<1x16xf32> to vector<16xf32>
      %add3A_473 = arith.addf %get3A_468, %get3A_472 : vector<16xf32>
      %swap3A_474 = arith.index_cast %scan3A_396 : i32 to index
      %swap3A_475 = arith.constant 80 : index
      %swap3A_476 = tpu.vector_load %arg9[%swap3A_474, %swap3A_475] {strides = array<i32>} : memref<200x128xf32, #tpu.memory_space<vmem>>, vector<1x16xf32>,
      %swap3A_477 = vector.shape_cast %swap3A_476 : vector<1x16xf32> to vector<16xf32>
      %swap3A_478 = vector.shape_cast %add3A_473 : vector<16xf32> to vector<1x16xf32>
      tpu.vector_store %arg9[%swap3A_474, %swap3A_475], %swap3A_478 {strides = array<i32>} : memref<200x128xf32, #tpu.memory_space<vmem>>, vector<1x16xf32>,
      %get3A_479 = arith.index_cast %scan3A_396 : i32 to index
      %get3A_480 = arith.constant 96 : index
      %get3A_481 = tpu.vector_load %arg9[%get3A_479, %get3A_480] {strides = array<i32>} : memref<200x128xf32, #tpu.memory_space<vmem>>, vector<1x16xf32>,
      %get3A_482 = vector.shape_cast %get3A_481 : vector<1x16xf32> to vector<16xf32>
      %get3A_483 = arith.index_cast %scan3A_396 : i32 to index
      %get3A_484 = arith.constant 96 : index
      %get3A_485 = tpu.vector_load %arg6[%get3A_483, %get3A_484] {strides = array<i32>} : memref<200x128xf32, #tpu.memory_space<vmem>>, vector<1x16xf32>,
      %get3A_486 = vector.shape_cast %get3A_485 : vector<1x16xf32> to vector<16xf32>
      %add3A_487 = arith.addf %get3A_482, %get3A_486 : vector<16xf32>
      %swap3A_488 = arith.index_cast %scan3A_396 : i32 to index
      %swap3A_489 = arith.constant 96 : index
      %swap3A_490 = tpu.vector_load %arg9[%swap3A_488, %swap3A_489] {strides = array<i32>} : memref<200x128xf32, #tpu.memory_space<vmem>>, vector<1x16xf32>,
      %swap3A_491 = vector.shape_cast %swap3A_490 : vector<1x16xf32> to vector<16xf32>
      %swap3A_492 = vector.shape_cast %add3A_487 : vector<16xf32> to vector<1x16xf32>
      tpu.vector_store %arg9[%swap3A_488, %swap3A_489], %swap3A_492 {strides = array<i32>} : memref<200x128xf32, #tpu.memory_space<vmem>>, vector<1x16xf32>,
      %get3A_493 = arith.index_cast %scan3A_396 : i32 to index
      %get3A_494 = arith.constant 112 : index
      %get3A_495 = tpu.vector_load %arg9[%get3A_493, %get3A_494] {strides = array<i32>} : memref<200x128xf32, #tpu.memory_space<vmem>>, vector<1x16xf32>,
      %get3A_496 = vector.shape_cast %get3A_495 : vector<1x16xf32> to vector<16xf32>
      %get3A_497 = arith.index_cast %scan3A_396 : i32 to index
      %get3A_498 = arith.constant 112 : index
      %get3A_499 = tpu.vector_load %arg6[%get3A_497, %get3A_498] {strides = array<i32>} : memref<200x128xf32, #tpu.memory_space<vmem>>, vector<1x16xf32>,
      %get3A_500 = vector.shape_cast %get3A_499 : vector<1x16xf32> to vector<16xf32>
      %add3A_501 = arith.addf %get3A_496, %get3A_500 : vector<16xf32>
      %swap3A_502 = arith.index_cast %scan3A_396 : i32 to index
      %swap3A_503 = arith.constant 112 : index
      %swap3A_504 = tpu.vector_load %arg9[%swap3A_502, %swap3A_503] {strides = array<i32>} : memref<200x128xf32, #tpu.memory_space<vmem>>, vector<1x16xf32>,
      %swap3A_505 = vector.shape_cast %swap3A_504 : vector<1x16xf32> to vector<16xf32>
      %swap3A_506 = vector.shape_cast %add3A_501 : vector<16xf32> to vector<1x16xf32>
      tpu.vector_store %arg9[%swap3A_502, %swap3A_503], %swap3A_506 {strides = array<i32>} : memref<200x128xf32, #tpu.memory_space<vmem>>, vector<1x16xf32>,
    }
    %scan3A_131 = arith.constant 104 : i32
    %add3A_132 = arith.constant 1 : i32
    %add3A_133 = arith.addi %mul3A_2, %add3A_132 : i32
    %mul3A_134 = arith.constant 200 : i32
    %mul3A_135 = arith.muli %add3A_133, %mul3A_134 : i32
    %add3A_136 = arith.constant 0 : i32
    %add3A_137 = arith.addi %mul3A_135, %add3A_136 : i32
    %dma_start3A_138 = arith.constant 0 : i32
    %dma_start3A_139 = arith.constant 0 : i32
    %dma_start3A_140 = tpu.memref_slice %arg9[%dma_start3A_138, %dma_start3A_139] : memref<200x128xf32, #tpu.memory_space<vmem>> -> memref<104x128xf32, #tpu.memory_space<vmem>>
    %dma_start3A_141 = arith.constant 0 : i32
    %dma_start3A_142 = tpu.memref_slice %arg5[%add3A_137, %dma_start3A_141] : memref<204800x128xf32, #tpu.memory_space<hbm>> -> memref<104x128xf32, #tpu.memory_space<hbm>>
    %dma_start3A_143 = arith.constant 0 : i32
    %dma_start3A_144 = tpu.memref_slice %arg5[%add3A_137, %dma_start3A_143] : memref<204800x128xf32, #tpu.memory_space<hbm>> -> memref<104x128xf32, #tpu.memory_space<hbm>>
    %dma_start3A_145 = arith.constant 0 : i32
    %dma_start3A_146 = arith.constant 0 : i32
    %dma_start3A_147 = tpu.memref_slice %arg9[%dma_start3A_145, %dma_start3A_146] : memref<200x128xf32, #tpu.memory_space<vmem>> -> memref<104x128xf32, #tpu.memory_space<vmem>>
    tpu.enqueue_dma source(%dma_start3A_147 : memref<104x128xf32, #tpu.memory_space<vmem>>) target(%dma_start3A_144 : memref<104x128xf32, #tpu.memory_space<hbm>>) target_semaphore(%arg15 : memref<!tpu.dma_semaphore, #tpu.memory_space<semaphore_mem>>)
    %dma_wait3A_148 = arith.constant 0 : i32
    %dma_wait3A_149 = arith.constant 0 : i32
    %dma_wait3A_150 = tpu.memref_slice %arg5[%dma_wait3A_148, %dma_wait3A_149] : memref<204800x128xf32, #tpu.memory_space<hbm>> -> memref<200x128xf32, #tpu.memory_space<hbm>>
    %dma_wait3A_151 = arith.constant 0 : i32
    %dma_wait3A_152 = arith.constant 0 : i32
    %dma_wait3A_153 = tpu.memref_slice %arg5[%dma_wait3A_151, %dma_wait3A_152] : memref<204800x128xf32, #tpu.memory_space<hbm>> -> memref<200x128xf32, #tpu.memory_space<hbm>>
    tpu.wait_dma2 semaphore(%arg14 : memref<!tpu.dma_semaphore, #tpu.memory_space<semaphore_mem>>) src(%arg8 : memref<200x128xf32, #tpu.memory_space<vmem>>) dst(%dma_wait3A_153 : memref<200x128xf32, #tpu.memory_space<hbm>>)
    %dma_start3A_154 = arith.constant 6 : i32
    %dma_start3A_155 = arith.constant 0 : i32
    %dma_start3A_156 = arith.constant 0 : i32
    %dma_start3A_157 = tpu.memref_slice %arg8[%dma_start3A_155, %dma_start3A_156] : memref<200x128xf32, #tpu.memory_space<vmem>> -> memref<100x128xf32, #tpu.memory_space<vmem>>
    %dma_start3A_158 = arith.constant 0 : i32
    %dma_start3A_159 = tpu.memref_slice %arg7[%dma_start3A_154, %dma_start3A_158] : memref<64x100xi32, #tpu.memory_space<vmem>> -> memref<1x100xi32, #tpu.memory_space<vmem>>
    %dma_start3A_160 = tpu.memref_squeeze %dma_start3A_159 : memref<1x100xi32, #tpu.memory_space<vmem>> -> memref<100xi32, #tpu.memory_space<vmem>>
    %dma_start3A_161 = arith.constant 0 : i32
    %dma_start3A_162 = arith.constant 0 : i32
    %dma_start3A_163 = tpu.memref_slice %arg3[%dma_start3A_161, %dma_start3A_162] : memref<100000x128xf32, #tpu.memory_space<hbm>> -> memref<100000x128xf32, #tpu.memory_space<hbm>>
    tpu.enqueue_indirect_dma source(%dma_start3A_163 : memref<100000x128xf32, #tpu.memory_space<hbm>>) target(%dma_start3A_157 : memref<100x128xf32, #tpu.memory_space<vmem>>) offsets(%dma_start3A_160 : memref<100xi32, #tpu.memory_space<vmem>>) semaphore(%arg11 : memref<!tpu.dma_semaphore, #tpu.memory_space<semaphore_mem>>)
    %dma_start3A_164 = arith.constant 7 : i32
    %dma_start3A_165 = arith.constant 100 : i32
    %dma_start3A_166 = arith.constant 0 : i32
    %dma_start3A_167 = tpu.memref_slice %arg8[%dma_start3A_165, %dma_start3A_166] : memref<200x128xf32, #tpu.memory_space<vmem>> -> memref<100x128xf32, #tpu.memory_space<vmem>>
    %dma_start3A_168 = arith.constant 0 : i32
    %dma_start3A_169 = tpu.memref_slice %arg7[%dma_start3A_164, %dma_start3A_168] : memref<64x100xi32, #tpu.memory_space<vmem>> -> memref<1x100xi32, #tpu.memory_space<vmem>>
    %dma_start3A_170 = tpu.memref_squeeze %dma_start3A_169 : memref<1x100xi32, #tpu.memory_space<vmem>> -> memref<100xi32, #tpu.memory_space<vmem>>
    %dma_start3A_171 = arith.constant 0 : i32
    %dma_start3A_172 = arith.constant 0 : i32
    %dma_start3A_173 = tpu.memref_slice %arg3[%dma_start3A_171, %dma_start3A_172] : memref<100000x128xf32, #tpu.memory_space<hbm>> -> memref<100000x128xf32, #tpu.memory_space<hbm>>
    tpu.enqueue_indirect_dma source(%dma_start3A_173 : memref<100000x128xf32, #tpu.memory_space<hbm>>) target(%dma_start3A_167 : memref<100x128xf32, #tpu.memory_space<vmem>>) offsets(%dma_start3A_170 : memref<100xi32, #tpu.memory_space<vmem>>) semaphore(%arg11 : memref<!tpu.dma_semaphore, #tpu.memory_space<semaphore_mem>>)
    %scan3A_174 = arith.constant 0 : i32
    %scan3A_175 = arith.constant 104 : i32
    %scan3A_176 = arith.constant 96 : i32
    %scan3A_177 = arith.addi %scan3A_175, %scan3A_176 : i32
    %scan3A_178 = arith.constant 1 : i32
    scf.for %scan3A_396 = %scan3A_175 to %scan3A_177 step %scan3A_178  : i32 {
      %get3A = arith.index_cast %scan3A_396 : i32 to index
      %get3A_397 = arith.constant 0 : index
      %get3A_398 = tpu.vector_load %arg9[%get3A, %get3A_397] {strides = array<i32>} : memref<200x128xf32, #tpu.memory_space<vmem>>, vector<1x16xf32>,
      %get3A_399 = vector.shape_cast %get3A_398 : vector<1x16xf32> to vector<16xf32>
      %get3A_400 = arith.index_cast %scan3A_396 : i32 to index
      %get3A_401 = arith.constant 0 : index
      %get3A_402 = tpu.vector_load %arg6[%get3A_400, %get3A_401] {strides = array<i32>} : memref<200x128xf32, #tpu.memory_space<vmem>>, vector<1x16xf32>,
      %get3A_403 = vector.shape_cast %get3A_402 : vector<1x16xf32> to vector<16xf32>
      %add3A_404 = arith.addf %get3A_399, %get3A_403 : vector<16xf32>
      %swap3A = arith.index_cast %scan3A_396 : i32 to index
      %swap3A_405 = arith.constant 0 : index
      %swap3A_406 = tpu.vector_load %arg9[%swap3A, %swap3A_405] {strides = array<i32>} : memref<200x128xf32, #tpu.memory_space<vmem>>, vector<1x16xf32>,
      %swap3A_407 = vector.shape_cast %swap3A_406 : vector<1x16xf32> to vector<16xf32>
      %swap3A_408 = vector.shape_cast %add3A_404 : vector<16xf32> to vector<1x16xf32>
      tpu.vector_store %arg9[%swap3A, %swap3A_405], %swap3A_408 {strides = array<i32>} : memref<200x128xf32, #tpu.memory_space<vmem>>, vector<1x16xf32>,
      %get3A_409 = arith.index_cast %scan3A_396 : i32 to index
      %get3A_410 = arith.constant 16 : index
      %get3A_411 = tpu.vector_load %arg9[%get3A_409, %get3A_410] {strides = array<i32>} : memref<200x128xf32, #tpu.memory_space<vmem>>, vector<1x16xf32>,
      %get3A_412 = vector.shape_cast %get3A_411 : vector<1x16xf32> to vector<16xf32>
      %get3A_413 = arith.index_cast %scan3A_396 : i32 to index
      %get3A_414 = arith.constant 16 : index
      %get3A_415 = tpu.vector_load %arg6[%get3A_413, %get3A_414] {strides = array<i32>} : memref<200x128xf32, #tpu.memory_space<vmem>>, vector<1x16xf32>,
      %get3A_416 = vector.shape_cast %get3A_415 : vector<1x16xf32> to vector<16xf32>
      %add3A_417 = arith.addf %get3A_412, %get3A_416 : vector<16xf32>
      %swap3A_418 = arith.index_cast %scan3A_396 : i32 to index
      %swap3A_419 = arith.constant 16 : index
      %swap3A_420 = tpu.vector_load %arg9[%swap3A_418, %swap3A_419] {strides = array<i32>} : memref<200x128xf32, #tpu.memory_space<vmem>>, vector<1x16xf32>,
      %swap3A_421 = vector.shape_cast %swap3A_420 : vector<1x16xf32> to vector<16xf32>
      %swap3A_422 = vector.shape_cast %add3A_417 : vector<16xf32> to vector<1x16xf32>
      tpu.vector_store %arg9[%swap3A_418, %swap3A_419], %swap3A_422 {strides = array<i32>} : memref<200x128xf32, #tpu.memory_space<vmem>>, vector<1x16xf32>,
      %get3A_423 = arith.index_cast %scan3A_396 : i32 to index
      %get3A_424 = arith.constant 32 : index
      %get3A_425 = tpu.vector_load %arg9[%get3A_423, %get3A_424] {strides = array<i32>} : memref<200x128xf32, #tpu.memory_space<vmem>>, vector<1x16xf32>,
      %get3A_426 = vector.shape_cast %get3A_425 : vector<1x16xf32> to vector<16xf32>
      %get3A_427 = arith.index_cast %scan3A_396 : i32 to index
      %get3A_428 = arith.constant 32 : index
      %get3A_429 = tpu.vector_load %arg6[%get3A_427, %get3A_428] {strides = array<i32>} : memref<200x128xf32, #tpu.memory_space<vmem>>, vector<1x16xf32>,
      %get3A_430 = vector.shape_cast %get3A_429 : vector<1x16xf32> to vector<16xf32>
      %add3A_431 = arith.addf %get3A_426, %get3A_430 : vector<16xf32>
      %swap3A_432 = arith.index_cast %scan3A_396 : i32 to index
      %swap3A_433 = arith.constant 32 : index
      %swap3A_434 = tpu.vector_load %arg9[%swap3A_432, %swap3A_433] {strides = array<i32>} : memref<200x128xf32, #tpu.memory_space<vmem>>, vector<1x16xf32>,
      %swap3A_435 = vector.shape_cast %swap3A_434 : vector<1x16xf32> to vector<16xf32>
      %swap3A_436 = vector.shape_cast %add3A_431 : vector<16xf32> to vector<1x16xf32>
      tpu.vector_store %arg9[%swap3A_432, %swap3A_433], %swap3A_436 {strides = array<i32>} : memref<200x128xf32, #tpu.memory_space<vmem>>, vector<1x16xf32>,
      %get3A_437 = arith.index_cast %scan3A_396 : i32 to index
      %get3A_438 = arith.constant 48 : index
      %get3A_439 = tpu.vector_load %arg9[%get3A_437, %get3A_438] {strides = array<i32>} : memref<200x128xf32, #tpu.memory_space<vmem>>, vector<1x16xf32>,
      %get3A_440 = vector.shape_cast %get3A_439 : vector<1x16xf32> to vector<16xf32>
      %get3A_441 = arith.index_cast %scan3A_396 : i32 to index
      %get3A_442 = arith.constant 48 : index
      %get3A_443 = tpu.vector_load %arg6[%get3A_441, %get3A_442] {strides = array<i32>} : memref<200x128xf32, #tpu.memory_space<vmem>>, vector<1x16xf32>,
      %get3A_444 = vector.shape_cast %get3A_443 : vector<1x16xf32> to vector<16xf32>
      %add3A_445 = arith.addf %get3A_440, %get3A_444 : vector<16xf32>
      %swap3A_446 = arith.index_cast %scan3A_396 : i32 to index
      %swap3A_447 = arith.constant 48 : index
      %swap3A_448 = tpu.vector_load %arg9[%swap3A_446, %swap3A_447] {strides = array<i32>} : memref<200x128xf32, #tpu.memory_space<vmem>>, vector<1x16xf32>,
      %swap3A_449 = vector.shape_cast %swap3A_448 : vector<1x16xf32> to vector<16xf32>
      %swap3A_450 = vector.shape_cast %add3A_445 : vector<16xf32> to vector<1x16xf32>
      tpu.vector_store %arg9[%swap3A_446, %swap3A_447], %swap3A_450 {strides = array<i32>} : memref<200x128xf32, #tpu.memory_space<vmem>>, vector<1x16xf32>,
      %get3A_451 = arith.index_cast %scan3A_396 : i32 to index
      %get3A_452 = arith.constant 64 : index
      %get3A_453 = tpu.vector_load %arg9[%get3A_451, %get3A_452] {strides = array<i32>} : memref<200x128xf32, #tpu.memory_space<vmem>>, vector<1x16xf32>,
      %get3A_454 = vector.shape_cast %get3A_453 : vector<1x16xf32> to vector<16xf32>
      %get3A_455 = arith.index_cast %scan3A_396 : i32 to index
      %get3A_456 = arith.constant 64 : index
      %get3A_457 = tpu.vector_load %arg6[%get3A_455, %get3A_456] {strides = array<i32>} : memref<200x128xf32, #tpu.memory_space<vmem>>, vector<1x16xf32>,
      %get3A_458 = vector.shape_cast %get3A_457 : vector<1x16xf32> to vector<16xf32>
      %add3A_459 = arith.addf %get3A_454, %get3A_458 : vector<16xf32>
      %swap3A_460 = arith.index_cast %scan3A_396 : i32 to index
      %swap3A_461 = arith.constant 64 : index
      %swap3A_462 = tpu.vector_load %arg9[%swap3A_460, %swap3A_461] {strides = array<i32>} : memref<200x128xf32, #tpu.memory_space<vmem>>, vector<1x16xf32>,
      %swap3A_463 = vector.shape_cast %swap3A_462 : vector<1x16xf32> to vector<16xf32>
      %swap3A_464 = vector.shape_cast %add3A_459 : vector<16xf32> to vector<1x16xf32>
      tpu.vector_store %arg9[%swap3A_460, %swap3A_461], %swap3A_464 {strides = array<i32>} : memref<200x128xf32, #tpu.memory_space<vmem>>, vector<1x16xf32>,
      %get3A_465 = arith.index_cast %scan3A_396 : i32 to index
      %get3A_466 = arith.constant 80 : index
      %get3A_467 = tpu.vector_load %arg9[%get3A_465, %get3A_466] {strides = array<i32>} : memref<200x128xf32, #tpu.memory_space<vmem>>, vector<1x16xf32>,
      %get3A_468 = vector.shape_cast %get3A_467 : vector<1x16xf32> to vector<16xf32>
      %get3A_469 = arith.index_cast %scan3A_396 : i32 to index
      %get3A_470 = arith.constant 80 : index
      %get3A_471 = tpu.vector_load %arg6[%get3A_469, %get3A_470] {strides = array<i32>} : memref<200x128xf32, #tpu.memory_space<vmem>>, vector<1x16xf32>,
      %get3A_472 = vector.shape_cast %get3A_471 : vector<1x16xf32> to vector<16xf32>
      %add3A_473 = arith.addf %get3A_468, %get3A_472 : vector<16xf32>
      %swap3A_474 = arith.index_cast %scan3A_396 : i32 to index
      %swap3A_475 = arith.constant 80 : index
      %swap3A_476 = tpu.vector_load %arg9[%swap3A_474, %swap3A_475] {strides = array<i32>} : memref<200x128xf32, #tpu.memory_space<vmem>>, vector<1x16xf32>,
      %swap3A_477 = vector.shape_cast %swap3A_476 : vector<1x16xf32> to vector<16xf32>
      %swap3A_478 = vector.shape_cast %add3A_473 : vector<16xf32> to vector<1x16xf32>
      tpu.vector_store %arg9[%swap3A_474, %swap3A_475], %swap3A_478 {strides = array<i32>} : memref<200x128xf32, #tpu.memory_space<vmem>>, vector<1x16xf32>,
      %get3A_479 = arith.index_cast %scan3A_396 : i32 to index
      %get3A_480 = arith.constant 96 : index
      %get3A_481 = tpu.vector_load %arg9[%get3A_479, %get3A_480] {strides = array<i32>} : memref<200x128xf32, #tpu.memory_space<vmem>>, vector<1x16xf32>,
      %get3A_482 = vector.shape_cast %get3A_481 : vector<1x16xf32> to vector<16xf32>
      %get3A_483 = arith.index_cast %scan3A_396 : i32 to index
      %get3A_484 = arith.constant 96 : index
      %get3A_485 = tpu.vector_load %arg6[%get3A_483, %get3A_484] {strides = array<i32>} : memref<200x128xf32, #tpu.memory_space<vmem>>, vector<1x16xf32>,
      %get3A_486 = vector.shape_cast %get3A_485 : vector<1x16xf32> to vector<16xf32>
      %add3A_487 = arith.addf %get3A_482, %get3A_486 : vector<16xf32>
      %swap3A_488 = arith.index_cast %scan3A_396 : i32 to index
      %swap3A_489 = arith.constant 96 : index
      %swap3A_490 = tpu.vector_load %arg9[%swap3A_488, %swap3A_489] {strides = array<i32>} : memref<200x128xf32, #tpu.memory_space<vmem>>, vector<1x16xf32>,
      %swap3A_491 = vector.shape_cast %swap3A_490 : vector<1x16xf32> to vector<16xf32>
      %swap3A_492 = vector.shape_cast %add3A_487 : vector<16xf32> to vector<1x16xf32>
      tpu.vector_store %arg9[%swap3A_488, %swap3A_489], %swap3A_492 {strides = array<i32>} : memref<200x128xf32, #tpu.memory_space<vmem>>, vector<1x16xf32>,
      %get3A_493 = arith.index_cast %scan3A_396 : i32 to index
      %get3A_494 = arith.constant 112 : index
      %get3A_495 = tpu.vector_load %arg9[%get3A_493, %get3A_494] {strides = array<i32>} : memref<200x128xf32, #tpu.memory_space<vmem>>, vector<1x16xf32>,
      %get3A_496 = vector.shape_cast %get3A_495 : vector<1x16xf32> to vector<16xf32>
      %get3A_497 = arith.index_cast %scan3A_396 : i32 to index
      %get3A_498 = arith.constant 112 : index
      %get3A_499 = tpu.vector_load %arg6[%get3A_497, %get3A_498] {strides = array<i32>} : memref<200x128xf32, #tpu.memory_space<vmem>>, vector<1x16xf32>,
      %get3A_500 = vector.shape_cast %get3A_499 : vector<1x16xf32> to vector<16xf32>
      %add3A_501 = arith.addf %get3A_496, %get3A_500 : vector<16xf32>
      %swap3A_502 = arith.index_cast %scan3A_396 : i32 to index
      %swap3A_503 = arith.constant 112 : index
      %swap3A_504 = tpu.vector_load %arg9[%swap3A_502, %swap3A_503] {strides = array<i32>} : memref<200x128xf32, #tpu.memory_space<vmem>>, vector<1x16xf32>,
      %swap3A_505 = vector.shape_cast %swap3A_504 : vector<1x16xf32> to vector<16xf32>
      %swap3A_506 = vector.shape_cast %add3A_501 : vector<16xf32> to vector<1x16xf32>
      tpu.vector_store %arg9[%swap3A_502, %swap3A_503], %swap3A_506 {strides = array<i32>} : memref<200x128xf32, #tpu.memory_space<vmem>>, vector<1x16xf32>,
    }
    %scan3A_179 = arith.constant 96 : i32
    %add3A_180 = arith.constant 1 : i32
    %add3A_181 = arith.addi %mul3A_2, %add3A_180 : i32
    %mul3A_182 = arith.constant 200 : i32
    %mul3A_183 = arith.muli %add3A_181, %mul3A_182 : i32
    %add3A_184 = arith.constant 104 : i32
    %add3A_185 = arith.addi %mul3A_183, %add3A_184 : i32
    %dma_start3A_186 = arith.constant 104 : i32
    %dma_start3A_187 = arith.constant 0 : i32
    %dma_start3A_188 = tpu.memref_slice %arg9[%dma_start3A_186, %dma_start3A_187] : memref<200x128xf32, #tpu.memory_space<vmem>> -> memref<96x128xf32, #tpu.memory_space<vmem>>
    %dma_start3A_189 = arith.constant 0 : i32
    %dma_start3A_190 = tpu.memref_slice %arg5[%add3A_185, %dma_start3A_189] : memref<204800x128xf32, #tpu.memory_space<hbm>> -> memref<96x128xf32, #tpu.memory_space<hbm>>
    %dma_start3A_191 = arith.constant 0 : i32
    %dma_start3A_192 = tpu.memref_slice %arg5[%add3A_185, %dma_start3A_191] : memref<204800x128xf32, #tpu.memory_space<hbm>> -> memref<96x128xf32, #tpu.memory_space<hbm>>
    %dma_start3A_193 = arith.constant 104 : i32
    %dma_start3A_194 = arith.constant 0 : i32
    %dma_start3A_195 = tpu.memref_slice %arg9[%dma_start3A_193, %dma_start3A_194] : memref<200x128xf32, #tpu.memory_space<vmem>> -> memref<96x128xf32, #tpu.memory_space<vmem>>
    tpu.enqueue_dma source(%dma_start3A_195 : memref<96x128xf32, #tpu.memory_space<vmem>>) target(%dma_start3A_192 : memref<96x128xf32, #tpu.memory_space<hbm>>) target_semaphore(%arg15 : memref<!tpu.dma_semaphore, #tpu.memory_space<semaphore_mem>>)
    %dma_wait3A_196 = arith.constant 0 : i32
    %dma_wait3A_197 = arith.constant 0 : i32
    %dma_wait3A_198 = tpu.memref_slice %arg3[%dma_wait3A_196, %dma_wait3A_197] : memref<100000x128xf32, #tpu.memory_space<hbm>> -> memref<200x128xf32, #tpu.memory_space<hbm>>
    %dma_wait3A_199 = arith.constant 0 : i32
    %dma_wait3A_200 = arith.constant 0 : i32
    %dma_wait3A_201 = tpu.memref_slice %arg3[%dma_wait3A_199, %dma_wait3A_200] : memref<100000x128xf32, #tpu.memory_space<hbm>> -> memref<200x128xf32, #tpu.memory_space<hbm>>
    tpu.wait_dma2 semaphore(%arg13 : memref<!tpu.dma_semaphore, #tpu.memory_space<semaphore_mem>>) src(%dma_wait3A_201 : memref<200x128xf32, #tpu.memory_space<hbm>>) dst(%arg10 : memref<200x128xf32, #tpu.memory_space<vmem>>)
    %scan3A_202 = arith.constant 0 : i32
    %scan3A_203 = arith.constant 0 : i32
    %scan3A_204 = arith.constant 104 : i32
    %scan3A_205 = arith.addi %scan3A_203, %scan3A_204 : i32
    %scan3A_206 = arith.constant 1 : i32
    scf.for %scan3A_396 = %scan3A_203 to %scan3A_205 step %scan3A_206  : i32 {
      %get3A = arith.index_cast %scan3A_396 : i32 to index
      %get3A_397 = arith.constant 0 : index
      %get3A_398 = tpu.vector_load %arg10[%get3A, %get3A_397] {strides = array<i32>} : memref<200x128xf32, #tpu.memory_space<vmem>>, vector<1x16xf32>,
      %get3A_399 = vector.shape_cast %get3A_398 : vector<1x16xf32> to vector<16xf32>
      %get3A_400 = arith.index_cast %scan3A_396 : i32 to index
      %get3A_401 = arith.constant 0 : index
      %get3A_402 = tpu.vector_load %arg6[%get3A_400, %get3A_401] {strides = array<i32>} : memref<200x128xf32, #tpu.memory_space<vmem>>, vector<1x16xf32>,
      %get3A_403 = vector.shape_cast %get3A_402 : vector<1x16xf32> to vector<16xf32>
      %add3A_404 = arith.addf %get3A_399, %get3A_403 : vector<16xf32>
      %swap3A = arith.index_cast %scan3A_396 : i32 to index
      %swap3A_405 = arith.constant 0 : index
      %swap3A_406 = tpu.vector_load %arg10[%swap3A, %swap3A_405] {strides = array<i32>} : memref<200x128xf32, #tpu.memory_space<vmem>>, vector<1x16xf32>,
      %swap3A_407 = vector.shape_cast %swap3A_406 : vector<1x16xf32> to vector<16xf32>
      %swap3A_408 = vector.shape_cast %add3A_404 : vector<16xf32> to vector<1x16xf32>
      tpu.vector_store %arg10[%swap3A, %swap3A_405], %swap3A_408 {strides = array<i32>} : memref<200x128xf32, #tpu.memory_space<vmem>>, vector<1x16xf32>,
      %get3A_409 = arith.index_cast %scan3A_396 : i32 to index
      %get3A_410 = arith.constant 16 : index
      %get3A_411 = tpu.vector_load %arg10[%get3A_409, %get3A_410] {strides = array<i32>} : memref<200x128xf32, #tpu.memory_space<vmem>>, vector<1x16xf32>,
      %get3A_412 = vector.shape_cast %get3A_411 : vector<1x16xf32> to vector<16xf32>
      %get3A_413 = arith.index_cast %scan3A_396 : i32 to index
      %get3A_414 = arith.constant 16 : index
      %get3A_415 = tpu.vector_load %arg6[%get3A_413, %get3A_414] {strides = array<i32>} : memref<200x128xf32, #tpu.memory_space<vmem>>, vector<1x16xf32>,
      %get3A_416 = vector.shape_cast %get3A_415 : vector<1x16xf32> to vector<16xf32>
      %add3A_417 = arith.addf %get3A_412, %get3A_416 : vector<16xf32>
      %swap3A_418 = arith.index_cast %scan3A_396 : i32 to index
      %swap3A_419 = arith.constant 16 : index
      %swap3A_420 = tpu.vector_load %arg10[%swap3A_418, %swap3A_419] {strides = array<i32>} : memref<200x128xf32, #tpu.memory_space<vmem>>, vector<1x16xf32>,
      %swap3A_421 = vector.shape_cast %swap3A_420 : vector<1x16xf32> to vector<16xf32>
      %swap3A_422 = vector.shape_cast %add3A_417 : vector<16xf32> to vector<1x16xf32>
      tpu.vector_store %arg10[%swap3A_418, %swap3A_419], %swap3A_422 {strides = array<i32>} : memref<200x128xf32, #tpu.memory_space<vmem>>, vector<1x16xf32>,
      %get3A_423 = arith.index_cast %scan3A_396 : i32 to index
      %get3A_424 = arith.constant 32 : index
      %get3A_425 = tpu.vector_load %arg10[%get3A_423, %get3A_424] {strides = array<i32>} : memref<200x128xf32, #tpu.memory_space<vmem>>, vector<1x16xf32>,
      %get3A_426 = vector.shape_cast %get3A_425 : vector<1x16xf32> to vector<16xf32>
      %get3A_427 = arith.index_cast %scan3A_396 : i32 to index
      %get3A_428 = arith.constant 32 : index
      %get3A_429 = tpu.vector_load %arg6[%get3A_427, %get3A_428] {strides = array<i32>} : memref<200x128xf32, #tpu.memory_space<vmem>>, vector<1x16xf32>,
      %get3A_430 = vector.shape_cast %get3A_429 : vector<1x16xf32> to vector<16xf32>
      %add3A_431 = arith.addf %get3A_426, %get3A_430 : vector<16xf32>
      %swap3A_432 = arith.index_cast %scan3A_396 : i32 to index
      %swap3A_433 = arith.constant 32 : index
      %swap3A_434 = tpu.vector_load %arg10[%swap3A_432, %swap3A_433] {strides = array<i32>} : memref<200x128xf32, #tpu.memory_space<vmem>>, vector<1x16xf32>,
      %swap3A_435 = vector.shape_cast %swap3A_434 : vector<1x16xf32> to vector<16xf32>
      %swap3A_436 = vector.shape_cast %add3A_431 : vector<16xf32> to vector<1x16xf32>
      tpu.vector_store %arg10[%swap3A_432, %swap3A_433], %swap3A_436 {strides = array<i32>} : memref<200x128xf32, #tpu.memory_space<vmem>>, vector<1x16xf32>,
      %get3A_437 = arith.index_cast %scan3A_396 : i32 to index
      %get3A_438 = arith.constant 48 : index
      %get3A_439 = tpu.vector_load %arg10[%get3A_437, %get3A_438] {strides = array<i32>} : memref<200x128xf32, #tpu.memory_space<vmem>>, vector<1x16xf32>,
      %get3A_440 = vector.shape_cast %get3A_439 : vector<1x16xf32> to vector<16xf32>
      %get3A_441 = arith.index_cast %scan3A_396 : i32 to index
      %get3A_442 = arith.constant 48 : index
      %get3A_443 = tpu.vector_load %arg6[%get3A_441, %get3A_442] {strides = array<i32>} : memref<200x128xf32, #tpu.memory_space<vmem>>, vector<1x16xf32>,
      %get3A_444 = vector.shape_cast %get3A_443 : vector<1x16xf32> to vector<16xf32>
      %add3A_445 = arith.addf %get3A_440, %get3A_444 : vector<16xf32>
      %swap3A_446 = arith.index_cast %scan3A_396 : i32 to index
      %swap3A_447 = arith.constant 48 : index
      %swap3A_448 = tpu.vector_load %arg10[%swap3A_446, %swap3A_447] {strides = array<i32>} : memref<200x128xf32, #tpu.memory_space<vmem>>, vector<1x16xf32>,
      %swap3A_449 = vector.shape_cast %swap3A_448 : vector<1x16xf32> to vector<16xf32>
      %swap3A_450 = vector.shape_cast %add3A_445 : vector<16xf32> to vector<1x16xf32>
      tpu.vector_store %arg10[%swap3A_446, %swap3A_447], %swap3A_450 {strides = array<i32>} : memref<200x128xf32, #tpu.memory_space<vmem>>, vector<1x16xf32>,
      %get3A_451 = arith.index_cast %scan3A_396 : i32 to index
      %get3A_452 = arith.constant 64 : index
      %get3A_453 = tpu.vector_load %arg10[%get3A_451, %get3A_452] {strides = array<i32>} : memref<200x128xf32, #tpu.memory_space<vmem>>, vector<1x16xf32>,
      %get3A_454 = vector.shape_cast %get3A_453 : vector<1x16xf32> to vector<16xf32>
      %get3A_455 = arith.index_cast %scan3A_396 : i32 to index
      %get3A_456 = arith.constant 64 : index
      %get3A_457 = tpu.vector_load %arg6[%get3A_455, %get3A_456] {strides = array<i32>} : memref<200x128xf32, #tpu.memory_space<vmem>>, vector<1x16xf32>,
      %get3A_458 = vector.shape_cast %get3A_457 : vector<1x16xf32> to vector<16xf32>
      %add3A_459 = arith.addf %get3A_454, %get3A_458 : vector<16xf32>
      %swap3A_460 = arith.index_cast %scan3A_396 : i32 to index
      %swap3A_461 = arith.constant 64 : index
      %swap3A_462 = tpu.vector_load %arg10[%swap3A_460, %swap3A_461] {strides = array<i32>} : memref<200x128xf32, #tpu.memory_space<vmem>>, vector<1x16xf32>,
      %swap3A_463 = vector.shape_cast %swap3A_462 : vector<1x16xf32> to vector<16xf32>
      %swap3A_464 = vector.shape_cast %add3A_459 : vector<16xf32> to vector<1x16xf32>
      tpu.vector_store %arg10[%swap3A_460, %swap3A_461], %swap3A_464 {strides = array<i32>} : memref<200x128xf32, #tpu.memory_space<vmem>>, vector<1x16xf32>,
      %get3A_465 = arith.index_cast %scan3A_396 : i32 to index
      %get3A_466 = arith.constant 80 : index
      %get3A_467 = tpu.vector_load %arg10[%get3A_465, %get3A_466] {strides = array<i32>} : memref<200x128xf32, #tpu.memory_space<vmem>>, vector<1x16xf32>,
      %get3A_468 = vector.shape_cast %get3A_467 : vector<1x16xf32> to vector<16xf32>
      %get3A_469 = arith.index_cast %scan3A_396 : i32 to index
      %get3A_470 = arith.constant 80 : index
      %get3A_471 = tpu.vector_load %arg6[%get3A_469, %get3A_470] {strides = array<i32>} : memref<200x128xf32, #tpu.memory_space<vmem>>, vector<1x16xf32>,
      %get3A_472 = vector.shape_cast %get3A_471 : vector<1x16xf32> to vector<16xf32>
      %add3A_473 = arith.addf %get3A_468, %get3A_472 : vector<16xf32>
      %swap3A_474 = arith.index_cast %scan3A_396 : i32 to index
      %swap3A_475 = arith.constant 80 : index
      %swap3A_476 = tpu.vector_load %arg10[%swap3A_474, %swap3A_475] {strides = array<i32>} : memref<200x128xf32, #tpu.memory_space<vmem>>, vector<1x16xf32>,
      %swap3A_477 = vector.shape_cast %swap3A_476 : vector<1x16xf32> to vector<16xf32>
      %swap3A_478 = vector.shape_cast %add3A_473 : vector<16xf32> to vector<1x16xf32>
      tpu.vector_store %arg10[%swap3A_474, %swap3A_475], %swap3A_478 {strides = array<i32>} : memref<200x128xf32, #tpu.memory_space<vmem>>, vector<1x16xf32>,
      %get3A_479 = arith.index_cast %scan3A_396 : i32 to index
      %get3A_480 = arith.constant 96 : index
      %get3A_481 = tpu.vector_load %arg10[%get3A_479, %get3A_480] {strides = array<i32>} : memref<200x128xf32, #tpu.memory_space<vmem>>, vector<1x16xf32>,
      %get3A_482 = vector.shape_cast %get3A_481 : vector<1x16xf32> to vector<16xf32>
      %get3A_483 = arith.index_cast %scan3A_396 : i32 to index
      %get3A_484 = arith.constant 96 : index
      %get3A_485 = tpu.vector_load %arg6[%get3A_483, %get3A_484] {strides = array<i32>} : memref<200x128xf32, #tpu.memory_space<vmem>>, vector<1x16xf32>,
      %get3A_486 = vector.shape_cast %get3A_485 : vector<1x16xf32> to vector<16xf32>
      %add3A_487 = arith.addf %get3A_482, %get3A_486 : vector<16xf32>
      %swap3A_488 = arith.index_cast %scan3A_396 : i32 to index
      %swap3A_489 = arith.constant 96 : index
      %swap3A_490 = tpu.vector_load %arg10[%swap3A_488, %swap3A_489] {strides = array<i32>} : memref<200x128xf32, #tpu.memory_space<vmem>>, vector<1x16xf32>,
      %swap3A_491 = vector.shape_cast %swap3A_490 : vector<1x16xf32> to vector<16xf32>
      %swap3A_492 = vector.shape_cast %add3A_487 : vector<16xf32> to vector<1x16xf32>
      tpu.vector_store %arg10[%swap3A_488, %swap3A_489], %swap3A_492 {strides = array<i32>} : memref<200x128xf32, #tpu.memory_space<vmem>>, vector<1x16xf32>,
      %get3A_493 = arith.index_cast %scan3A_396 : i32 to index
      %get3A_494 = arith.constant 112 : index
      %get3A_495 = tpu.vector_load %arg10[%get3A_493, %get3A_494] {strides = array<i32>} : memref<200x128xf32, #tpu.memory_space<vmem>>, vector<1x16xf32>,
      %get3A_496 = vector.shape_cast %get3A_495 : vector<1x16xf32> to vector<16xf32>
      %get3A_497 = arith.index_cast %scan3A_396 : i32 to index
      %get3A_498 = arith.constant 112 : index
      %get3A_499 = tpu.vector_load %arg6[%get3A_497, %get3A_498] {strides = array<i32>} : memref<200x128xf32, #tpu.memory_space<vmem>>, vector<1x16xf32>,
      %get3A_500 = vector.shape_cast %get3A_499 : vector<1x16xf32> to vector<16xf32>
      %add3A_501 = arith.addf %get3A_496, %get3A_500 : vector<16xf32>
      %swap3A_502 = arith.index_cast %scan3A_396 : i32 to index
      %swap3A_503 = arith.constant 112 : index
      %swap3A_504 = tpu.vector_load %arg10[%swap3A_502, %swap3A_503] {strides = array<i32>} : memref<200x128xf32, #tpu.memory_space<vmem>>, vector<1x16xf32>,
      %swap3A_505 = vector.shape_cast %swap3A_504 : vector<1x16xf32> to vector<16xf32>
      %swap3A_506 = vector.shape_cast %add3A_501 : vector<16xf32> to vector<1x16xf32>
      tpu.vector_store %arg10[%swap3A_502, %swap3A_503], %swap3A_506 {strides = array<i32>} : memref<200x128xf32, #tpu.memory_space<vmem>>, vector<1x16xf32>,
    }
    %scan3A_207 = arith.constant 104 : i32
    %add3A_208 = arith.constant 2 : i32
    %add3A_209 = arith.addi %mul3A_2, %add3A_208 : i32
    %mul3A_210 = arith.constant 200 : i32
    %mul3A_211 = arith.muli %add3A_209, %mul3A_210 : i32
    %add3A_212 = arith.constant 0 : i32
    %add3A_213 = arith.addi %mul3A_211, %add3A_212 : i32
    %dma_start3A_214 = arith.constant 0 : i32
    %dma_start3A_215 = arith.constant 0 : i32
    %dma_start3A_216 = tpu.memref_slice %arg10[%dma_start3A_214, %dma_start3A_215] : memref<200x128xf32, #tpu.memory_space<vmem>> -> memref<104x128xf32, #tpu.memory_space<vmem>>
    %dma_start3A_217 = arith.constant 0 : i32
    %dma_start3A_218 = tpu.memref_slice %arg5[%add3A_213, %dma_start3A_217] : memref<204800x128xf32, #tpu.memory_space<hbm>> -> memref<104x128xf32, #tpu.memory_space<hbm>>
    %dma_start3A_219 = arith.constant 0 : i32
    %dma_start3A_220 = tpu.memref_slice %arg5[%add3A_213, %dma_start3A_219] : memref<204800x128xf32, #tpu.memory_space<hbm>> -> memref<104x128xf32, #tpu.memory_space<hbm>>
    %dma_start3A_221 = arith.constant 0 : i32
    %dma_start3A_222 = arith.constant 0 : i32
    %dma_start3A_223 = tpu.memref_slice %arg10[%dma_start3A_221, %dma_start3A_222] : memref<200x128xf32, #tpu.memory_space<vmem>> -> memref<104x128xf32, #tpu.memory_space<vmem>>
    tpu.enqueue_dma source(%dma_start3A_223 : memref<104x128xf32, #tpu.memory_space<vmem>>) target(%dma_start3A_220 : memref<104x128xf32, #tpu.memory_space<hbm>>) target_semaphore(%arg16 : memref<!tpu.dma_semaphore, #tpu.memory_space<semaphore_mem>>)
    %dma_wait3A_224 = arith.constant 0 : i32
    %dma_wait3A_225 = arith.constant 0 : i32
    %dma_wait3A_226 = tpu.memref_slice %arg5[%dma_wait3A_224, %dma_wait3A_225] : memref<204800x128xf32, #tpu.memory_space<hbm>> -> memref<200x128xf32, #tpu.memory_space<hbm>>
    %dma_wait3A_227 = arith.constant 0 : i32
    %dma_wait3A_228 = arith.constant 0 : i32
    %dma_wait3A_229 = tpu.memref_slice %arg5[%dma_wait3A_227, %dma_wait3A_228] : memref<204800x128xf32, #tpu.memory_space<hbm>> -> memref<200x128xf32, #tpu.memory_space<hbm>>
    tpu.wait_dma2 semaphore(%arg15 : memref<!tpu.dma_semaphore, #tpu.memory_space<semaphore_mem>>) src(%arg9 : memref<200x128xf32, #tpu.memory_space<vmem>>) dst(%dma_wait3A_229 : memref<200x128xf32, #tpu.memory_space<hbm>>)
    %dma_start3A_230 = arith.constant 8 : i32
    %dma_start3A_231 = arith.constant 0 : i32
    %dma_start3A_232 = arith.constant 0 : i32
    %dma_start3A_233 = tpu.memref_slice %arg9[%dma_start3A_231, %dma_start3A_232] : memref<200x128xf32, #tpu.memory_space<vmem>> -> memref<100x128xf32, #tpu.memory_space<vmem>>
    %dma_start3A_234 = arith.constant 0 : i32
    %dma_start3A_235 = tpu.memref_slice %arg7[%dma_start3A_230, %dma_start3A_234] : memref<64x100xi32, #tpu.memory_space<vmem>> -> memref<1x100xi32, #tpu.memory_space<vmem>>
    %dma_start3A_236 = tpu.memref_squeeze %dma_start3A_235 : memref<1x100xi32, #tpu.memory_space<vmem>> -> memref<100xi32, #tpu.memory_space<vmem>>
    %dma_start3A_237 = arith.constant 0 : i32
    %dma_start3A_238 = arith.constant 0 : i32
    %dma_start3A_239 = tpu.memref_slice %arg3[%dma_start3A_237, %dma_start3A_238] : memref<100000x128xf32, #tpu.memory_space<hbm>> -> memref<100000x128xf32, #tpu.memory_space<hbm>>
    tpu.enqueue_indirect_dma source(%dma_start3A_239 : memref<100000x128xf32, #tpu.memory_space<hbm>>) target(%dma_start3A_233 : memref<100x128xf32, #tpu.memory_space<vmem>>) offsets(%dma_start3A_236 : memref<100xi32, #tpu.memory_space<vmem>>) semaphore(%arg12 : memref<!tpu.dma_semaphore, #tpu.memory_space<semaphore_mem>>)
    %dma_start3A_240 = arith.constant 9 : i32
    %dma_start3A_241 = arith.constant 100 : i32
    %dma_start3A_242 = arith.constant 0 : i32
    %dma_start3A_243 = tpu.memref_slice %arg9[%dma_start3A_241, %dma_start3A_242] : memref<200x128xf32, #tpu.memory_space<vmem>> -> memref<100x128xf32, #tpu.memory_space<vmem>>
    %dma_start3A_244 = arith.constant 0 : i32
    %dma_start3A_245 = tpu.memref_slice %arg7[%dma_start3A_240, %dma_start3A_244] : memref<64x100xi32, #tpu.memory_space<vmem>> -> memref<1x100xi32, #tpu.memory_space<vmem>>
    %dma_start3A_246 = tpu.memref_squeeze %dma_start3A_245 : memref<1x100xi32, #tpu.memory_space<vmem>> -> memref<100xi32, #tpu.memory_space<vmem>>
    %dma_start3A_247 = arith.constant 0 : i32
    %dma_start3A_248 = arith.constant 0 : i32
    %dma_start3A_249 = tpu.memref_slice %arg3[%dma_start3A_247, %dma_start3A_248] : memref<100000x128xf32, #tpu.memory_space<hbm>> -> memref<100000x128xf32, #tpu.memory_space<hbm>>
    tpu.enqueue_indirect_dma source(%dma_start3A_249 : memref<100000x128xf32, #tpu.memory_space<hbm>>) target(%dma_start3A_243 : memref<100x128xf32, #tpu.memory_space<vmem>>) offsets(%dma_start3A_246 : memref<100xi32, #tpu.memory_space<vmem>>) semaphore(%arg12 : memref<!tpu.dma_semaphore, #tpu.memory_space<semaphore_mem>>)
    %scan3A_250 = arith.constant 0 : i32
    %scan3A_251 = arith.constant 104 : i32
    %scan3A_252 = arith.constant 96 : i32
    %scan3A_253 = arith.addi %scan3A_251, %scan3A_252 : i32
    %scan3A_254 = arith.constant 1 : i32
    scf.for %scan3A_396 = %scan3A_251 to %scan3A_253 step %scan3A_254  : i32 {
      %get3A = arith.index_cast %scan3A_396 : i32 to index
      %get3A_397 = arith.constant 0 : index
      %get3A_398 = tpu.vector_load %arg10[%get3A, %get3A_397] {strides = array<i32>} : memref<200x128xf32, #tpu.memory_space<vmem>>, vector<1x16xf32>,
      %get3A_399 = vector.shape_cast %get3A_398 : vector<1x16xf32> to vector<16xf32>
      %get3A_400 = arith.index_cast %scan3A_396 : i32 to index
      %get3A_401 = arith.constant 0 : index
      %get3A_402 = tpu.vector_load %arg6[%get3A_400, %get3A_401] {strides = array<i32>} : memref<200x128xf32, #tpu.memory_space<vmem>>, vector<1x16xf32>,
      %get3A_403 = vector.shape_cast %get3A_402 : vector<1x16xf32> to vector<16xf32>
      %add3A_404 = arith.addf %get3A_399, %get3A_403 : vector<16xf32>
      %swap3A = arith.index_cast %scan3A_396 : i32 to index
      %swap3A_405 = arith.constant 0 : index
      %swap3A_406 = tpu.vector_load %arg10[%swap3A, %swap3A_405] {strides = array<i32>} : memref<200x128xf32, #tpu.memory_space<vmem>>, vector<1x16xf32>,
      %swap3A_407 = vector.shape_cast %swap3A_406 : vector<1x16xf32> to vector<16xf32>
      %swap3A_408 = vector.shape_cast %add3A_404 : vector<16xf32> to vector<1x16xf32>
      tpu.vector_store %arg10[%swap3A, %swap3A_405], %swap3A_408 {strides = array<i32>} : memref<200x128xf32, #tpu.memory_space<vmem>>, vector<1x16xf32>,
      %get3A_409 = arith.index_cast %scan3A_396 : i32 to index
      %get3A_410 = arith.constant 16 : index
      %get3A_411 = tpu.vector_load %arg10[%get3A_409, %get3A_410] {strides = array<i32>} : memref<200x128xf32, #tpu.memory_space<vmem>>, vector<1x16xf32>,
      %get3A_412 = vector.shape_cast %get3A_411 : vector<1x16xf32> to vector<16xf32>
      %get3A_413 = arith.index_cast %scan3A_396 : i32 to index
      %get3A_414 = arith.constant 16 : index
      %get3A_415 = tpu.vector_load %arg6[%get3A_413, %get3A_414] {strides = array<i32>} : memref<200x128xf32, #tpu.memory_space<vmem>>, vector<1x16xf32>,
      %get3A_416 = vector.shape_cast %get3A_415 : vector<1x16xf32> to vector<16xf32>
      %add3A_417 = arith.addf %get3A_412, %get3A_416 : vector<16xf32>
      %swap3A_418 = arith.index_cast %scan3A_396 : i32 to index
      %swap3A_419 = arith.constant 16 : index
      %swap3A_420 = tpu.vector_load %arg10[%swap3A_418, %swap3A_419] {strides = array<i32>} : memref<200x128xf32, #tpu.memory_space<vmem>>, vector<1x16xf32>,
      %swap3A_421 = vector.shape_cast %swap3A_420 : vector<1x16xf32> to vector<16xf32>
      %swap3A_422 = vector.shape_cast %add3A_417 : vector<16xf32> to vector<1x16xf32>
      tpu.vector_store %arg10[%swap3A_418, %swap3A_419], %swap3A_422 {strides = array<i32>} : memref<200x128xf32, #tpu.memory_space<vmem>>, vector<1x16xf32>,
      %get3A_423 = arith.index_cast %scan3A_396 : i32 to index
      %get3A_424 = arith.constant 32 : index
      %get3A_425 = tpu.vector_load %arg10[%get3A_423, %get3A_424] {strides = array<i32>} : memref<200x128xf32, #tpu.memory_space<vmem>>, vector<1x16xf32>,
      %get3A_426 = vector.shape_cast %get3A_425 : vector<1x16xf32> to vector<16xf32>
      %get3A_427 = arith.index_cast %scan3A_396 : i32 to index
      %get3A_428 = arith.constant 32 : index
      %get3A_429 = tpu.vector_load %arg6[%get3A_427, %get3A_428] {strides = array<i32>} : memref<200x128xf32, #tpu.memory_space<vmem>>, vector<1x16xf32>,
      %get3A_430 = vector.shape_cast %get3A_429 : vector<1x16xf32> to vector<16xf32>
      %add3A_431 = arith.addf %get3A_426, %get3A_430 : vector<16xf32>
      %swap3A_432 = arith.index_cast %scan3A_396 : i32 to index
      %swap3A_433 = arith.constant 32 : index
      %swap3A_434 = tpu.vector_load %arg10[%swap3A_432, %swap3A_433] {strides = array<i32>} : memref<200x128xf32, #tpu.memory_space<vmem>>, vector<1x16xf32>,
      %swap3A_435 = vector.shape_cast %swap3A_434 : vector<1x16xf32> to vector<16xf32>
      %swap3A_436 = vector.shape_cast %add3A_431 : vector<16xf32> to vector<1x16xf32>
      tpu.vector_store %arg10[%swap3A_432, %swap3A_433], %swap3A_436 {strides = array<i32>} : memref<200x128xf32, #tpu.memory_space<vmem>>, vector<1x16xf32>,
      %get3A_437 = arith.index_cast %scan3A_396 : i32 to index
      %get3A_438 = arith.constant 48 : index
      %get3A_439 = tpu.vector_load %arg10[%get3A_437, %get3A_438] {strides = array<i32>} : memref<200x128xf32, #tpu.memory_space<vmem>>, vector<1x16xf32>,
      %get3A_440 = vector.shape_cast %get3A_439 : vector<1x16xf32> to vector<16xf32>
      %get3A_441 = arith.index_cast %scan3A_396 : i32 to index
      %get3A_442 = arith.constant 48 : index
      %get3A_443 = tpu.vector_load %arg6[%get3A_441, %get3A_442] {strides = array<i32>} : memref<200x128xf32, #tpu.memory_space<vmem>>, vector<1x16xf32>,
      %get3A_444 = vector.shape_cast %get3A_443 : vector<1x16xf32> to vector<16xf32>
      %add3A_445 = arith.addf %get3A_440, %get3A_444 : vector<16xf32>
      %swap3A_446 = arith.index_cast %scan3A_396 : i32 to index
      %swap3A_447 = arith.constant 48 : index
      %swap3A_448 = tpu.vector_load %arg10[%swap3A_446, %swap3A_447] {strides = array<i32>} : memref<200x128xf32, #tpu.memory_space<vmem>>, vector<1x16xf32>,
      %swap3A_449 = vector.shape_cast %swap3A_448 : vector<1x16xf32> to vector<16xf32>
      %swap3A_450 = vector.shape_cast %add3A_445 : vector<16xf32> to vector<1x16xf32>
      tpu.vector_store %arg10[%swap3A_446, %swap3A_447], %swap3A_450 {strides = array<i32>} : memref<200x128xf32, #tpu.memory_space<vmem>>, vector<1x16xf32>,
      %get3A_451 = arith.index_cast %scan3A_396 : i32 to index
      %get3A_452 = arith.constant 64 : index
      %get3A_453 = tpu.vector_load %arg10[%get3A_451, %get3A_452] {strides = array<i32>} : memref<200x128xf32, #tpu.memory_space<vmem>>, vector<1x16xf32>,
      %get3A_454 = vector.shape_cast %get3A_453 : vector<1x16xf32> to vector<16xf32>
      %get3A_455 = arith.index_cast %scan3A_396 : i32 to index
      %get3A_456 = arith.constant 64 : index
      %get3A_457 = tpu.vector_load %arg6[%get3A_455, %get3A_456] {strides = array<i32>} : memref<200x128xf32, #tpu.memory_space<vmem>>, vector<1x16xf32>,
      %get3A_458 = vector.shape_cast %get3A_457 : vector<1x16xf32> to vector<16xf32>
      %add3A_459 = arith.addf %get3A_454, %get3A_458 : vector<16xf32>
      %swap3A_460 = arith.index_cast %scan3A_396 : i32 to index
      %swap3A_461 = arith.constant 64 : index
      %swap3A_462 = tpu.vector_load %arg10[%swap3A_460, %swap3A_461] {strides = array<i32>} : memref<200x128xf32, #tpu.memory_space<vmem>>, vector<1x16xf32>,
      %swap3A_463 = vector.shape_cast %swap3A_462 : vector<1x16xf32> to vector<16xf32>
      %swap3A_464 = vector.shape_cast %add3A_459 : vector<16xf32> to vector<1x16xf32>
      tpu.vector_store %arg10[%swap3A_460, %swap3A_461], %swap3A_464 {strides = array<i32>} : memref<200x128xf32, #tpu.memory_space<vmem>>, vector<1x16xf32>,
      %get3A_465 = arith.index_cast %scan3A_396 : i32 to index
      %get3A_466 = arith.constant 80 : index
      %get3A_467 = tpu.vector_load %arg10[%get3A_465, %get3A_466] {strides = array<i32>} : memref<200x128xf32, #tpu.memory_space<vmem>>, vector<1x16xf32>,
      %get3A_468 = vector.shape_cast %get3A_467 : vector<1x16xf32> to vector<16xf32>
      %get3A_469 = arith.index_cast %scan3A_396 : i32 to index
      %get3A_470 = arith.constant 80 : index
      %get3A_471 = tpu.vector_load %arg6[%get3A_469, %get3A_470] {strides = array<i32>} : memref<200x128xf32, #tpu.memory_space<vmem>>, vector<1x16xf32>,
      %get3A_472 = vector.shape_cast %get3A_471 : vector<1x16xf32> to vector<16xf32>
      %add3A_473 = arith.addf %get3A_468, %get3A_472 : vector<16xf32>
      %swap3A_474 = arith.index_cast %scan3A_396 : i32 to index
      %swap3A_475 = arith.constant 80 : index
      %swap3A_476 = tpu.vector_load %arg10[%swap3A_474, %swap3A_475] {strides = array<i32>} : memref<200x128xf32, #tpu.memory_space<vmem>>, vector<1x16xf32>,
      %swap3A_477 = vector.shape_cast %swap3A_476 : vector<1x16xf32> to vector<16xf32>
      %swap3A_478 = vector.shape_cast %add3A_473 : vector<16xf32> to vector<1x16xf32>
      tpu.vector_store %arg10[%swap3A_474, %swap3A_475], %swap3A_478 {strides = array<i32>} : memref<200x128xf32, #tpu.memory_space<vmem>>, vector<1x16xf32>,
      %get3A_479 = arith.index_cast %scan3A_396 : i32 to index
      %get3A_480 = arith.constant 96 : index
      %get3A_481 = tpu.vector_load %arg10[%get3A_479, %get3A_480] {strides = array<i32>} : memref<200x128xf32, #tpu.memory_space<vmem>>, vector<1x16xf32>,
      %get3A_482 = vector.shape_cast %get3A_481 : vector<1x16xf32> to vector<16xf32>
      %get3A_483 = arith.index_cast %scan3A_396 : i32 to index
      %get3A_484 = arith.constant 96 : index
      %get3A_485 = tpu.vector_load %arg6[%get3A_483, %get3A_484] {strides = array<i32>} : memref<200x128xf32, #tpu.memory_space<vmem>>, vector<1x16xf32>,
      %get3A_486 = vector.shape_cast %get3A_485 : vector<1x16xf32> to vector<16xf32>
      %add3A_487 = arith.addf %get3A_482, %get3A_486 : vector<16xf32>
      %swap3A_488 = arith.index_cast %scan3A_396 : i32 to index
      %swap3A_489 = arith.constant 96 : index
      %swap3A_490 = tpu.vector_load %arg10[%swap3A_488, %swap3A_489] {strides = array<i32>} : memref<200x128xf32, #tpu.memory_space<vmem>>, vector<1x16xf32>,
      %swap3A_491 = vector.shape_cast %swap3A_490 : vector<1x16xf32> to vector<16xf32>
      %swap3A_492 = vector.shape_cast %add3A_487 : vector<16xf32> to vector<1x16xf32>
      tpu.vector_store %arg10[%swap3A_488, %swap3A_489], %swap3A_492 {strides = array<i32>} : memref<200x128xf32, #tpu.memory_space<vmem>>, vector<1x16xf32>,
      %get3A_493 = arith.index_cast %scan3A_396 : i32 to index
      %get3A_494 = arith.constant 112 : index
      %get3A_495 = tpu.vector_load %arg10[%get3A_493, %get3A_494] {strides = array<i32>} : memref<200x128xf32, #tpu.memory_space<vmem>>, vector<1x16xf32>,
      %get3A_496 = vector.shape_cast %get3A_495 : vector<1x16xf32> to vector<16xf32>
      %get3A_497 = arith.index_cast %scan3A_396 : i32 to index
      %get3A_498 = arith.constant 112 : index
      %get3A_499 = tpu.vector_load %arg6[%get3A_497, %get3A_498] {strides = array<i32>} : memref<200x128xf32, #tpu.memory_space<vmem>>, vector<1x16xf32>,
      %get3A_500 = vector.shape_cast %get3A_499 : vector<1x16xf32> to vector<16xf32>
      %add3A_501 = arith.addf %get3A_496, %get3A_500 : vector<16xf32>
      %swap3A_502 = arith.index_cast %scan3A_396 : i32 to index
      %swap3A_503 = arith.constant 112 : index
      %swap3A_504 = tpu.vector_load %arg10[%swap3A_502, %swap3A_503] {strides = array<i32>} : memref<200x128xf32, #tpu.memory_space<vmem>>, vector<1x16xf32>,
      %swap3A_505 = vector.shape_cast %swap3A_504 : vector<1x16xf32> to vector<16xf32>
      %swap3A_506 = vector.shape_cast %add3A_501 : vector<16xf32> to vector<1x16xf32>
      tpu.vector_store %arg10[%swap3A_502, %swap3A_503], %swap3A_506 {strides = array<i32>} : memref<200x128xf32, #tpu.memory_space<vmem>>, vector<1x16xf32>,
    }
    %scan3A_255 = arith.constant 96 : i32
    %add3A_256 = arith.constant 2 : i32
    %add3A_257 = arith.addi %mul3A_2, %add3A_256 : i32
    %mul3A_258 = arith.constant 200 : i32
    %mul3A_259 = arith.muli %add3A_257, %mul3A_258 : i32
    %add3A_260 = arith.constant 104 : i32
    %add3A_261 = arith.addi %mul3A_259, %add3A_260 : i32
    %dma_start3A_262 = arith.constant 104 : i32
    %dma_start3A_263 = arith.constant 0 : i32
    %dma_start3A_264 = tpu.memref_slice %arg10[%dma_start3A_262, %dma_start3A_263] : memref<200x128xf32, #tpu.memory_space<vmem>> -> memref<96x128xf32, #tpu.memory_space<vmem>>
    %dma_start3A_265 = arith.constant 0 : i32
    %dma_start3A_266 = tpu.memref_slice %arg5[%add3A_261, %dma_start3A_265] : memref<204800x128xf32, #tpu.memory_space<hbm>> -> memref<96x128xf32, #tpu.memory_space<hbm>>
    %dma_start3A_267 = arith.constant 0 : i32
    %dma_start3A_268 = tpu.memref_slice %arg5[%add3A_261, %dma_start3A_267] : memref<204800x128xf32, #tpu.memory_space<hbm>> -> memref<96x128xf32, #tpu.memory_space<hbm>>
    %dma_start3A_269 = arith.constant 104 : i32
    %dma_start3A_270 = arith.constant 0 : i32
    %dma_start3A_271 = tpu.memref_slice %arg10[%dma_start3A_269, %dma_start3A_270] : memref<200x128xf32, #tpu.memory_space<vmem>> -> memref<96x128xf32, #tpu.memory_space<vmem>>
    tpu.enqueue_dma source(%dma_start3A_271 : memref<96x128xf32, #tpu.memory_space<vmem>>) target(%dma_start3A_268 : memref<96x128xf32, #tpu.memory_space<hbm>>) target_semaphore(%arg16 : memref<!tpu.dma_semaphore, #tpu.memory_space<semaphore_mem>>)
    %scan3A_272 = arith.constant 0 : i32
    %scan3A_273 = arith.constant 1 : i32
    %scan3A_274 = arith.constant 9 : i32
    %scan3A_275 = arith.addi %scan3A_273, %scan3A_274 : i32
    %scan3A_276 = arith.constant 1 : i32
    scf.for %scan3A_396 = %scan3A_273 to %scan3A_275 step %scan3A_276  : i32 {
      %mul3A_397 = arith.constant 3 : i32
      %mul3A_398 = arith.muli %mul3A_397, %scan3A_396 : i32
      %dma_wait3A_399 = arith.constant 0 : i32
      %dma_wait3A_400 = arith.constant 0 : i32
      %dma_wait3A_401 = tpu.memref_slice %arg3[%dma_wait3A_399, %dma_wait3A_400] : memref<100000x128xf32, #tpu.memory_space<hbm>> -> memref<200x128xf32, #tpu.memory_space<hbm>>
      %dma_wait3A_402 = arith.constant 0 : i32
      %dma_wait3A_403 = arith.constant 0 : i32
      %dma_wait3A_404 = tpu.memref_slice %arg3[%dma_wait3A_402, %dma_wait3A_403] : memref<100000x128xf32, #tpu.memory_space<hbm>> -> memref<200x128xf32, #tpu.memory_space<hbm>>
      tpu.wait_dma2 semaphore(%arg11 : memref<!tpu.dma_semaphore, #tpu.memory_space<semaphore_mem>>) src(%dma_wait3A_404 : memref<200x128xf32, #tpu.memory_space<hbm>>) dst(%arg8 : memref<200x128xf32, #tpu.memory_space<vmem>>)
      %scan3A_405 = arith.constant 0 : i32
      %scan3A_406 = arith.constant 0 : i32
      %scan3A_407 = arith.constant 104 : i32
      %scan3A_408 = arith.addi %scan3A_406, %scan3A_407 : i32
      %scan3A_409 = arith.constant 1 : i32
      scf.for %scan3A_657 = %scan3A_406 to %scan3A_408 step %scan3A_409  : i32 {
        %get3A = arith.index_cast %scan3A_657 : i32 to index
        %get3A_658 = arith.constant 0 : index
        %get3A_659 = tpu.vector_load %arg8[%get3A, %get3A_658] {strides = array<i32>} : memref<200x128xf32, #tpu.memory_space<vmem>>, vector<1x16xf32>,
        %get3A_660 = vector.shape_cast %get3A_659 : vector<1x16xf32> to vector<16xf32>
        %get3A_661 = arith.index_cast %scan3A_657 : i32 to index
        %get3A_662 = arith.constant 0 : index
        %get3A_663 = tpu.vector_load %arg6[%get3A_661, %get3A_662] {strides = array<i32>} : memref<200x128xf32, #tpu.memory_space<vmem>>, vector<1x16xf32>,
        %get3A_664 = vector.shape_cast %get3A_663 : vector<1x16xf32> to vector<16xf32>
        %add3A_665 = arith.addf %get3A_660, %get3A_664 : vector<16xf32>
        %swap3A = arith.index_cast %scan3A_657 : i32 to index
        %swap3A_666 = arith.constant 0 : index
        %swap3A_667 = tpu.vector_load %arg8[%swap3A, %swap3A_666] {strides = array<i32>} : memref<200x128xf32, #tpu.memory_space<vmem>>, vector<1x16xf32>,
        %swap3A_668 = vector.shape_cast %swap3A_667 : vector<1x16xf32> to vector<16xf32>
        %swap3A_669 = vector.shape_cast %add3A_665 : vector<16xf32> to vector<1x16xf32>
        tpu.vector_store %arg8[%swap3A, %swap3A_666], %swap3A_669 {strides = array<i32>} : memref<200x128xf32, #tpu.memory_space<vmem>>, vector<1x16xf32>,
        %get3A_670 = arith.index_cast %scan3A_657 : i32 to index
        %get3A_671 = arith.constant 16 : index
        %get3A_672 = tpu.vector_load %arg8[%get3A_670, %get3A_671] {strides = array<i32>} : memref<200x128xf32, #tpu.memory_space<vmem>>, vector<1x16xf32>,
        %get3A_673 = vector.shape_cast %get3A_672 : vector<1x16xf32> to vector<16xf32>
        %get3A_674 = arith.index_cast %scan3A_657 : i32 to index
        %get3A_675 = arith.constant 16 : index
        %get3A_676 = tpu.vector_load %arg6[%get3A_674, %get3A_675] {strides = array<i32>} : memref<200x128xf32, #tpu.memory_space<vmem>>, vector<1x16xf32>,
        %get3A_677 = vector.shape_cast %get3A_676 : vector<1x16xf32> to vector<16xf32>
        %add3A_678 = arith.addf %get3A_673, %get3A_677 : vector<16xf32>
        %swap3A_679 = arith.index_cast %scan3A_657 : i32 to index
        %swap3A_680 = arith.constant 16 : index
        %swap3A_681 = tpu.vector_load %arg8[%swap3A_679, %swap3A_680] {strides = array<i32>} : memref<200x128xf32, #tpu.memory_space<vmem>>, vector<1x16xf32>,
        %swap3A_682 = vector.shape_cast %swap3A_681 : vector<1x16xf32> to vector<16xf32>
        %swap3A_683 = vector.shape_cast %add3A_678 : vector<16xf32> to vector<1x16xf32>
        tpu.vector_store %arg8[%swap3A_679, %swap3A_680], %swap3A_683 {strides = array<i32>} : memref<200x128xf32, #tpu.memory_space<vmem>>, vector<1x16xf32>,
        %get3A_684 = arith.index_cast %scan3A_657 : i32 to index
        %get3A_685 = arith.constant 32 : index
        %get3A_686 = tpu.vector_load %arg8[%get3A_684, %get3A_685] {strides = array<i32>} : memref<200x128xf32, #tpu.memory_space<vmem>>, vector<1x16xf32>,
        %get3A_687 = vector.shape_cast %get3A_686 : vector<1x16xf32> to vector<16xf32>
        %get3A_688 = arith.index_cast %scan3A_657 : i32 to index
        %get3A_689 = arith.constant 32 : index
        %get3A_690 = tpu.vector_load %arg6[%get3A_688, %get3A_689] {strides = array<i32>} : memref<200x128xf32, #tpu.memory_space<vmem>>, vector<1x16xf32>,
        %get3A_691 = vector.shape_cast %get3A_690 : vector<1x16xf32> to vector<16xf32>
        %add3A_692 = arith.addf %get3A_687, %get3A_691 : vector<16xf32>
        %swap3A_693 = arith.index_cast %scan3A_657 : i32 to index
        %swap3A_694 = arith.constant 32 : index
        %swap3A_695 = tpu.vector_load %arg8[%swap3A_693, %swap3A_694] {strides = array<i32>} : memref<200x128xf32, #tpu.memory_space<vmem>>, vector<1x16xf32>,
        %swap3A_696 = vector.shape_cast %swap3A_695 : vector<1x16xf32> to vector<16xf32>
        %swap3A_697 = vector.shape_cast %add3A_692 : vector<16xf32> to vector<1x16xf32>
        tpu.vector_store %arg8[%swap3A_693, %swap3A_694], %swap3A_697 {strides = array<i32>} : memref<200x128xf32, #tpu.memory_space<vmem>>, vector<1x16xf32>,
        %get3A_698 = arith.index_cast %scan3A_657 : i32 to index
        %get3A_699 = arith.constant 48 : index
        %get3A_700 = tpu.vector_load %arg8[%get3A_698, %get3A_699] {strides = array<i32>} : memref<200x128xf32, #tpu.memory_space<vmem>>, vector<1x16xf32>,
        %get3A_701 = vector.shape_cast %get3A_700 : vector<1x16xf32> to vector<16xf32>
        %get3A_702 = arith.index_cast %scan3A_657 : i32 to index
        %get3A_703 = arith.constant 48 : index
        %get3A_704 = tpu.vector_load %arg6[%get3A_702, %get3A_703] {strides = array<i32>} : memref<200x128xf32, #tpu.memory_space<vmem>>, vector<1x16xf32>,
        %get3A_705 = vector.shape_cast %get3A_704 : vector<1x16xf32> to vector<16xf32>
        %add3A_706 = arith.addf %get3A_701, %get3A_705 : vector<16xf32>
        %swap3A_707 = arith.index_cast %scan3A_657 : i32 to index
        %swap3A_708 = arith.constant 48 : index
        %swap3A_709 = tpu.vector_load %arg8[%swap3A_707, %swap3A_708] {strides = array<i32>} : memref<200x128xf32, #tpu.memory_space<vmem>>, vector<1x16xf32>,
        %swap3A_710 = vector.shape_cast %swap3A_709 : vector<1x16xf32> to vector<16xf32>
        %swap3A_711 = vector.shape_cast %add3A_706 : vector<16xf32> to vector<1x16xf32>
        tpu.vector_store %arg8[%swap3A_707, %swap3A_708], %swap3A_711 {strides = array<i32>} : memref<200x128xf32, #tpu.memory_space<vmem>>, vector<1x16xf32>,
        %get3A_712 = arith.index_cast %scan3A_657 : i32 to index
        %get3A_713 = arith.constant 64 : index
        %get3A_714 = tpu.vector_load %arg8[%get3A_712, %get3A_713] {strides = array<i32>} : memref<200x128xf32, #tpu.memory_space<vmem>>, vector<1x16xf32>,
        %get3A_715 = vector.shape_cast %get3A_714 : vector<1x16xf32> to vector<16xf32>
        %get3A_716 = arith.index_cast %scan3A_657 : i32 to index
        %get3A_717 = arith.constant 64 : index
        %get3A_718 = tpu.vector_load %arg6[%get3A_716, %get3A_717] {strides = array<i32>} : memref<200x128xf32, #tpu.memory_space<vmem>>, vector<1x16xf32>,
        %get3A_719 = vector.shape_cast %get3A_718 : vector<1x16xf32> to vector<16xf32>
        %add3A_720 = arith.addf %get3A_715, %get3A_719 : vector<16xf32>
        %swap3A_721 = arith.index_cast %scan3A_657 : i32 to index
        %swap3A_722 = arith.constant 64 : index
        %swap3A_723 = tpu.vector_load %arg8[%swap3A_721, %swap3A_722] {strides = array<i32>} : memref<200x128xf32, #tpu.memory_space<vmem>>, vector<1x16xf32>,
        %swap3A_724 = vector.shape_cast %swap3A_723 : vector<1x16xf32> to vector<16xf32>
        %swap3A_725 = vector.shape_cast %add3A_720 : vector<16xf32> to vector<1x16xf32>
        tpu.vector_store %arg8[%swap3A_721, %swap3A_722], %swap3A_725 {strides = array<i32>} : memref<200x128xf32, #tpu.memory_space<vmem>>, vector<1x16xf32>,
        %get3A_726 = arith.index_cast %scan3A_657 : i32 to index
        %get3A_727 = arith.constant 80 : index
        %get3A_728 = tpu.vector_load %arg8[%get3A_726, %get3A_727] {strides = array<i32>} : memref<200x128xf32, #tpu.memory_space<vmem>>, vector<1x16xf32>,
        %get3A_729 = vector.shape_cast %get3A_728 : vector<1x16xf32> to vector<16xf32>
        %get3A_730 = arith.index_cast %scan3A_657 : i32 to index
        %get3A_731 = arith.constant 80 : index
        %get3A_732 = tpu.vector_load %arg6[%get3A_730, %get3A_731] {strides = array<i32>} : memref<200x128xf32, #tpu.memory_space<vmem>>, vector<1x16xf32>,
        %get3A_733 = vector.shape_cast %get3A_732 : vector<1x16xf32> to vector<16xf32>
        %add3A_734 = arith.addf %get3A_729, %get3A_733 : vector<16xf32>
        %swap3A_735 = arith.index_cast %scan3A_657 : i32 to index
        %swap3A_736 = arith.constant 80 : index
        %swap3A_737 = tpu.vector_load %arg8[%swap3A_735, %swap3A_736] {strides = array<i32>} : memref<200x128xf32, #tpu.memory_space<vmem>>, vector<1x16xf32>,
        %swap3A_738 = vector.shape_cast %swap3A_737 : vector<1x16xf32> to vector<16xf32>
        %swap3A_739 = vector.shape_cast %add3A_734 : vector<16xf32> to vector<1x16xf32>
        tpu.vector_store %arg8[%swap3A_735, %swap3A_736], %swap3A_739 {strides = array<i32>} : memref<200x128xf32, #tpu.memory_space<vmem>>, vector<1x16xf32>,
        %get3A_740 = arith.index_cast %scan3A_657 : i32 to index
        %get3A_741 = arith.constant 96 : index
        %get3A_742 = tpu.vector_load %arg8[%get3A_740, %get3A_741] {strides = array<i32>} : memref<200x128xf32, #tpu.memory_space<vmem>>, vector<1x16xf32>,
        %get3A_743 = vector.shape_cast %get3A_742 : vector<1x16xf32> to vector<16xf32>
        %get3A_744 = arith.index_cast %scan3A_657 : i32 to index
        %get3A_745 = arith.constant 96 : index
        %get3A_746 = tpu.vector_load %arg6[%get3A_744, %get3A_745] {strides = array<i32>} : memref<200x128xf32, #tpu.memory_space<vmem>>, vector<1x16xf32>,
        %get3A_747 = vector.shape_cast %get3A_746 : vector<1x16xf32> to vector<16xf32>
        %add3A_748 = arith.addf %get3A_743, %get3A_747 : vector<16xf32>
        %swap3A_749 = arith.index_cast %scan3A_657 : i32 to index
        %swap3A_750 = arith.constant 96 : index
        %swap3A_751 = tpu.vector_load %arg8[%swap3A_749, %swap3A_750] {strides = array<i32>} : memref<200x128xf32, #tpu.memory_space<vmem>>, vector<1x16xf32>,
        %swap3A_752 = vector.shape_cast %swap3A_751 : vector<1x16xf32> to vector<16xf32>
        %swap3A_753 = vector.shape_cast %add3A_748 : vector<16xf32> to vector<1x16xf32>
        tpu.vector_store %arg8[%swap3A_749, %swap3A_750], %swap3A_753 {strides = array<i32>} : memref<200x128xf32, #tpu.memory_space<vmem>>, vector<1x16xf32>,
        %get3A_754 = arith.index_cast %scan3A_657 : i32 to index
        %get3A_755 = arith.constant 112 : index
        %get3A_756 = tpu.vector_load %arg8[%get3A_754, %get3A_755] {strides = array<i32>} : memref<200x128xf32, #tpu.memory_space<vmem>>, vector<1x16xf32>,
        %get3A_757 = vector.shape_cast %get3A_756 : vector<1x16xf32> to vector<16xf32>
        %get3A_758 = arith.index_cast %scan3A_657 : i32 to index
        %get3A_759 = arith.constant 112 : index
        %get3A_760 = tpu.vector_load %arg6[%get3A_758, %get3A_759] {strides = array<i32>} : memref<200x128xf32, #tpu.memory_space<vmem>>, vector<1x16xf32>,
        %get3A_761 = vector.shape_cast %get3A_760 : vector<1x16xf32> to vector<16xf32>
        %add3A_762 = arith.addf %get3A_757, %get3A_761 : vector<16xf32>
        %swap3A_763 = arith.index_cast %scan3A_657 : i32 to index
        %swap3A_764 = arith.constant 112 : index
        %swap3A_765 = tpu.vector_load %arg8[%swap3A_763, %swap3A_764] {strides = array<i32>} : memref<200x128xf32, #tpu.memory_space<vmem>>, vector<1x16xf32>,
        %swap3A_766 = vector.shape_cast %swap3A_765 : vector<1x16xf32> to vector<16xf32>
        %swap3A_767 = vector.shape_cast %add3A_762 : vector<16xf32> to vector<1x16xf32>
        tpu.vector_store %arg8[%swap3A_763, %swap3A_764], %swap3A_767 {strides = array<i32>} : memref<200x128xf32, #tpu.memory_space<vmem>>, vector<1x16xf32>,
      }
      %scan3A_410 = arith.constant 104 : i32
      %add3A_411 = arith.constant 0 : i32
      %add3A_412 = arith.addi %mul3A_398, %add3A_411 : i32
      %add3A_413 = arith.addi %mul3A_2, %add3A_412 : i32
      %mul3A_414 = arith.constant 200 : i32
      %mul3A_415 = arith.muli %add3A_413, %mul3A_414 : i32
      %add3A_416 = arith.constant 0 : i32
      %add3A_417 = arith.addi %mul3A_415, %add3A_416 : i32
      %dma_start3A_418 = arith.constant 0 : i32
      %dma_start3A_419 = arith.constant 0 : i32
      %dma_start3A_420 = tpu.memref_slice %arg8[%dma_start3A_418, %dma_start3A_419] : memref<200x128xf32, #tpu.memory_space<vmem>> -> memref<104x128xf32, #tpu.memory_space<vmem>>
      %dma_start3A_421 = arith.constant 0 : i32
      %dma_start3A_422 = tpu.memref_slice %arg5[%add3A_417, %dma_start3A_421] : memref<204800x128xf32, #tpu.memory_space<hbm>> -> memref<104x128xf32, #tpu.memory_space<hbm>>
      %dma_start3A_423 = arith.constant 0 : i32
      %dma_start3A_424 = tpu.memref_slice %arg5[%add3A_417, %dma_start3A_423] : memref<204800x128xf32, #tpu.memory_space<hbm>> -> memref<104x128xf32, #tpu.memory_space<hbm>>
      %dma_start3A_425 = arith.constant 0 : i32
      %dma_start3A_426 = arith.constant 0 : i32
      %dma_start3A_427 = tpu.memref_slice %arg8[%dma_start3A_425, %dma_start3A_426] : memref<200x128xf32, #tpu.memory_space<vmem>> -> memref<104x128xf32, #tpu.memory_space<vmem>>
      tpu.enqueue_dma source(%dma_start3A_427 : memref<104x128xf32, #tpu.memory_space<vmem>>) target(%dma_start3A_424 : memref<104x128xf32, #tpu.memory_space<hbm>>) target_semaphore(%arg14 : memref<!tpu.dma_semaphore, #tpu.memory_space<semaphore_mem>>)
      %dma_wait3A_428 = arith.constant 0 : i32
      %dma_wait3A_429 = arith.constant 0 : i32
      %dma_wait3A_430 = tpu.memref_slice %arg5[%dma_wait3A_428, %dma_wait3A_429] : memref<204800x128xf32, #tpu.memory_space<hbm>> -> memref<200x128xf32, #tpu.memory_space<hbm>>
      %dma_wait3A_431 = arith.constant 0 : i32
      %dma_wait3A_432 = arith.constant 0 : i32
      %dma_wait3A_433 = tpu.memref_slice %arg5[%dma_wait3A_431, %dma_wait3A_432] : memref<204800x128xf32, #tpu.memory_space<hbm>> -> memref<200x128xf32, #tpu.memory_space<hbm>>
      tpu.wait_dma2 semaphore(%arg16 : memref<!tpu.dma_semaphore, #tpu.memory_space<semaphore_mem>>) src(%arg10 : memref<200x128xf32, #tpu.memory_space<vmem>>) dst(%dma_wait3A_433 : memref<200x128xf32, #tpu.memory_space<hbm>>)
      %add3A_434 = arith.constant 0 : i32
      %add3A_435 = arith.addi %mul3A_398, %add3A_434 : i32
      %add3A_436 = arith.constant 2 : i32
      %add3A_437 = arith.addi %add3A_435, %add3A_436 : i32
      %mul3A_438 = arith.constant 2 : i32
      %mul3A_439 = arith.muli %mul3A_438, %add3A_437 : i32
      %dma_start3A_440 = arith.constant 0 : i32
      %dma_start3A_441 = arith.constant 0 : i32
      %dma_start3A_442 = tpu.memref_slice %arg10[%dma_start3A_440, %dma_start3A_441] : memref<200x128xf32, #tpu.memory_space<vmem>> -> memref<100x128xf32, #tpu.memory_space<vmem>>
      %dma_start3A_443 = arith.constant 0 : i32
      %dma_start3A_444 = tpu.memref_slice %arg7[%mul3A_439, %dma_start3A_443] : memref<64x100xi32, #tpu.memory_space<vmem>> -> memref<1x100xi32, #tpu.memory_space<vmem>>
      %dma_start3A_445 = tpu.memref_squeeze %dma_start3A_444 : memref<1x100xi32, #tpu.memory_space<vmem>> -> memref<100xi32, #tpu.memory_space<vmem>>
      %dma_start3A_446 = arith.constant 0 : i32
      %dma_start3A_447 = arith.constant 0 : i32
      %dma_start3A_448 = tpu.memref_slice %arg3[%dma_start3A_446, %dma_start3A_447] : memref<100000x128xf32, #tpu.memory_space<hbm>> -> memref<100000x128xf32, #tpu.memory_space<hbm>>
      tpu.enqueue_indirect_dma source(%dma_start3A_448 : memref<100000x128xf32, #tpu.memory_space<hbm>>) target(%dma_start3A_442 : memref<100x128xf32, #tpu.memory_space<vmem>>) offsets(%dma_start3A_445 : memref<100xi32, #tpu.memory_space<vmem>>) semaphore(%arg13 : memref<!tpu.dma_semaphore, #tpu.memory_space<semaphore_mem>>)
      %mul3A_449 = arith.constant 2 : i32
      %mul3A_450 = arith.muli %mul3A_449, %add3A_437 : i32
      %add3A_451 = arith.constant 1 : i32
      %add3A_452 = arith.addi %mul3A_450, %add3A_451 : i32
      %dma_start3A_453 = arith.constant 100 : i32
      %dma_start3A_454 = arith.constant 0 : i32
      %dma_start3A_455 = tpu.memref_slice %arg10[%dma_start3A_453, %dma_start3A_454] : memref<200x128xf32, #tpu.memory_space<vmem>> -> memref<100x128xf32, #tpu.memory_space<vmem>>
      %dma_start3A_456 = arith.constant 0 : i32
      %dma_start3A_457 = tpu.memref_slice %arg7[%add3A_452, %dma_start3A_456] : memref<64x100xi32, #tpu.memory_space<vmem>> -> memref<1x100xi32, #tpu.memory_space<vmem>>
      %dma_start3A_458 = tpu.memref_squeeze %dma_start3A_457 : memref<1x100xi32, #tpu.memory_space<vmem>> -> memref<100xi32, #tpu.memory_space<vmem>>
      %dma_start3A_459 = arith.constant 0 : i32
      %dma_start3A_460 = arith.constant 0 : i32
      %dma_start3A_461 = tpu.memref_slice %arg3[%dma_start3A_459, %dma_start3A_460] : memref<100000x128xf32, #tpu.memory_space<hbm>> -> memref<100000x128xf32, #tpu.memory_space<hbm>>
      tpu.enqueue_indirect_dma source(%dma_start3A_461 : memref<100000x128xf32, #tpu.memory_space<hbm>>) target(%dma_start3A_455 : memref<100x128xf32, #tpu.memory_space<vmem>>) offsets(%dma_start3A_458 : memref<100xi32, #tpu.memory_space<vmem>>) semaphore(%arg13 : memref<!tpu.dma_semaphore, #tpu.memory_space<semaphore_mem>>)
      %scan3A_462 = arith.constant 0 : i32
      %scan3A_463 = arith.constant 104 : i32
      %scan3A_464 = arith.constant 96 : i32
      %scan3A_465 = arith.addi %scan3A_463, %scan3A_464 : i32
      %scan3A_466 = arith.constant 1 : i32
      scf.for %scan3A_657 = %scan3A_463 to %scan3A_465 step %scan3A_466  : i32 {
        %get3A = arith.index_cast %scan3A_657 : i32 to index
        %get3A_658 = arith.constant 0 : index
        %get3A_659 = tpu.vector_load %arg8[%get3A, %get3A_658] {strides = array<i32>} : memref<200x128xf32, #tpu.memory_space<vmem>>, vector<1x16xf32>,
        %get3A_660 = vector.shape_cast %get3A_659 : vector<1x16xf32> to vector<16xf32>
        %get3A_661 = arith.index_cast %scan3A_657 : i32 to index
        %get3A_662 = arith.constant 0 : index
        %get3A_663 = tpu.vector_load %arg6[%get3A_661, %get3A_662] {strides = array<i32>} : memref<200x128xf32, #tpu.memory_space<vmem>>, vector<1x16xf32>,
        %get3A_664 = vector.shape_cast %get3A_663 : vector<1x16xf32> to vector<16xf32>
        %add3A_665 = arith.addf %get3A_660, %get3A_664 : vector<16xf32>
        %swap3A = arith.index_cast %scan3A_657 : i32 to index
        %swap3A_666 = arith.constant 0 : index
        %swap3A_667 = tpu.vector_load %arg8[%swap3A, %swap3A_666] {strides = array<i32>} : memref<200x128xf32, #tpu.memory_space<vmem>>, vector<1x16xf32>,
        %swap3A_668 = vector.shape_cast %swap3A_667 : vector<1x16xf32> to vector<16xf32>
        %swap3A_669 = vector.shape_cast %add3A_665 : vector<16xf32> to vector<1x16xf32>
        tpu.vector_store %arg8[%swap3A, %swap3A_666], %swap3A_669 {strides = array<i32>} : memref<200x128xf32, #tpu.memory_space<vmem>>, vector<1x16xf32>,
        %get3A_670 = arith.index_cast %scan3A_657 : i32 to index
        %get3A_671 = arith.constant 16 : index
        %get3A_672 = tpu.vector_load %arg8[%get3A_670, %get3A_671] {strides = array<i32>} : memref<200x128xf32, #tpu.memory_space<vmem>>, vector<1x16xf32>,
        %get3A_673 = vector.shape_cast %get3A_672 : vector<1x16xf32> to vector<16xf32>
        %get3A_674 = arith.index_cast %scan3A_657 : i32 to index
        %get3A_675 = arith.constant 16 : index
        %get3A_676 = tpu.vector_load %arg6[%get3A_674, %get3A_675] {strides = array<i32>} : memref<200x128xf32, #tpu.memory_space<vmem>>, vector<1x16xf32>,
        %get3A_677 = vector.shape_cast %get3A_676 : vector<1x16xf32> to vector<16xf32>
        %add3A_678 = arith.addf %get3A_673, %get3A_677 : vector<16xf32>
        %swap3A_679 = arith.index_cast %scan3A_657 : i32 to index
        %swap3A_680 = arith.constant 16 : index
        %swap3A_681 = tpu.vector_load %arg8[%swap3A_679, %swap3A_680] {strides = array<i32>} : memref<200x128xf32, #tpu.memory_space<vmem>>, vector<1x16xf32>,
        %swap3A_682 = vector.shape_cast %swap3A_681 : vector<1x16xf32> to vector<16xf32>
        %swap3A_683 = vector.shape_cast %add3A_678 : vector<16xf32> to vector<1x16xf32>
        tpu.vector_store %arg8[%swap3A_679, %swap3A_680], %swap3A_683 {strides = array<i32>} : memref<200x128xf32, #tpu.memory_space<vmem>>, vector<1x16xf32>,
        %get3A_684 = arith.index_cast %scan3A_657 : i32 to index
        %get3A_685 = arith.constant 32 : index
        %get3A_686 = tpu.vector_load %arg8[%get3A_684, %get3A_685] {strides = array<i32>} : memref<200x128xf32, #tpu.memory_space<vmem>>, vector<1x16xf32>,
        %get3A_687 = vector.shape_cast %get3A_686 : vector<1x16xf32> to vector<16xf32>
        %get3A_688 = arith.index_cast %scan3A_657 : i32 to index
        %get3A_689 = arith.constant 32 : index
        %get3A_690 = tpu.vector_load %arg6[%get3A_688, %get3A_689] {strides = array<i32>} : memref<200x128xf32, #tpu.memory_space<vmem>>, vector<1x16xf32>,
        %get3A_691 = vector.shape_cast %get3A_690 : vector<1x16xf32> to vector<16xf32>
        %add3A_692 = arith.addf %get3A_687, %get3A_691 : vector<16xf32>
        %swap3A_693 = arith.index_cast %scan3A_657 : i32 to index
        %swap3A_694 = arith.constant 32 : index
        %swap3A_695 = tpu.vector_load %arg8[%swap3A_693, %swap3A_694] {strides = array<i32>} : memref<200x128xf32, #tpu.memory_space<vmem>>, vector<1x16xf32>,
        %swap3A_696 = vector.shape_cast %swap3A_695 : vector<1x16xf32> to vector<16xf32>
        %swap3A_697 = vector.shape_cast %add3A_692 : vector<16xf32> to vector<1x16xf32>
        tpu.vector_store %arg8[%swap3A_693, %swap3A_694], %swap3A_697 {strides = array<i32>} : memref<200x128xf32, #tpu.memory_space<vmem>>, vector<1x16xf32>,
        %get3A_698 = arith.index_cast %scan3A_657 : i32 to index
        %get3A_699 = arith.constant 48 : index
        %get3A_700 = tpu.vector_load %arg8[%get3A_698, %get3A_699] {strides = array<i32>} : memref<200x128xf32, #tpu.memory_space<vmem>>, vector<1x16xf32>,
        %get3A_701 = vector.shape_cast %get3A_700 : vector<1x16xf32> to vector<16xf32>
        %get3A_702 = arith.index_cast %scan3A_657 : i32 to index
        %get3A_703 = arith.constant 48 : index
        %get3A_704 = tpu.vector_load %arg6[%get3A_702, %get3A_703] {strides = array<i32>} : memref<200x128xf32, #tpu.memory_space<vmem>>, vector<1x16xf32>,
        %get3A_705 = vector.shape_cast %get3A_704 : vector<1x16xf32> to vector<16xf32>
        %add3A_706 = arith.addf %get3A_701, %get3A_705 : vector<16xf32>
        %swap3A_707 = arith.index_cast %scan3A_657 : i32 to index
        %swap3A_708 = arith.constant 48 : index
        %swap3A_709 = tpu.vector_load %arg8[%swap3A_707, %swap3A_708] {strides = array<i32>} : memref<200x128xf32, #tpu.memory_space<vmem>>, vector<1x16xf32>,
        %swap3A_710 = vector.shape_cast %swap3A_709 : vector<1x16xf32> to vector<16xf32>
        %swap3A_711 = vector.shape_cast %add3A_706 : vector<16xf32> to vector<1x16xf32>
        tpu.vector_store %arg8[%swap3A_707, %swap3A_708], %swap3A_711 {strides = array<i32>} : memref<200x128xf32, #tpu.memory_space<vmem>>, vector<1x16xf32>,
        %get3A_712 = arith.index_cast %scan3A_657 : i32 to index
        %get3A_713 = arith.constant 64 : index
        %get3A_714 = tpu.vector_load %arg8[%get3A_712, %get3A_713] {strides = array<i32>} : memref<200x128xf32, #tpu.memory_space<vmem>>, vector<1x16xf32>,
        %get3A_715 = vector.shape_cast %get3A_714 : vector<1x16xf32> to vector<16xf32>
        %get3A_716 = arith.index_cast %scan3A_657 : i32 to index
        %get3A_717 = arith.constant 64 : index
        %get3A_718 = tpu.vector_load %arg6[%get3A_716, %get3A_717] {strides = array<i32>} : memref<200x128xf32, #tpu.memory_space<vmem>>, vector<1x16xf32>,
        %get3A_719 = vector.shape_cast %get3A_718 : vector<1x16xf32> to vector<16xf32>
        %add3A_720 = arith.addf %get3A_715, %get3A_719 : vector<16xf32>
        %swap3A_721 = arith.index_cast %scan3A_657 : i32 to index
        %swap3A_722 = arith.constant 64 : index
        %swap3A_723 = tpu.vector_load %arg8[%swap3A_721, %swap3A_722] {strides = array<i32>} : memref<200x128xf32, #tpu.memory_space<vmem>>, vector<1x16xf32>,
        %swap3A_724 = vector.shape_cast %swap3A_723 : vector<1x16xf32> to vector<16xf32>
        %swap3A_725 = vector.shape_cast %add3A_720 : vector<16xf32> to vector<1x16xf32>
        tpu.vector_store %arg8[%swap3A_721, %swap3A_722], %swap3A_725 {strides = array<i32>} : memref<200x128xf32, #tpu.memory_space<vmem>>, vector<1x16xf32>,
        %get3A_726 = arith.index_cast %scan3A_657 : i32 to index
        %get3A_727 = arith.constant 80 : index
        %get3A_728 = tpu.vector_load %arg8[%get3A_726, %get3A_727] {strides = array<i32>} : memref<200x128xf32, #tpu.memory_space<vmem>>, vector<1x16xf32>,
        %get3A_729 = vector.shape_cast %get3A_728 : vector<1x16xf32> to vector<16xf32>
        %get3A_730 = arith.index_cast %scan3A_657 : i32 to index
        %get3A_731 = arith.constant 80 : index
        %get3A_732 = tpu.vector_load %arg6[%get3A_730, %get3A_731] {strides = array<i32>} : memref<200x128xf32, #tpu.memory_space<vmem>>, vector<1x16xf32>,
        %get3A_733 = vector.shape_cast %get3A_732 : vector<1x16xf32> to vector<16xf32>
        %add3A_734 = arith.addf %get3A_729, %get3A_733 : vector<16xf32>
        %swap3A_735 = arith.index_cast %scan3A_657 : i32 to index
        %swap3A_736 = arith.constant 80 : index
        %swap3A_737 = tpu.vector_load %arg8[%swap3A_735, %swap3A_736] {strides = array<i32>} : memref<200x128xf32, #tpu.memory_space<vmem>>, vector<1x16xf32>,
        %swap3A_738 = vector.shape_cast %swap3A_737 : vector<1x16xf32> to vector<16xf32>
        %swap3A_739 = vector.shape_cast %add3A_734 : vector<16xf32> to vector<1x16xf32>
        tpu.vector_store %arg8[%swap3A_735, %swap3A_736], %swap3A_739 {strides = array<i32>} : memref<200x128xf32, #tpu.memory_space<vmem>>, vector<1x16xf32>,
        %get3A_740 = arith.index_cast %scan3A_657 : i32 to index
        %get3A_741 = arith.constant 96 : index
        %get3A_742 = tpu.vector_load %arg8[%get3A_740, %get3A_741] {strides = array<i32>} : memref<200x128xf32, #tpu.memory_space<vmem>>, vector<1x16xf32>,
        %get3A_743 = vector.shape_cast %get3A_742 : vector<1x16xf32> to vector<16xf32>
        %get3A_744 = arith.index_cast %scan3A_657 : i32 to index
        %get3A_745 = arith.constant 96 : index
        %get3A_746 = tpu.vector_load %arg6[%get3A_744, %get3A_745] {strides = array<i32>} : memref<200x128xf32, #tpu.memory_space<vmem>>, vector<1x16xf32>,
        %get3A_747 = vector.shape_cast %get3A_746 : vector<1x16xf32> to vector<16xf32>
        %add3A_748 = arith.addf %get3A_743, %get3A_747 : vector<16xf32>
        %swap3A_749 = arith.index_cast %scan3A_657 : i32 to index
        %swap3A_750 = arith.constant 96 : index
        %swap3A_751 = tpu.vector_load %arg8[%swap3A_749, %swap3A_750] {strides = array<i32>} : memref<200x128xf32, #tpu.memory_space<vmem>>, vector<1x16xf32>,
        %swap3A_752 = vector.shape_cast %swap3A_751 : vector<1x16xf32> to vector<16xf32>
        %swap3A_753 = vector.shape_cast %add3A_748 : vector<16xf32> to vector<1x16xf32>
        tpu.vector_store %arg8[%swap3A_749, %swap3A_750], %swap3A_753 {strides = array<i32>} : memref<200x128xf32, #tpu.memory_space<vmem>>, vector<1x16xf32>,
        %get3A_754 = arith.index_cast %scan3A_657 : i32 to index
        %get3A_755 = arith.constant 112 : index
        %get3A_756 = tpu.vector_load %arg8[%get3A_754, %get3A_755] {strides = array<i32>} : memref<200x128xf32, #tpu.memory_space<vmem>>, vector<1x16xf32>,
        %get3A_757 = vector.shape_cast %get3A_756 : vector<1x16xf32> to vector<16xf32>
        %get3A_758 = arith.index_cast %scan3A_657 : i32 to index
        %get3A_759 = arith.constant 112 : index
        %get3A_760 = tpu.vector_load %arg6[%get3A_758, %get3A_759] {strides = array<i32>} : memref<200x128xf32, #tpu.memory_space<vmem>>, vector<1x16xf32>,
        %get3A_761 = vector.shape_cast %get3A_760 : vector<1x16xf32> to vector<16xf32>
        %add3A_762 = arith.addf %get3A_757, %get3A_761 : vector<16xf32>
        %swap3A_763 = arith.index_cast %scan3A_657 : i32 to index
        %swap3A_764 = arith.constant 112 : index
        %swap3A_765 = tpu.vector_load %arg8[%swap3A_763, %swap3A_764] {strides = array<i32>} : memref<200x128xf32, #tpu.memory_space<vmem>>, vector<1x16xf32>,
        %swap3A_766 = vector.shape_cast %swap3A_765 : vector<1x16xf32> to vector<16xf32>
        %swap3A_767 = vector.shape_cast %add3A_762 : vector<16xf32> to vector<1x16xf32>
        tpu.vector_store %arg8[%swap3A_763, %swap3A_764], %swap3A_767 {strides = array<i32>} : memref<200x128xf32, #tpu.memory_space<vmem>>, vector<1x16xf32>,
      }
      %scan3A_467 = arith.constant 96 : i32
      %add3A_468 = arith.constant 0 : i32
      %add3A_469 = arith.addi %mul3A_398, %add3A_468 : i32
      %add3A_470 = arith.addi %mul3A_2, %add3A_469 : i32
      %mul3A_471 = arith.constant 200 : i32
      %mul3A_472 = arith.muli %add3A_470, %mul3A_471 : i32
      %add3A_473 = arith.constant 104 : i32
      %add3A_474 = arith.addi %mul3A_472, %add3A_473 : i32
      %dma_start3A_475 = arith.constant 104 : i32
      %dma_start3A_476 = arith.constant 0 : i32
      %dma_start3A_477 = tpu.memref_slice %arg8[%dma_start3A_475, %dma_start3A_476] : memref<200x128xf32, #tpu.memory_space<vmem>> -> memref<96x128xf32, #tpu.memory_space<vmem>>
      %dma_start3A_478 = arith.constant 0 : i32
      %dma_start3A_479 = tpu.memref_slice %arg5[%add3A_474, %dma_start3A_478] : memref<204800x128xf32, #tpu.memory_space<hbm>> -> memref<96x128xf32, #tpu.memory_space<hbm>>
      %dma_start3A_480 = arith.constant 0 : i32
      %dma_start3A_481 = tpu.memref_slice %arg5[%add3A_474, %dma_start3A_480] : memref<204800x128xf32, #tpu.memory_space<hbm>> -> memref<96x128xf32, #tpu.memory_space<hbm>>
      %dma_start3A_482 = arith.constant 104 : i32
      %dma_start3A_483 = arith.constant 0 : i32
      %dma_start3A_484 = tpu.memref_slice %arg8[%dma_start3A_482, %dma_start3A_483] : memref<200x128xf32, #tpu.memory_space<vmem>> -> memref<96x128xf32, #tpu.memory_space<vmem>>
      tpu.enqueue_dma source(%dma_start3A_484 : memref<96x128xf32, #tpu.memory_space<vmem>>) target(%dma_start3A_481 : memref<96x128xf32, #tpu.memory_space<hbm>>) target_semaphore(%arg14 : memref<!tpu.dma_semaphore, #tpu.memory_space<semaphore_mem>>)
      %dma_wait3A_485 = arith.constant 0 : i32
      %dma_wait3A_486 = arith.constant 0 : i32
      %dma_wait3A_487 = tpu.memref_slice %arg3[%dma_wait3A_485, %dma_wait3A_486] : memref<100000x128xf32, #tpu.memory_space<hbm>> -> memref<200x128xf32, #tpu.memory_space<hbm>>
      %dma_wait3A_488 = arith.constant 0 : i32
      %dma_wait3A_489 = arith.constant 0 : i32
      %dma_wait3A_490 = tpu.memref_slice %arg3[%dma_wait3A_488, %dma_wait3A_489] : memref<100000x128xf32, #tpu.memory_space<hbm>> -> memref<200x128xf32, #tpu.memory_space<hbm>>
      tpu.wait_dma2 semaphore(%arg12 : memref<!tpu.dma_semaphore, #tpu.memory_space<semaphore_mem>>) src(%dma_wait3A_490 : memref<200x128xf32, #tpu.memory_space<hbm>>) dst(%arg9 : memref<200x128xf32, #tpu.memory_space<vmem>>)
      %scan3A_491 = arith.constant 0 : i32
      %scan3A_492 = arith.constant 0 : i32
      %scan3A_493 = arith.constant 104 : i32
      %scan3A_494 = arith.addi %scan3A_492, %scan3A_493 : i32
      %scan3A_495 = arith.constant 1 : i32
      scf.for %scan3A_657 = %scan3A_492 to %scan3A_494 step %scan3A_495  : i32 {
        %get3A = arith.index_cast %scan3A_657 : i32 to index
        %get3A_658 = arith.constant 0 : index
        %get3A_659 = tpu.vector_load %arg9[%get3A, %get3A_658] {strides = array<i32>} : memref<200x128xf32, #tpu.memory_space<vmem>>, vector<1x16xf32>,
        %get3A_660 = vector.shape_cast %get3A_659 : vector<1x16xf32> to vector<16xf32>
        %get3A_661 = arith.index_cast %scan3A_657 : i32 to index
        %get3A_662 = arith.constant 0 : index
        %get3A_663 = tpu.vector_load %arg6[%get3A_661, %get3A_662] {strides = array<i32>} : memref<200x128xf32, #tpu.memory_space<vmem>>, vector<1x16xf32>,
        %get3A_664 = vector.shape_cast %get3A_663 : vector<1x16xf32> to vector<16xf32>
        %add3A_665 = arith.addf %get3A_660, %get3A_664 : vector<16xf32>
        %swap3A = arith.index_cast %scan3A_657 : i32 to index
        %swap3A_666 = arith.constant 0 : index
        %swap3A_667 = tpu.vector_load %arg9[%swap3A, %swap3A_666] {strides = array<i32>} : memref<200x128xf32, #tpu.memory_space<vmem>>, vector<1x16xf32>,
        %swap3A_668 = vector.shape_cast %swap3A_667 : vector<1x16xf32> to vector<16xf32>
        %swap3A_669 = vector.shape_cast %add3A_665 : vector<16xf32> to vector<1x16xf32>
        tpu.vector_store %arg9[%swap3A, %swap3A_666], %swap3A_669 {strides = array<i32>} : memref<200x128xf32, #tpu.memory_space<vmem>>, vector<1x16xf32>,
        %get3A_670 = arith.index_cast %scan3A_657 : i32 to index
        %get3A_671 = arith.constant 16 : index
        %get3A_672 = tpu.vector_load %arg9[%get3A_670, %get3A_671] {strides = array<i32>} : memref<200x128xf32, #tpu.memory_space<vmem>>, vector<1x16xf32>,
        %get3A_673 = vector.shape_cast %get3A_672 : vector<1x16xf32> to vector<16xf32>
        %get3A_674 = arith.index_cast %scan3A_657 : i32 to index
        %get3A_675 = arith.constant 16 : index
        %get3A_676 = tpu.vector_load %arg6[%get3A_674, %get3A_675] {strides = array<i32>} : memref<200x128xf32, #tpu.memory_space<vmem>>, vector<1x16xf32>,
        %get3A_677 = vector.shape_cast %get3A_676 : vector<1x16xf32> to vector<16xf32>
        %add3A_678 = arith.addf %get3A_673, %get3A_677 : vector<16xf32>
        %swap3A_679 = arith.index_cast %scan3A_657 : i32 to index
        %swap3A_680 = arith.constant 16 : index
        %swap3A_681 = tpu.vector_load %arg9[%swap3A_679, %swap3A_680] {strides = array<i32>} : memref<200x128xf32, #tpu.memory_space<vmem>>, vector<1x16xf32>,
        %swap3A_682 = vector.shape_cast %swap3A_681 : vector<1x16xf32> to vector<16xf32>
        %swap3A_683 = vector.shape_cast %add3A_678 : vector<16xf32> to vector<1x16xf32>
        tpu.vector_store %arg9[%swap3A_679, %swap3A_680], %swap3A_683 {strides = array<i32>} : memref<200x128xf32, #tpu.memory_space<vmem>>, vector<1x16xf32>,
        %get3A_684 = arith.index_cast %scan3A_657 : i32 to index
        %get3A_685 = arith.constant 32 : index
        %get3A_686 = tpu.vector_load %arg9[%get3A_684, %get3A_685] {strides = array<i32>} : memref<200x128xf32, #tpu.memory_space<vmem>>, vector<1x16xf32>,
        %get3A_687 = vector.shape_cast %get3A_686 : vector<1x16xf32> to vector<16xf32>
        %get3A_688 = arith.index_cast %scan3A_657 : i32 to index
        %get3A_689 = arith.constant 32 : index
        %get3A_690 = tpu.vector_load %arg6[%get3A_688, %get3A_689] {strides = array<i32>} : memref<200x128xf32, #tpu.memory_space<vmem>>, vector<1x16xf32>,
        %get3A_691 = vector.shape_cast %get3A_690 : vector<1x16xf32> to vector<16xf32>
        %add3A_692 = arith.addf %get3A_687, %get3A_691 : vector<16xf32>
        %swap3A_693 = arith.index_cast %scan3A_657 : i32 to index
        %swap3A_694 = arith.constant 32 : index
        %swap3A_695 = tpu.vector_load %arg9[%swap3A_693, %swap3A_694] {strides = array<i32>} : memref<200x128xf32, #tpu.memory_space<vmem>>, vector<1x16xf32>,
        %swap3A_696 = vector.shape_cast %swap3A_695 : vector<1x16xf32> to vector<16xf32>
        %swap3A_697 = vector.shape_cast %add3A_692 : vector<16xf32> to vector<1x16xf32>
        tpu.vector_store %arg9[%swap3A_693, %swap3A_694], %swap3A_697 {strides = array<i32>} : memref<200x128xf32, #tpu.memory_space<vmem>>, vector<1x16xf32>,
        %get3A_698 = arith.index_cast %scan3A_657 : i32 to index
        %get3A_699 = arith.constant 48 : index
        %get3A_700 = tpu.vector_load %arg9[%get3A_698, %get3A_699] {strides = array<i32>} : memref<200x128xf32, #tpu.memory_space<vmem>>, vector<1x16xf32>,
        %get3A_701 = vector.shape_cast %get3A_700 : vector<1x16xf32> to vector<16xf32>
        %get3A_702 = arith.index_cast %scan3A_657 : i32 to index
        %get3A_703 = arith.constant 48 : index
        %get3A_704 = tpu.vector_load %arg6[%get3A_702, %get3A_703] {strides = array<i32>} : memref<200x128xf32, #tpu.memory_space<vmem>>, vector<1x16xf32>,
        %get3A_705 = vector.shape_cast %get3A_704 : vector<1x16xf32> to vector<16xf32>
        %add3A_706 = arith.addf %get3A_701, %get3A_705 : vector<16xf32>
        %swap3A_707 = arith.index_cast %scan3A_657 : i32 to index
        %swap3A_708 = arith.constant 48 : index
        %swap3A_709 = tpu.vector_load %arg9[%swap3A_707, %swap3A_708] {strides = array<i32>} : memref<200x128xf32, #tpu.memory_space<vmem>>, vector<1x16xf32>,
        %swap3A_710 = vector.shape_cast %swap3A_709 : vector<1x16xf32> to vector<16xf32>
        %swap3A_711 = vector.shape_cast %add3A_706 : vector<16xf32> to vector<1x16xf32>
        tpu.vector_store %arg9[%swap3A_707, %swap3A_708], %swap3A_711 {strides = array<i32>} : memref<200x128xf32, #tpu.memory_space<vmem>>, vector<1x16xf32>,
        %get3A_712 = arith.index_cast %scan3A_657 : i32 to index
        %get3A_713 = arith.constant 64 : index
        %get3A_714 = tpu.vector_load %arg9[%get3A_712, %get3A_713] {strides = array<i32>} : memref<200x128xf32, #tpu.memory_space<vmem>>, vector<1x16xf32>,
        %get3A_715 = vector.shape_cast %get3A_714 : vector<1x16xf32> to vector<16xf32>
        %get3A_716 = arith.index_cast %scan3A_657 : i32 to index
        %get3A_717 = arith.constant 64 : index
        %get3A_718 = tpu.vector_load %arg6[%get3A_716, %get3A_717] {strides = array<i32>} : memref<200x128xf32, #tpu.memory_space<vmem>>, vector<1x16xf32>,
        %get3A_719 = vector.shape_cast %get3A_718 : vector<1x16xf32> to vector<16xf32>
        %add3A_720 = arith.addf %get3A_715, %get3A_719 : vector<16xf32>
        %swap3A_721 = arith.index_cast %scan3A_657 : i32 to index
        %swap3A_722 = arith.constant 64 : index
        %swap3A_723 = tpu.vector_load %arg9[%swap3A_721, %swap3A_722] {strides = array<i32>} : memref<200x128xf32, #tpu.memory_space<vmem>>, vector<1x16xf32>,
        %swap3A_724 = vector.shape_cast %swap3A_723 : vector<1x16xf32> to vector<16xf32>
        %swap3A_725 = vector.shape_cast %add3A_720 : vector<16xf32> to vector<1x16xf32>
        tpu.vector_store %arg9[%swap3A_721, %swap3A_722], %swap3A_725 {strides = array<i32>} : memref<200x128xf32, #tpu.memory_space<vmem>>, vector<1x16xf32>,
        %get3A_726 = arith.index_cast %scan3A_657 : i32 to index
        %get3A_727 = arith.constant 80 : index
        %get3A_728 = tpu.vector_load %arg9[%get3A_726, %get3A_727] {strides = array<i32>} : memref<200x128xf32, #tpu.memory_space<vmem>>, vector<1x16xf32>,
        %get3A_729 = vector.shape_cast %get3A_728 : vector<1x16xf32> to vector<16xf32>
        %get3A_730 = arith.index_cast %scan3A_657 : i32 to index
        %get3A_731 = arith.constant 80 : index
        %get3A_732 = tpu.vector_load %arg6[%get3A_730, %get3A_731] {strides = array<i32>} : memref<200x128xf32, #tpu.memory_space<vmem>>, vector<1x16xf32>,
        %get3A_733 = vector.shape_cast %get3A_732 : vector<1x16xf32> to vector<16xf32>
        %add3A_734 = arith.addf %get3A_729, %get3A_733 : vector<16xf32>
        %swap3A_735 = arith.index_cast %scan3A_657 : i32 to index
        %swap3A_736 = arith.constant 80 : index
        %swap3A_737 = tpu.vector_load %arg9[%swap3A_735, %swap3A_736] {strides = array<i32>} : memref<200x128xf32, #tpu.memory_space<vmem>>, vector<1x16xf32>,
        %swap3A_738 = vector.shape_cast %swap3A_737 : vector<1x16xf32> to vector<16xf32>
        %swap3A_739 = vector.shape_cast %add3A_734 : vector<16xf32> to vector<1x16xf32>
        tpu.vector_store %arg9[%swap3A_735, %swap3A_736], %swap3A_739 {strides = array<i32>} : memref<200x128xf32, #tpu.memory_space<vmem>>, vector<1x16xf32>,
        %get3A_740 = arith.index_cast %scan3A_657 : i32 to index
        %get3A_741 = arith.constant 96 : index
        %get3A_742 = tpu.vector_load %arg9[%get3A_740, %get3A_741] {strides = array<i32>} : memref<200x128xf32, #tpu.memory_space<vmem>>, vector<1x16xf32>,
        %get3A_743 = vector.shape_cast %get3A_742 : vector<1x16xf32> to vector<16xf32>
        %get3A_744 = arith.index_cast %scan3A_657 : i32 to index
        %get3A_745 = arith.constant 96 : index
        %get3A_746 = tpu.vector_load %arg6[%get3A_744, %get3A_745] {strides = array<i32>} : memref<200x128xf32, #tpu.memory_space<vmem>>, vector<1x16xf32>,
        %get3A_747 = vector.shape_cast %get3A_746 : vector<1x16xf32> to vector<16xf32>
        %add3A_748 = arith.addf %get3A_743, %get3A_747 : vector<16xf32>
        %swap3A_749 = arith.index_cast %scan3A_657 : i32 to index
        %swap3A_750 = arith.constant 96 : index
        %swap3A_751 = tpu.vector_load %arg9[%swap3A_749, %swap3A_750] {strides = array<i32>} : memref<200x128xf32, #tpu.memory_space<vmem>>, vector<1x16xf32>,
        %swap3A_752 = vector.shape_cast %swap3A_751 : vector<1x16xf32> to vector<16xf32>
        %swap3A_753 = vector.shape_cast %add3A_748 : vector<16xf32> to vector<1x16xf32>
        tpu.vector_store %arg9[%swap3A_749, %swap3A_750], %swap3A_753 {strides = array<i32>} : memref<200x128xf32, #tpu.memory_space<vmem>>, vector<1x16xf32>,
        %get3A_754 = arith.index_cast %scan3A_657 : i32 to index
        %get3A_755 = arith.constant 112 : index
        %get3A_756 = tpu.vector_load %arg9[%get3A_754, %get3A_755] {strides = array<i32>} : memref<200x128xf32, #tpu.memory_space<vmem>>, vector<1x16xf32>,
        %get3A_757 = vector.shape_cast %get3A_756 : vector<1x16xf32> to vector<16xf32>
        %get3A_758 = arith.index_cast %scan3A_657 : i32 to index
        %get3A_759 = arith.constant 112 : index
        %get3A_760 = tpu.vector_load %arg6[%get3A_758, %get3A_759] {strides = array<i32>} : memref<200x128xf32, #tpu.memory_space<vmem>>, vector<1x16xf32>,
        %get3A_761 = vector.shape_cast %get3A_760 : vector<1x16xf32> to vector<16xf32>
        %add3A_762 = arith.addf %get3A_757, %get3A_761 : vector<16xf32>
        %swap3A_763 = arith.index_cast %scan3A_657 : i32 to index
        %swap3A_764 = arith.constant 112 : index
        %swap3A_765 = tpu.vector_load %arg9[%swap3A_763, %swap3A_764] {strides = array<i32>} : memref<200x128xf32, #tpu.memory_space<vmem>>, vector<1x16xf32>,
        %swap3A_766 = vector.shape_cast %swap3A_765 : vector<1x16xf32> to vector<16xf32>
        %swap3A_767 = vector.shape_cast %add3A_762 : vector<16xf32> to vector<1x16xf32>
        tpu.vector_store %arg9[%swap3A_763, %swap3A_764], %swap3A_767 {strides = array<i32>} : memref<200x128xf32, #tpu.memory_space<vmem>>, vector<1x16xf32>,
      }
      %scan3A_496 = arith.constant 104 : i32
      %add3A_497 = arith.constant 1 : i32
      %add3A_498 = arith.addi %mul3A_398, %add3A_497 : i32
      %add3A_499 = arith.addi %mul3A_2, %add3A_498 : i32
      %mul3A_500 = arith.constant 200 : i32
      %mul3A_501 = arith.muli %add3A_499, %mul3A_500 : i32
      %add3A_502 = arith.constant 0 : i32
      %add3A_503 = arith.addi %mul3A_501, %add3A_502 : i32
      %dma_start3A_504 = arith.constant 0 : i32
      %dma_start3A_505 = arith.constant 0 : i32
      %dma_start3A_506 = tpu.memref_slice %arg9[%dma_start3A_504, %dma_start3A_505] : memref<200x128xf32, #tpu.memory_space<vmem>> -> memref<104x128xf32, #tpu.memory_space<vmem>>
      %dma_start3A_507 = arith.constant 0 : i32
      %dma_start3A_508 = tpu.memref_slice %arg5[%add3A_503, %dma_start3A_507] : memref<204800x128xf32, #tpu.memory_space<hbm>> -> memref<104x128xf32, #tpu.memory_space<hbm>>
      %dma_start3A_509 = arith.constant 0 : i32
      %dma_start3A_510 = tpu.memref_slice %arg5[%add3A_503, %dma_start3A_509] : memref<204800x128xf32, #tpu.memory_space<hbm>> -> memref<104x128xf32, #tpu.memory_space<hbm>>
      %dma_start3A_511 = arith.constant 0 : i32
      %dma_start3A_512 = arith.constant 0 : i32
      %dma_start3A_513 = tpu.memref_slice %arg9[%dma_start3A_511, %dma_start3A_512] : memref<200x128xf32, #tpu.memory_space<vmem>> -> memref<104x128xf32, #tpu.memory_space<vmem>>
      tpu.enqueue_dma source(%dma_start3A_513 : memref<104x128xf32, #tpu.memory_space<vmem>>) target(%dma_start3A_510 : memref<104x128xf32, #tpu.memory_space<hbm>>) target_semaphore(%arg15 : memref<!tpu.dma_semaphore, #tpu.memory_space<semaphore_mem>>)
      %dma_wait3A_514 = arith.constant 0 : i32
      %dma_wait3A_515 = arith.constant 0 : i32
      %dma_wait3A_516 = tpu.memref_slice %arg5[%dma_wait3A_514, %dma_wait3A_515] : memref<204800x128xf32, #tpu.memory_space<hbm>> -> memref<200x128xf32, #tpu.memory_space<hbm>>
      %dma_wait3A_517 = arith.constant 0 : i32
      %dma_wait3A_518 = arith.constant 0 : i32
      %dma_wait3A_519 = tpu.memref_slice %arg5[%dma_wait3A_517, %dma_wait3A_518] : memref<204800x128xf32, #tpu.memory_space<hbm>> -> memref<200x128xf32, #tpu.memory_space<hbm>>
      tpu.wait_dma2 semaphore(%arg14 : memref<!tpu.dma_semaphore, #tpu.memory_space<semaphore_mem>>) src(%arg8 : memref<200x128xf32, #tpu.memory_space<vmem>>) dst(%dma_wait3A_519 : memref<200x128xf32, #tpu.memory_space<hbm>>)
      %add3A_520 = arith.constant 1 : i32
      %add3A_521 = arith.addi %mul3A_398, %add3A_520 : i32
      %add3A_522 = arith.constant 2 : i32
      %add3A_523 = arith.addi %add3A_521, %add3A_522 : i32
      %mul3A_524 = arith.constant 2 : i32
      %mul3A_525 = arith.muli %mul3A_524, %add3A_523 : i32
      %dma_start3A_526 = arith.constant 0 : i32
      %dma_start3A_527 = arith.constant 0 : i32
      %dma_start3A_528 = tpu.memref_slice %arg8[%dma_start3A_526, %dma_start3A_527] : memref<200x128xf32, #tpu.memory_space<vmem>> -> memref<100x128xf32, #tpu.memory_space<vmem>>
      %dma_start3A_529 = arith.constant 0 : i32
      %dma_start3A_530 = tpu.memref_slice %arg7[%mul3A_525, %dma_start3A_529] : memref<64x100xi32, #tpu.memory_space<vmem>> -> memref<1x100xi32, #tpu.memory_space<vmem>>
      %dma_start3A_531 = tpu.memref_squeeze %dma_start3A_530 : memref<1x100xi32, #tpu.memory_space<vmem>> -> memref<100xi32, #tpu.memory_space<vmem>>
      %dma_start3A_532 = arith.constant 0 : i32
      %dma_start3A_533 = arith.constant 0 : i32
      %dma_start3A_534 = tpu.memref_slice %arg3[%dma_start3A_532, %dma_start3A_533] : memref<100000x128xf32, #tpu.memory_space<hbm>> -> memref<100000x128xf32, #tpu.memory_space<hbm>>
      tpu.enqueue_indirect_dma source(%dma_start3A_534 : memref<100000x128xf32, #tpu.memory_space<hbm>>) target(%dma_start3A_528 : memref<100x128xf32, #tpu.memory_space<vmem>>) offsets(%dma_start3A_531 : memref<100xi32, #tpu.memory_space<vmem>>) semaphore(%arg11 : memref<!tpu.dma_semaphore, #tpu.memory_space<semaphore_mem>>)
      %mul3A_535 = arith.constant 2 : i32
      %mul3A_536 = arith.muli %mul3A_535, %add3A_523 : i32
      %add3A_537 = arith.constant 1 : i32
      %add3A_538 = arith.addi %mul3A_536, %add3A_537 : i32
      %dma_start3A_539 = arith.constant 100 : i32
      %dma_start3A_540 = arith.constant 0 : i32
      %dma_start3A_541 = tpu.memref_slice %arg8[%dma_start3A_539, %dma_start3A_540] : memref<200x128xf32, #tpu.memory_space<vmem>> -> memref<100x128xf32, #tpu.memory_space<vmem>>
      %dma_start3A_542 = arith.constant 0 : i32
      %dma_start3A_543 = tpu.memref_slice %arg7[%add3A_538, %dma_start3A_542] : memref<64x100xi32, #tpu.memory_space<vmem>> -> memref<1x100xi32, #tpu.memory_space<vmem>>
      %dma_start3A_544 = tpu.memref_squeeze %dma_start3A_543 : memref<1x100xi32, #tpu.memory_space<vmem>> -> memref<100xi32, #tpu.memory_space<vmem>>
      %dma_start3A_545 = arith.constant 0 : i32
      %dma_start3A_546 = arith.constant 0 : i32
      %dma_start3A_547 = tpu.memref_slice %arg3[%dma_start3A_545, %dma_start3A_546] : memref<100000x128xf32, #tpu.memory_space<hbm>> -> memref<100000x128xf32, #tpu.memory_space<hbm>>
      tpu.enqueue_indirect_dma source(%dma_start3A_547 : memref<100000x128xf32, #tpu.memory_space<hbm>>) target(%dma_start3A_541 : memref<100x128xf32, #tpu.memory_space<vmem>>) offsets(%dma_start3A_544 : memref<100xi32, #tpu.memory_space<vmem>>) semaphore(%arg11 : memref<!tpu.dma_semaphore, #tpu.memory_space<semaphore_mem>>)
      %scan3A_548 = arith.constant 0 : i32
      %scan3A_549 = arith.constant 104 : i32
      %scan3A_550 = arith.constant 96 : i32
      %scan3A_551 = arith.addi %scan3A_549, %scan3A_550 : i32
      %scan3A_552 = arith.constant 1 : i32
      scf.for %scan3A_657 = %scan3A_549 to %scan3A_551 step %scan3A_552  : i32 {
        %get3A = arith.index_cast %scan3A_657 : i32 to index
        %get3A_658 = arith.constant 0 : index
        %get3A_659 = tpu.vector_load %arg9[%get3A, %get3A_658] {strides = array<i32>} : memref<200x128xf32, #tpu.memory_space<vmem>>, vector<1x16xf32>,
        %get3A_660 = vector.shape_cast %get3A_659 : vector<1x16xf32> to vector<16xf32>
        %get3A_661 = arith.index_cast %scan3A_657 : i32 to index
        %get3A_662 = arith.constant 0 : index
        %get3A_663 = tpu.vector_load %arg6[%get3A_661, %get3A_662] {strides = array<i32>} : memref<200x128xf32, #tpu.memory_space<vmem>>, vector<1x16xf32>,
        %get3A_664 = vector.shape_cast %get3A_663 : vector<1x16xf32> to vector<16xf32>
        %add3A_665 = arith.addf %get3A_660, %get3A_664 : vector<16xf32>
        %swap3A = arith.index_cast %scan3A_657 : i32 to index
        %swap3A_666 = arith.constant 0 : index
        %swap3A_667 = tpu.vector_load %arg9[%swap3A, %swap3A_666] {strides = array<i32>} : memref<200x128xf32, #tpu.memory_space<vmem>>, vector<1x16xf32>,
        %swap3A_668 = vector.shape_cast %swap3A_667 : vector<1x16xf32> to vector<16xf32>
        %swap3A_669 = vector.shape_cast %add3A_665 : vector<16xf32> to vector<1x16xf32>
        tpu.vector_store %arg9[%swap3A, %swap3A_666], %swap3A_669 {strides = array<i32>} : memref<200x128xf32, #tpu.memory_space<vmem>>, vector<1x16xf32>,
        %get3A_670 = arith.index_cast %scan3A_657 : i32 to index
        %get3A_671 = arith.constant 16 : index
        %get3A_672 = tpu.vector_load %arg9[%get3A_670, %get3A_671] {strides = array<i32>} : memref<200x128xf32, #tpu.memory_space<vmem>>, vector<1x16xf32>,
        %get3A_673 = vector.shape_cast %get3A_672 : vector<1x16xf32> to vector<16xf32>
        %get3A_674 = arith.index_cast %scan3A_657 : i32 to index
        %get3A_675 = arith.constant 16 : index
        %get3A_676 = tpu.vector_load %arg6[%get3A_674, %get3A_675] {strides = array<i32>} : memref<200x128xf32, #tpu.memory_space<vmem>>, vector<1x16xf32>,
        %get3A_677 = vector.shape_cast %get3A_676 : vector<1x16xf32> to vector<16xf32>
        %add3A_678 = arith.addf %get3A_673, %get3A_677 : vector<16xf32>
        %swap3A_679 = arith.index_cast %scan3A_657 : i32 to index
        %swap3A_680 = arith.constant 16 : index
        %swap3A_681 = tpu.vector_load %arg9[%swap3A_679, %swap3A_680] {strides = array<i32>} : memref<200x128xf32, #tpu.memory_space<vmem>>, vector<1x16xf32>,
        %swap3A_682 = vector.shape_cast %swap3A_681 : vector<1x16xf32> to vector<16xf32>
        %swap3A_683 = vector.shape_cast %add3A_678 : vector<16xf32> to vector<1x16xf32>
        tpu.vector_store %arg9[%swap3A_679, %swap3A_680], %swap3A_683 {strides = array<i32>} : memref<200x128xf32, #tpu.memory_space<vmem>>, vector<1x16xf32>,
        %get3A_684 = arith.index_cast %scan3A_657 : i32 to index
        %get3A_685 = arith.constant 32 : index
        %get3A_686 = tpu.vector_load %arg9[%get3A_684, %get3A_685] {strides = array<i32>} : memref<200x128xf32, #tpu.memory_space<vmem>>, vector<1x16xf32>,
        %get3A_687 = vector.shape_cast %get3A_686 : vector<1x16xf32> to vector<16xf32>
        %get3A_688 = arith.index_cast %scan3A_657 : i32 to index
        %get3A_689 = arith.constant 32 : index
        %get3A_690 = tpu.vector_load %arg6[%get3A_688, %get3A_689] {strides = array<i32>} : memref<200x128xf32, #tpu.memory_space<vmem>>, vector<1x16xf32>,
        %get3A_691 = vector.shape_cast %get3A_690 : vector<1x16xf32> to vector<16xf32>
        %add3A_692 = arith.addf %get3A_687, %get3A_691 : vector<16xf32>
        %swap3A_693 = arith.index_cast %scan3A_657 : i32 to index
        %swap3A_694 = arith.constant 32 : index
        %swap3A_695 = tpu.vector_load %arg9[%swap3A_693, %swap3A_694] {strides = array<i32>} : memref<200x128xf32, #tpu.memory_space<vmem>>, vector<1x16xf32>,
        %swap3A_696 = vector.shape_cast %swap3A_695 : vector<1x16xf32> to vector<16xf32>
        %swap3A_697 = vector.shape_cast %add3A_692 : vector<16xf32> to vector<1x16xf32>
        tpu.vector_store %arg9[%swap3A_693, %swap3A_694], %swap3A_697 {strides = array<i32>} : memref<200x128xf32, #tpu.memory_space<vmem>>, vector<1x16xf32>,
        %get3A_698 = arith.index_cast %scan3A_657 : i32 to index
        %get3A_699 = arith.constant 48 : index
        %get3A_700 = tpu.vector_load %arg9[%get3A_698, %get3A_699] {strides = array<i32>} : memref<200x128xf32, #tpu.memory_space<vmem>>, vector<1x16xf32>,
        %get3A_701 = vector.shape_cast %get3A_700 : vector<1x16xf32> to vector<16xf32>
        %get3A_702 = arith.index_cast %scan3A_657 : i32 to index
        %get3A_703 = arith.constant 48 : index
        %get3A_704 = tpu.vector_load %arg6[%get3A_702, %get3A_703] {strides = array<i32>} : memref<200x128xf32, #tpu.memory_space<vmem>>, vector<1x16xf32>,
        %get3A_705 = vector.shape_cast %get3A_704 : vector<1x16xf32> to vector<16xf32>
        %add3A_706 = arith.addf %get3A_701, %get3A_705 : vector<16xf32>
        %swap3A_707 = arith.index_cast %scan3A_657 : i32 to index
        %swap3A_708 = arith.constant 48 : index
        %swap3A_709 = tpu.vector_load %arg9[%swap3A_707, %swap3A_708] {strides = array<i32>} : memref<200x128xf32, #tpu.memory_space<vmem>>, vector<1x16xf32>,
        %swap3A_710 = vector.shape_cast %swap3A_709 : vector<1x16xf32> to vector<16xf32>
        %swap3A_711 = vector.shape_cast %add3A_706 : vector<16xf32> to vector<1x16xf32>
        tpu.vector_store %arg9[%swap3A_707, %swap3A_708], %swap3A_711 {strides = array<i32>} : memref<200x128xf32, #tpu.memory_space<vmem>>, vector<1x16xf32>,
        %get3A_712 = arith.index_cast %scan3A_657 : i32 to index
        %get3A_713 = arith.constant 64 : index
        %get3A_714 = tpu.vector_load %arg9[%get3A_712, %get3A_713] {strides = array<i32>} : memref<200x128xf32, #tpu.memory_space<vmem>>, vector<1x16xf32>,
        %get3A_715 = vector.shape_cast %get3A_714 : vector<1x16xf32> to vector<16xf32>
        %get3A_716 = arith.index_cast %scan3A_657 : i32 to index
        %get3A_717 = arith.constant 64 : index
        %get3A_718 = tpu.vector_load %arg6[%get3A_716, %get3A_717] {strides = array<i32>} : memref<200x128xf32, #tpu.memory_space<vmem>>, vector<1x16xf32>,
        %get3A_719 = vector.shape_cast %get3A_718 : vector<1x16xf32> to vector<16xf32>
        %add3A_720 = arith.addf %get3A_715, %get3A_719 : vector<16xf32>
        %swap3A_721 = arith.index_cast %scan3A_657 : i32 to index
        %swap3A_722 = arith.constant 64 : index
        %swap3A_723 = tpu.vector_load %arg9[%swap3A_721, %swap3A_722] {strides = array<i32>} : memref<200x128xf32, #tpu.memory_space<vmem>>, vector<1x16xf32>,
        %swap3A_724 = vector.shape_cast %swap3A_723 : vector<1x16xf32> to vector<16xf32>
        %swap3A_725 = vector.shape_cast %add3A_720 : vector<16xf32> to vector<1x16xf32>
        tpu.vector_store %arg9[%swap3A_721, %swap3A_722], %swap3A_725 {strides = array<i32>} : memref<200x128xf32, #tpu.memory_space<vmem>>, vector<1x16xf32>,
        %get3A_726 = arith.index_cast %scan3A_657 : i32 to index
        %get3A_727 = arith.constant 80 : index
        %get3A_728 = tpu.vector_load %arg9[%get3A_726, %get3A_727] {strides = array<i32>} : memref<200x128xf32, #tpu.memory_space<vmem>>, vector<1x16xf32>,
        %get3A_729 = vector.shape_cast %get3A_728 : vector<1x16xf32> to vector<16xf32>
        %get3A_730 = arith.index_cast %scan3A_657 : i32 to index
        %get3A_731 = arith.constant 80 : index
        %get3A_732 = tpu.vector_load %arg6[%get3A_730, %get3A_731] {strides = array<i32>} : memref<200x128xf32, #tpu.memory_space<vmem>>, vector<1x16xf32>,
        %get3A_733 = vector.shape_cast %get3A_732 : vector<1x16xf32> to vector<16xf32>
        %add3A_734 = arith.addf %get3A_729, %get3A_733 : vector<16xf32>
        %swap3A_735 = arith.index_cast %scan3A_657 : i32 to index
        %swap3A_736 = arith.constant 80 : index
        %swap3A_737 = tpu.vector_load %arg9[%swap3A_735, %swap3A_736] {strides = array<i32>} : memref<200x128xf32, #tpu.memory_space<vmem>>, vector<1x16xf32>,
        %swap3A_738 = vector.shape_cast %swap3A_737 : vector<1x16xf32> to vector<16xf32>
        %swap3A_739 = vector.shape_cast %add3A_734 : vector<16xf32> to vector<1x16xf32>
        tpu.vector_store %arg9[%swap3A_735, %swap3A_736], %swap3A_739 {strides = array<i32>} : memref<200x128xf32, #tpu.memory_space<vmem>>, vector<1x16xf32>,
        %get3A_740 = arith.index_cast %scan3A_657 : i32 to index
        %get3A_741 = arith.constant 96 : index
        %get3A_742 = tpu.vector_load %arg9[%get3A_740, %get3A_741] {strides = array<i32>} : memref<200x128xf32, #tpu.memory_space<vmem>>, vector<1x16xf32>,
        %get3A_743 = vector.shape_cast %get3A_742 : vector<1x16xf32> to vector<16xf32>
        %get3A_744 = arith.index_cast %scan3A_657 : i32 to index
        %get3A_745 = arith.constant 96 : index
        %get3A_746 = tpu.vector_load %arg6[%get3A_744, %get3A_745] {strides = array<i32>} : memref<200x128xf32, #tpu.memory_space<vmem>>, vector<1x16xf32>,
        %get3A_747 = vector.shape_cast %get3A_746 : vector<1x16xf32> to vector<16xf32>
        %add3A_748 = arith.addf %get3A_743, %get3A_747 : vector<16xf32>
        %swap3A_749 = arith.index_cast %scan3A_657 : i32 to index
        %swap3A_750 = arith.constant 96 : index
        %swap3A_751 = tpu.vector_load %arg9[%swap3A_749, %swap3A_750] {strides = array<i32>} : memref<200x128xf32, #tpu.memory_space<vmem>>, vector<1x16xf32>,
        %swap3A_752 = vector.shape_cast %swap3A_751 : vector<1x16xf32> to vector<16xf32>
        %swap3A_753 = vector.shape_cast %add3A_748 : vector<16xf32> to vector<1x16xf32>
        tpu.vector_store %arg9[%swap3A_749, %swap3A_750], %swap3A_753 {strides = array<i32>} : memref<200x128xf32, #tpu.memory_space<vmem>>, vector<1x16xf32>,
        %get3A_754 = arith.index_cast %scan3A_657 : i32 to index
        %get3A_755 = arith.constant 112 : index
        %get3A_756 = tpu.vector_load %arg9[%get3A_754, %get3A_755] {strides = array<i32>} : memref<200x128xf32, #tpu.memory_space<vmem>>, vector<1x16xf32>,
        %get3A_757 = vector.shape_cast %get3A_756 : vector<1x16xf32> to vector<16xf32>
        %get3A_758 = arith.index_cast %scan3A_657 : i32 to index
        %get3A_759 = arith.constant 112 : index
        %get3A_760 = tpu.vector_load %arg6[%get3A_758, %get3A_759] {strides = array<i32>} : memref<200x128xf32, #tpu.memory_space<vmem>>, vector<1x16xf32>,
        %get3A_761 = vector.shape_cast %get3A_760 : vector<1x16xf32> to vector<16xf32>
        %add3A_762 = arith.addf %get3A_757, %get3A_761 : vector<16xf32>
        %swap3A_763 = arith.index_cast %scan3A_657 : i32 to index
        %swap3A_764 = arith.constant 112 : index
        %swap3A_765 = tpu.vector_load %arg9[%swap3A_763, %swap3A_764] {strides = array<i32>} : memref<200x128xf32, #tpu.memory_space<vmem>>, vector<1x16xf32>,
        %swap3A_766 = vector.shape_cast %swap3A_765 : vector<1x16xf32> to vector<16xf32>
        %swap3A_767 = vector.shape_cast %add3A_762 : vector<16xf32> to vector<1x16xf32>
        tpu.vector_store %arg9[%swap3A_763, %swap3A_764], %swap3A_767 {strides = array<i32>} : memref<200x128xf32, #tpu.memory_space<vmem>>, vector<1x16xf32>,
      }
      %scan3A_553 = arith.constant 96 : i32
      %add3A_554 = arith.constant 1 : i32
      %add3A_555 = arith.addi %mul3A_398, %add3A_554 : i32
      %add3A_556 = arith.addi %mul3A_2, %add3A_555 : i32
      %mul3A_557 = arith.constant 200 : i32
      %mul3A_558 = arith.muli %add3A_556, %mul3A_557 : i32
      %add3A_559 = arith.constant 104 : i32
      %add3A_560 = arith.addi %mul3A_558, %add3A_559 : i32
      %dma_start3A_561 = arith.constant 104 : i32
      %dma_start3A_562 = arith.constant 0 : i32
      %dma_start3A_563 = tpu.memref_slice %arg9[%dma_start3A_561, %dma_start3A_562] : memref<200x128xf32, #tpu.memory_space<vmem>> -> memref<96x128xf32, #tpu.memory_space<vmem>>
      %dma_start3A_564 = arith.constant 0 : i32
      %dma_start3A_565 = tpu.memref_slice %arg5[%add3A_560, %dma_start3A_564] : memref<204800x128xf32, #tpu.memory_space<hbm>> -> memref<96x128xf32, #tpu.memory_space<hbm>>
      %dma_start3A_566 = arith.constant 0 : i32
      %dma_start3A_567 = tpu.memref_slice %arg5[%add3A_560, %dma_start3A_566] : memref<204800x128xf32, #tpu.memory_space<hbm>> -> memref<96x128xf32, #tpu.memory_space<hbm>>
      %dma_start3A_568 = arith.constant 104 : i32
      %dma_start3A_569 = arith.constant 0 : i32
      %dma_start3A_570 = tpu.memref_slice %arg9[%dma_start3A_568, %dma_start3A_569] : memref<200x128xf32, #tpu.memory_space<vmem>> -> memref<96x128xf32, #tpu.memory_space<vmem>>
      tpu.enqueue_dma source(%dma_start3A_570 : memref<96x128xf32, #tpu.memory_space<vmem>>) target(%dma_start3A_567 : memref<96x128xf32, #tpu.memory_space<hbm>>) target_semaphore(%arg15 : memref<!tpu.dma_semaphore, #tpu.memory_space<semaphore_mem>>)
      %dma_wait3A_571 = arith.constant 0 : i32
      %dma_wait3A_572 = arith.constant 0 : i32
      %dma_wait3A_573 = tpu.memref_slice %arg3[%dma_wait3A_571, %dma_wait3A_572] : memref<100000x128xf32, #tpu.memory_space<hbm>> -> memref<200x128xf32, #tpu.memory_space<hbm>>
      %dma_wait3A_574 = arith.constant 0 : i32
      %dma_wait3A_575 = arith.constant 0 : i32
      %dma_wait3A_576 = tpu.memref_slice %arg3[%dma_wait3A_574, %dma_wait3A_575] : memref<100000x128xf32, #tpu.memory_space<hbm>> -> memref<200x128xf32, #tpu.memory_space<hbm>>
      tpu.wait_dma2 semaphore(%arg13 : memref<!tpu.dma_semaphore, #tpu.memory_space<semaphore_mem>>) src(%dma_wait3A_576 : memref<200x128xf32, #tpu.memory_space<hbm>>) dst(%arg10 : memref<200x128xf32, #tpu.memory_space<vmem>>)
      %scan3A_577 = arith.constant 0 : i32
      %scan3A_578 = arith.constant 0 : i32
      %scan3A_579 = arith.constant 104 : i32
      %scan3A_580 = arith.addi %scan3A_578, %scan3A_579 : i32
      %scan3A_581 = arith.constant 1 : i32
      scf.for %scan3A_657 = %scan3A_578 to %scan3A_580 step %scan3A_581  : i32 {
        %get3A = arith.index_cast %scan3A_657 : i32 to index
        %get3A_658 = arith.constant 0 : index
        %get3A_659 = tpu.vector_load %arg10[%get3A, %get3A_658] {strides = array<i32>} : memref<200x128xf32, #tpu.memory_space<vmem>>, vector<1x16xf32>,
        %get3A_660 = vector.shape_cast %get3A_659 : vector<1x16xf32> to vector<16xf32>
        %get3A_661 = arith.index_cast %scan3A_657 : i32 to index
        %get3A_662 = arith.constant 0 : index
        %get3A_663 = tpu.vector_load %arg6[%get3A_661, %get3A_662] {strides = array<i32>} : memref<200x128xf32, #tpu.memory_space<vmem>>, vector<1x16xf32>,
        %get3A_664 = vector.shape_cast %get3A_663 : vector<1x16xf32> to vector<16xf32>
        %add3A_665 = arith.addf %get3A_660, %get3A_664 : vector<16xf32>
        %swap3A = arith.index_cast %scan3A_657 : i32 to index
        %swap3A_666 = arith.constant 0 : index
        %swap3A_667 = tpu.vector_load %arg10[%swap3A, %swap3A_666] {strides = array<i32>} : memref<200x128xf32, #tpu.memory_space<vmem>>, vector<1x16xf32>,
        %swap3A_668 = vector.shape_cast %swap3A_667 : vector<1x16xf32> to vector<16xf32>
        %swap3A_669 = vector.shape_cast %add3A_665 : vector<16xf32> to vector<1x16xf32>
        tpu.vector_store %arg10[%swap3A, %swap3A_666], %swap3A_669 {strides = array<i32>} : memref<200x128xf32, #tpu.memory_space<vmem>>, vector<1x16xf32>,
        %get3A_670 = arith.index_cast %scan3A_657 : i32 to index
        %get3A_671 = arith.constant 16 : index
        %get3A_672 = tpu.vector_load %arg10[%get3A_670, %get3A_671] {strides = array<i32>} : memref<200x128xf32, #tpu.memory_space<vmem>>, vector<1x16xf32>,
        %get3A_673 = vector.shape_cast %get3A_672 : vector<1x16xf32> to vector<16xf32>
        %get3A_674 = arith.index_cast %scan3A_657 : i32 to index
        %get3A_675 = arith.constant 16 : index
        %get3A_676 = tpu.vector_load %arg6[%get3A_674, %get3A_675] {strides = array<i32>} : memref<200x128xf32, #tpu.memory_space<vmem>>, vector<1x16xf32>,
        %get3A_677 = vector.shape_cast %get3A_676 : vector<1x16xf32> to vector<16xf32>
        %add3A_678 = arith.addf %get3A_673, %get3A_677 : vector<16xf32>
        %swap3A_679 = arith.index_cast %scan3A_657 : i32 to index
        %swap3A_680 = arith.constant 16 : index
        %swap3A_681 = tpu.vector_load %arg10[%swap3A_679, %swap3A_680] {strides = array<i32>} : memref<200x128xf32, #tpu.memory_space<vmem>>, vector<1x16xf32>,
        %swap3A_682 = vector.shape_cast %swap3A_681 : vector<1x16xf32> to vector<16xf32>
        %swap3A_683 = vector.shape_cast %add3A_678 : vector<16xf32> to vector<1x16xf32>
        tpu.vector_store %arg10[%swap3A_679, %swap3A_680], %swap3A_683 {strides = array<i32>} : memref<200x128xf32, #tpu.memory_space<vmem>>, vector<1x16xf32>,
        %get3A_684 = arith.index_cast %scan3A_657 : i32 to index
        %get3A_685 = arith.constant 32 : index
        %get3A_686 = tpu.vector_load %arg10[%get3A_684, %get3A_685] {strides = array<i32>} : memref<200x128xf32, #tpu.memory_space<vmem>>, vector<1x16xf32>,
        %get3A_687 = vector.shape_cast %get3A_686 : vector<1x16xf32> to vector<16xf32>
        %get3A_688 = arith.index_cast %scan3A_657 : i32 to index
        %get3A_689 = arith.constant 32 : index
        %get3A_690 = tpu.vector_load %arg6[%get3A_688, %get3A_689] {strides = array<i32>} : memref<200x128xf32, #tpu.memory_space<vmem>>, vector<1x16xf32>,
        %get3A_691 = vector.shape_cast %get3A_690 : vector<1x16xf32> to vector<16xf32>
        %add3A_692 = arith.addf %get3A_687, %get3A_691 : vector<16xf32>
        %swap3A_693 = arith.index_cast %scan3A_657 : i32 to index
        %swap3A_694 = arith.constant 32 : index
        %swap3A_695 = tpu.vector_load %arg10[%swap3A_693, %swap3A_694] {strides = array<i32>} : memref<200x128xf32, #tpu.memory_space<vmem>>, vector<1x16xf32>,
        %swap3A_696 = vector.shape_cast %swap3A_695 : vector<1x16xf32> to vector<16xf32>
        %swap3A_697 = vector.shape_cast %add3A_692 : vector<16xf32> to vector<1x16xf32>
        tpu.vector_store %arg10[%swap3A_693, %swap3A_694], %swap3A_697 {strides = array<i32>} : memref<200x128xf32, #tpu.memory_space<vmem>>, vector<1x16xf32>,
        %get3A_698 = arith.index_cast %scan3A_657 : i32 to index
        %get3A_699 = arith.constant 48 : index
        %get3A_700 = tpu.vector_load %arg10[%get3A_698, %get3A_699] {strides = array<i32>} : memref<200x128xf32, #tpu.memory_space<vmem>>, vector<1x16xf32>,
        %get3A_701 = vector.shape_cast %get3A_700 : vector<1x16xf32> to vector<16xf32>
        %get3A_702 = arith.index_cast %scan3A_657 : i32 to index
        %get3A_703 = arith.constant 48 : index
        %get3A_704 = tpu.vector_load %arg6[%get3A_702, %get3A_703] {strides = array<i32>} : memref<200x128xf32, #tpu.memory_space<vmem>>, vector<1x16xf32>,
        %get3A_705 = vector.shape_cast %get3A_704 : vector<1x16xf32> to vector<16xf32>
        %add3A_706 = arith.addf %get3A_701, %get3A_705 : vector<16xf32>
        %swap3A_707 = arith.index_cast %scan3A_657 : i32 to index
        %swap3A_708 = arith.constant 48 : index
        %swap3A_709 = tpu.vector_load %arg10[%swap3A_707, %swap3A_708] {strides = array<i32>} : memref<200x128xf32, #tpu.memory_space<vmem>>, vector<1x16xf32>,
        %swap3A_710 = vector.shape_cast %swap3A_709 : vector<1x16xf32> to vector<16xf32>
        %swap3A_711 = vector.shape_cast %add3A_706 : vector<16xf32> to vector<1x16xf32>
        tpu.vector_store %arg10[%swap3A_707, %swap3A_708], %swap3A_711 {strides = array<i32>} : memref<200x128xf32, #tpu.memory_space<vmem>>, vector<1x16xf32>,
        %get3A_712 = arith.index_cast %scan3A_657 : i32 to index
        %get3A_713 = arith.constant 64 : index
        %get3A_714 = tpu.vector_load %arg10[%get3A_712, %get3A_713] {strides = array<i32>} : memref<200x128xf32, #tpu.memory_space<vmem>>, vector<1x16xf32>,
        %get3A_715 = vector.shape_cast %get3A_714 : vector<1x16xf32> to vector<16xf32>
        %get3A_716 = arith.index_cast %scan3A_657 : i32 to index
        %get3A_717 = arith.constant 64 : index
        %get3A_718 = tpu.vector_load %arg6[%get3A_716, %get3A_717] {strides = array<i32>} : memref<200x128xf32, #tpu.memory_space<vmem>>, vector<1x16xf32>,
        %get3A_719 = vector.shape_cast %get3A_718 : vector<1x16xf32> to vector<16xf32>
        %add3A_720 = arith.addf %get3A_715, %get3A_719 : vector<16xf32>
        %swap3A_721 = arith.index_cast %scan3A_657 : i32 to index
        %swap3A_722 = arith.constant 64 : index
        %swap3A_723 = tpu.vector_load %arg10[%swap3A_721, %swap3A_722] {strides = array<i32>} : memref<200x128xf32, #tpu.memory_space<vmem>>, vector<1x16xf32>,
        %swap3A_724 = vector.shape_cast %swap3A_723 : vector<1x16xf32> to vector<16xf32>
        %swap3A_725 = vector.shape_cast %add3A_720 : vector<16xf32> to vector<1x16xf32>
        tpu.vector_store %arg10[%swap3A_721, %swap3A_722], %swap3A_725 {strides = array<i32>} : memref<200x128xf32, #tpu.memory_space<vmem>>, vector<1x16xf32>,
        %get3A_726 = arith.index_cast %scan3A_657 : i32 to index
        %get3A_727 = arith.constant 80 : index
        %get3A_728 = tpu.vector_load %arg10[%get3A_726, %get3A_727] {strides = array<i32>} : memref<200x128xf32, #tpu.memory_space<vmem>>, vector<1x16xf32>,
        %get3A_729 = vector.shape_cast %get3A_728 : vector<1x16xf32> to vector<16xf32>
        %get3A_730 = arith.index_cast %scan3A_657 : i32 to index
        %get3A_731 = arith.constant 80 : index
        %get3A_732 = tpu.vector_load %arg6[%get3A_730, %get3A_731] {strides = array<i32>} : memref<200x128xf32, #tpu.memory_space<vmem>>, vector<1x16xf32>,
        %get3A_733 = vector.shape_cast %get3A_732 : vector<1x16xf32> to vector<16xf32>
        %add3A_734 = arith.addf %get3A_729, %get3A_733 : vector<16xf32>
        %swap3A_735 = arith.index_cast %scan3A_657 : i32 to index
        %swap3A_736 = arith.constant 80 : index
        %swap3A_737 = tpu.vector_load %arg10[%swap3A_735, %swap3A_736] {strides = array<i32>} : memref<200x128xf32, #tpu.memory_space<vmem>>, vector<1x16xf32>,
        %swap3A_738 = vector.shape_cast %swap3A_737 : vector<1x16xf32> to vector<16xf32>
        %swap3A_739 = vector.shape_cast %add3A_734 : vector<16xf32> to vector<1x16xf32>
        tpu.vector_store %arg10[%swap3A_735, %swap3A_736], %swap3A_739 {strides = array<i32>} : memref<200x128xf32, #tpu.memory_space<vmem>>, vector<1x16xf32>,
        %get3A_740 = arith.index_cast %scan3A_657 : i32 to index
        %get3A_741 = arith.constant 96 : index
        %get3A_742 = tpu.vector_load %arg10[%get3A_740, %get3A_741] {strides = array<i32>} : memref<200x128xf32, #tpu.memory_space<vmem>>, vector<1x16xf32>,
        %get3A_743 = vector.shape_cast %get3A_742 : vector<1x16xf32> to vector<16xf32>
        %get3A_744 = arith.index_cast %scan3A_657 : i32 to index
        %get3A_745 = arith.constant 96 : index
        %get3A_746 = tpu.vector_load %arg6[%get3A_744, %get3A_745] {strides = array<i32>} : memref<200x128xf32, #tpu.memory_space<vmem>>, vector<1x16xf32>,
        %get3A_747 = vector.shape_cast %get3A_746 : vector<1x16xf32> to vector<16xf32>
        %add3A_748 = arith.addf %get3A_743, %get3A_747 : vector<16xf32>
        %swap3A_749 = arith.index_cast %scan3A_657 : i32 to index
        %swap3A_750 = arith.constant 96 : index
        %swap3A_751 = tpu.vector_load %arg10[%swap3A_749, %swap3A_750] {strides = array<i32>} : memref<200x128xf32, #tpu.memory_space<vmem>>, vector<1x16xf32>,
        %swap3A_752 = vector.shape_cast %swap3A_751 : vector<1x16xf32> to vector<16xf32>
        %swap3A_753 = vector.shape_cast %add3A_748 : vector<16xf32> to vector<1x16xf32>
        tpu.vector_store %arg10[%swap3A_749, %swap3A_750], %swap3A_753 {strides = array<i32>} : memref<200x128xf32, #tpu.memory_space<vmem>>, vector<1x16xf32>,
        %get3A_754 = arith.index_cast %scan3A_657 : i32 to index
        %get3A_755 = arith.constant 112 : index
        %get3A_756 = tpu.vector_load %arg10[%get3A_754, %get3A_755] {strides = array<i32>} : memref<200x128xf32, #tpu.memory_space<vmem>>, vector<1x16xf32>,
        %get3A_757 = vector.shape_cast %get3A_756 : vector<1x16xf32> to vector<16xf32>
        %get3A_758 = arith.index_cast %scan3A_657 : i32 to index
        %get3A_759 = arith.constant 112 : index
        %get3A_760 = tpu.vector_load %arg6[%get3A_758, %get3A_759] {strides = array<i32>} : memref<200x128xf32, #tpu.memory_space<vmem>>, vector<1x16xf32>,
        %get3A_761 = vector.shape_cast %get3A_760 : vector<1x16xf32> to vector<16xf32>
        %add3A_762 = arith.addf %get3A_757, %get3A_761 : vector<16xf32>
        %swap3A_763 = arith.index_cast %scan3A_657 : i32 to index
        %swap3A_764 = arith.constant 112 : index
        %swap3A_765 = tpu.vector_load %arg10[%swap3A_763, %swap3A_764] {strides = array<i32>} : memref<200x128xf32, #tpu.memory_space<vmem>>, vector<1x16xf32>,
        %swap3A_766 = vector.shape_cast %swap3A_765 : vector<1x16xf32> to vector<16xf32>
        %swap3A_767 = vector.shape_cast %add3A_762 : vector<16xf32> to vector<1x16xf32>
        tpu.vector_store %arg10[%swap3A_763, %swap3A_764], %swap3A_767 {strides = array<i32>} : memref<200x128xf32, #tpu.memory_space<vmem>>, vector<1x16xf32>,
      }
      %scan3A_582 = arith.constant 104 : i32
      %add3A_583 = arith.constant 2 : i32
      %add3A_584 = arith.addi %mul3A_398, %add3A_583 : i32
      %add3A_585 = arith.addi %mul3A_2, %add3A_584 : i32
      %mul3A_586 = arith.constant 200 : i32
      %mul3A_587 = arith.muli %add3A_585, %mul3A_586 : i32
      %add3A_588 = arith.constant 0 : i32
      %add3A_589 = arith.addi %mul3A_587, %add3A_588 : i32
      %dma_start3A_590 = arith.constant 0 : i32
      %dma_start3A_591 = arith.constant 0 : i32
      %dma_start3A_592 = tpu.memref_slice %arg10[%dma_start3A_590, %dma_start3A_591] : memref<200x128xf32, #tpu.memory_space<vmem>> -> memref<104x128xf32, #tpu.memory_space<vmem>>
      %dma_start3A_593 = arith.constant 0 : i32
      %dma_start3A_594 = tpu.memref_slice %arg5[%add3A_589, %dma_start3A_593] : memref<204800x128xf32, #tpu.memory_space<hbm>> -> memref<104x128xf32, #tpu.memory_space<hbm>>
      %dma_start3A_595 = arith.constant 0 : i32
      %dma_start3A_596 = tpu.memref_slice %arg5[%add3A_589, %dma_start3A_595] : memref<204800x128xf32, #tpu.memory_space<hbm>> -> memref<104x128xf32, #tpu.memory_space<hbm>>
      %dma_start3A_597 = arith.constant 0 : i32
      %dma_start3A_598 = arith.constant 0 : i32
      %dma_start3A_599 = tpu.memref_slice %arg10[%dma_start3A_597, %dma_start3A_598] : memref<200x128xf32, #tpu.memory_space<vmem>> -> memref<104x128xf32, #tpu.memory_space<vmem>>
      tpu.enqueue_dma source(%dma_start3A_599 : memref<104x128xf32, #tpu.memory_space<vmem>>) target(%dma_start3A_596 : memref<104x128xf32, #tpu.memory_space<hbm>>) target_semaphore(%arg16 : memref<!tpu.dma_semaphore, #tpu.memory_space<semaphore_mem>>)
      %dma_wait3A_600 = arith.constant 0 : i32
      %dma_wait3A_601 = arith.constant 0 : i32
      %dma_wait3A_602 = tpu.memref_slice %arg5[%dma_wait3A_600, %dma_wait3A_601] : memref<204800x128xf32, #tpu.memory_space<hbm>> -> memref<200x128xf32, #tpu.memory_space<hbm>>
      %dma_wait3A_603 = arith.constant 0 : i32
      %dma_wait3A_604 = arith.constant 0 : i32
      %dma_wait3A_605 = tpu.memref_slice %arg5[%dma_wait3A_603, %dma_wait3A_604] : memref<204800x128xf32, #tpu.memory_space<hbm>> -> memref<200x128xf32, #tpu.memory_space<hbm>>
      tpu.wait_dma2 semaphore(%arg15 : memref<!tpu.dma_semaphore, #tpu.memory_space<semaphore_mem>>) src(%arg9 : memref<200x128xf32, #tpu.memory_space<vmem>>) dst(%dma_wait3A_605 : memref<200x128xf32, #tpu.memory_space<hbm>>)
      %add3A_606 = arith.constant 2 : i32
      %add3A_607 = arith.addi %mul3A_398, %add3A_606 : i32
      %add3A_608 = arith.constant 2 : i32
      %add3A_609 = arith.addi %add3A_607, %add3A_608 : i32
      %mul3A_610 = arith.constant 2 : i32
      %mul3A_611 = arith.muli %mul3A_610, %add3A_609 : i32
      %dma_start3A_612 = arith.constant 0 : i32
      %dma_start3A_613 = arith.constant 0 : i32
      %dma_start3A_614 = tpu.memref_slice %arg9[%dma_start3A_612, %dma_start3A_613] : memref<200x128xf32, #tpu.memory_space<vmem>> -> memref<100x128xf32, #tpu.memory_space<vmem>>
      %dma_start3A_615 = arith.constant 0 : i32
      %dma_start3A_616 = tpu.memref_slice %arg7[%mul3A_611, %dma_start3A_615] : memref<64x100xi32, #tpu.memory_space<vmem>> -> memref<1x100xi32, #tpu.memory_space<vmem>>
      %dma_start3A_617 = tpu.memref_squeeze %dma_start3A_616 : memref<1x100xi32, #tpu.memory_space<vmem>> -> memref<100xi32, #tpu.memory_space<vmem>>
      %dma_start3A_618 = arith.constant 0 : i32
      %dma_start3A_619 = arith.constant 0 : i32
      %dma_start3A_620 = tpu.memref_slice %arg3[%dma_start3A_618, %dma_start3A_619] : memref<100000x128xf32, #tpu.memory_space<hbm>> -> memref<100000x128xf32, #tpu.memory_space<hbm>>
      tpu.enqueue_indirect_dma source(%dma_start3A_620 : memref<100000x128xf32, #tpu.memory_space<hbm>>) target(%dma_start3A_614 : memref<100x128xf32, #tpu.memory_space<vmem>>) offsets(%dma_start3A_617 : memref<100xi32, #tpu.memory_space<vmem>>) semaphore(%arg12 : memref<!tpu.dma_semaphore, #tpu.memory_space<semaphore_mem>>)
      %mul3A_621 = arith.constant 2 : i32
      %mul3A_622 = arith.muli %mul3A_621, %add3A_609 : i32
      %add3A_623 = arith.constant 1 : i32
      %add3A_624 = arith.addi %mul3A_622, %add3A_623 : i32
      %dma_start3A_625 = arith.constant 100 : i32
      %dma_start3A_626 = arith.constant 0 : i32
      %dma_start3A_627 = tpu.memref_slice %arg9[%dma_start3A_625, %dma_start3A_626] : memref<200x128xf32, #tpu.memory_space<vmem>> -> memref<100x128xf32, #tpu.memory_space<vmem>>
      %dma_start3A_628 = arith.constant 0 : i32
      %dma_start3A_629 = tpu.memref_slice %arg7[%add3A_624, %dma_start3A_628] : memref<64x100xi32, #tpu.memory_space<vmem>> -> memref<1x100xi32, #tpu.memory_space<vmem>>
      %dma_start3A_630 = tpu.memref_squeeze %dma_start3A_629 : memref<1x100xi32, #tpu.memory_space<vmem>> -> memref<100xi32, #tpu.memory_space<vmem>>
      %dma_start3A_631 = arith.constant 0 : i32
      %dma_start3A_632 = arith.constant 0 : i32
      %dma_start3A_633 = tpu.memref_slice %arg3[%dma_start3A_631, %dma_start3A_632] : memref<100000x128xf32, #tpu.memory_space<hbm>> -> memref<100000x128xf32, #tpu.memory_space<hbm>>
      tpu.enqueue_indirect_dma source(%dma_start3A_633 : memref<100000x128xf32, #tpu.memory_space<hbm>>) target(%dma_start3A_627 : memref<100x128xf32, #tpu.memory_space<vmem>>) offsets(%dma_start3A_630 : memref<100xi32, #tpu.memory_space<vmem>>) semaphore(%arg12 : memref<!tpu.dma_semaphore, #tpu.memory_space<semaphore_mem>>)
      %scan3A_634 = arith.constant 0 : i32
      %scan3A_635 = arith.constant 104 : i32
      %scan3A_636 = arith.constant 96 : i32
      %scan3A_637 = arith.addi %scan3A_635, %scan3A_636 : i32
      %scan3A_638 = arith.constant 1 : i32
      scf.for %scan3A_657 = %scan3A_635 to %scan3A_637 step %scan3A_638  : i32 {
        %get3A = arith.index_cast %scan3A_657 : i32 to index
        %get3A_658 = arith.constant 0 : index
        %get3A_659 = tpu.vector_load %arg10[%get3A, %get3A_658] {strides = array<i32>} : memref<200x128xf32, #tpu.memory_space<vmem>>, vector<1x16xf32>,
        %get3A_660 = vector.shape_cast %get3A_659 : vector<1x16xf32> to vector<16xf32>
        %get3A_661 = arith.index_cast %scan3A_657 : i32 to index
        %get3A_662 = arith.constant 0 : index
        %get3A_663 = tpu.vector_load %arg6[%get3A_661, %get3A_662] {strides = array<i32>} : memref<200x128xf32, #tpu.memory_space<vmem>>, vector<1x16xf32>,
        %get3A_664 = vector.shape_cast %get3A_663 : vector<1x16xf32> to vector<16xf32>
        %add3A_665 = arith.addf %get3A_660, %get3A_664 : vector<16xf32>
        %swap3A = arith.index_cast %scan3A_657 : i32 to index
        %swap3A_666 = arith.constant 0 : index
        %swap3A_667 = tpu.vector_load %arg10[%swap3A, %swap3A_666] {strides = array<i32>} : memref<200x128xf32, #tpu.memory_space<vmem>>, vector<1x16xf32>,
        %swap3A_668 = vector.shape_cast %swap3A_667 : vector<1x16xf32> to vector<16xf32>
        %swap3A_669 = vector.shape_cast %add3A_665 : vector<16xf32> to vector<1x16xf32>
        tpu.vector_store %arg10[%swap3A, %swap3A_666], %swap3A_669 {strides = array<i32>} : memref<200x128xf32, #tpu.memory_space<vmem>>, vector<1x16xf32>,
        %get3A_670 = arith.index_cast %scan3A_657 : i32 to index
        %get3A_671 = arith.constant 16 : index
        %get3A_672 = tpu.vector_load %arg10[%get3A_670, %get3A_671] {strides = array<i32>} : memref<200x128xf32, #tpu.memory_space<vmem>>, vector<1x16xf32>,
        %get3A_673 = vector.shape_cast %get3A_672 : vector<1x16xf32> to vector<16xf32>
        %get3A_674 = arith.index_cast %scan3A_657 : i32 to index
        %get3A_675 = arith.constant 16 : index
        %get3A_676 = tpu.vector_load %arg6[%get3A_674, %get3A_675] {strides = array<i32>} : memref<200x128xf32, #tpu.memory_space<vmem>>, vector<1x16xf32>,
        %get3A_677 = vector.shape_cast %get3A_676 : vector<1x16xf32> to vector<16xf32>
        %add3A_678 = arith.addf %get3A_673, %get3A_677 : vector<16xf32>
        %swap3A_679 = arith.index_cast %scan3A_657 : i32 to index
        %swap3A_680 = arith.constant 16 : index
        %swap3A_681 = tpu.vector_load %arg10[%swap3A_679, %swap3A_680] {strides = array<i32>} : memref<200x128xf32, #tpu.memory_space<vmem>>, vector<1x16xf32>,
        %swap3A_682 = vector.shape_cast %swap3A_681 : vector<1x16xf32> to vector<16xf32>
        %swap3A_683 = vector.shape_cast %add3A_678 : vector<16xf32> to vector<1x16xf32>
        tpu.vector_store %arg10[%swap3A_679, %swap3A_680], %swap3A_683 {strides = array<i32>} : memref<200x128xf32, #tpu.memory_space<vmem>>, vector<1x16xf32>,
        %get3A_684 = arith.index_cast %scan3A_657 : i32 to index
        %get3A_685 = arith.constant 32 : index
        %get3A_686 = tpu.vector_load %arg10[%get3A_684, %get3A_685] {strides = array<i32>} : memref<200x128xf32, #tpu.memory_space<vmem>>, vector<1x16xf32>,
        %get3A_687 = vector.shape_cast %get3A_686 : vector<1x16xf32> to vector<16xf32>
        %get3A_688 = arith.index_cast %scan3A_657 : i32 to index
        %get3A_689 = arith.constant 32 : index
        %get3A_690 = tpu.vector_load %arg6[%get3A_688, %get3A_689] {strides = array<i32>} : memref<200x128xf32, #tpu.memory_space<vmem>>, vector<1x16xf32>,
        %get3A_691 = vector.shape_cast %get3A_690 : vector<1x16xf32> to vector<16xf32>
        %add3A_692 = arith.addf %get3A_687, %get3A_691 : vector<16xf32>
        %swap3A_693 = arith.index_cast %scan3A_657 : i32 to index
        %swap3A_694 = arith.constant 32 : index
        %swap3A_695 = tpu.vector_load %arg10[%swap3A_693, %swap3A_694] {strides = array<i32>} : memref<200x128xf32, #tpu.memory_space<vmem>>, vector<1x16xf32>,
        %swap3A_696 = vector.shape_cast %swap3A_695 : vector<1x16xf32> to vector<16xf32>
        %swap3A_697 = vector.shape_cast %add3A_692 : vector<16xf32> to vector<1x16xf32>
        tpu.vector_store %arg10[%swap3A_693, %swap3A_694], %swap3A_697 {strides = array<i32>} : memref<200x128xf32, #tpu.memory_space<vmem>>, vector<1x16xf32>,
        %get3A_698 = arith.index_cast %scan3A_657 : i32 to index
        %get3A_699 = arith.constant 48 : index
        %get3A_700 = tpu.vector_load %arg10[%get3A_698, %get3A_699] {strides = array<i32>} : memref<200x128xf32, #tpu.memory_space<vmem>>, vector<1x16xf32>,
        %get3A_701 = vector.shape_cast %get3A_700 : vector<1x16xf32> to vector<16xf32>
        %get3A_702 = arith.index_cast %scan3A_657 : i32 to index
        %get3A_703 = arith.constant 48 : index
        %get3A_704 = tpu.vector_load %arg6[%get3A_702, %get3A_703] {strides = array<i32>} : memref<200x128xf32, #tpu.memory_space<vmem>>, vector<1x16xf32>,
        %get3A_705 = vector.shape_cast %get3A_704 : vector<1x16xf32> to vector<16xf32>
        %add3A_706 = arith.addf %get3A_701, %get3A_705 : vector<16xf32>
        %swap3A_707 = arith.index_cast %scan3A_657 : i32 to index
        %swap3A_708 = arith.constant 48 : index
        %swap3A_709 = tpu.vector_load %arg10[%swap3A_707, %swap3A_708] {strides = array<i32>} : memref<200x128xf32, #tpu.memory_space<vmem>>, vector<1x16xf32>,
        %swap3A_710 = vector.shape_cast %swap3A_709 : vector<1x16xf32> to vector<16xf32>
        %swap3A_711 = vector.shape_cast %add3A_706 : vector<16xf32> to vector<1x16xf32>
        tpu.vector_store %arg10[%swap3A_707, %swap3A_708], %swap3A_711 {strides = array<i32>} : memref<200x128xf32, #tpu.memory_space<vmem>>, vector<1x16xf32>,
        %get3A_712 = arith.index_cast %scan3A_657 : i32 to index
        %get3A_713 = arith.constant 64 : index
        %get3A_714 = tpu.vector_load %arg10[%get3A_712, %get3A_713] {strides = array<i32>} : memref<200x128xf32, #tpu.memory_space<vmem>>, vector<1x16xf32>,
        %get3A_715 = vector.shape_cast %get3A_714 : vector<1x16xf32> to vector<16xf32>
        %get3A_716 = arith.index_cast %scan3A_657 : i32 to index
        %get3A_717 = arith.constant 64 : index
        %get3A_718 = tpu.vector_load %arg6[%get3A_716, %get3A_717] {strides = array<i32>} : memref<200x128xf32, #tpu.memory_space<vmem>>, vector<1x16xf32>,
        %get3A_719 = vector.shape_cast %get3A_718 : vector<1x16xf32> to vector<16xf32>
        %add3A_720 = arith.addf %get3A_715, %get3A_719 : vector<16xf32>
        %swap3A_721 = arith.index_cast %scan3A_657 : i32 to index
        %swap3A_722 = arith.constant 64 : index
        %swap3A_723 = tpu.vector_load %arg10[%swap3A_721, %swap3A_722] {strides = array<i32>} : memref<200x128xf32, #tpu.memory_space<vmem>>, vector<1x16xf32>,
        %swap3A_724 = vector.shape_cast %swap3A_723 : vector<1x16xf32> to vector<16xf32>
        %swap3A_725 = vector.shape_cast %add3A_720 : vector<16xf32> to vector<1x16xf32>
        tpu.vector_store %arg10[%swap3A_721, %swap3A_722], %swap3A_725 {strides = array<i32>} : memref<200x128xf32, #tpu.memory_space<vmem>>, vector<1x16xf32>,
        %get3A_726 = arith.index_cast %scan3A_657 : i32 to index
        %get3A_727 = arith.constant 80 : index
        %get3A_728 = tpu.vector_load %arg10[%get3A_726, %get3A_727] {strides = array<i32>} : memref<200x128xf32, #tpu.memory_space<vmem>>, vector<1x16xf32>,
        %get3A_729 = vector.shape_cast %get3A_728 : vector<1x16xf32> to vector<16xf32>
        %get3A_730 = arith.index_cast %scan3A_657 : i32 to index
        %get3A_731 = arith.constant 80 : index
        %get3A_732 = tpu.vector_load %arg6[%get3A_730, %get3A_731] {strides = array<i32>} : memref<200x128xf32, #tpu.memory_space<vmem>>, vector<1x16xf32>,
        %get3A_733 = vector.shape_cast %get3A_732 : vector<1x16xf32> to vector<16xf32>
        %add3A_734 = arith.addf %get3A_729, %get3A_733 : vector<16xf32>
        %swap3A_735 = arith.index_cast %scan3A_657 : i32 to index
        %swap3A_736 = arith.constant 80 : index
        %swap3A_737 = tpu.vector_load %arg10[%swap3A_735, %swap3A_736] {strides = array<i32>} : memref<200x128xf32, #tpu.memory_space<vmem>>, vector<1x16xf32>,
        %swap3A_738 = vector.shape_cast %swap3A_737 : vector<1x16xf32> to vector<16xf32>
        %swap3A_739 = vector.shape_cast %add3A_734 : vector<16xf32> to vector<1x16xf32>
        tpu.vector_store %arg10[%swap3A_735, %swap3A_736], %swap3A_739 {strides = array<i32>} : memref<200x128xf32, #tpu.memory_space<vmem>>, vector<1x16xf32>,
        %get3A_740 = arith.index_cast %scan3A_657 : i32 to index
        %get3A_741 = arith.constant 96 : index
        %get3A_742 = tpu.vector_load %arg10[%get3A_740, %get3A_741] {strides = array<i32>} : memref<200x128xf32, #tpu.memory_space<vmem>>, vector<1x16xf32>,
        %get3A_743 = vector.shape_cast %get3A_742 : vector<1x16xf32> to vector<16xf32>
        %get3A_744 = arith.index_cast %scan3A_657 : i32 to index
        %get3A_745 = arith.constant 96 : index
        %get3A_746 = tpu.vector_load %arg6[%get3A_744, %get3A_745] {strides = array<i32>} : memref<200x128xf32, #tpu.memory_space<vmem>>, vector<1x16xf32>,
        %get3A_747 = vector.shape_cast %get3A_746 : vector<1x16xf32> to vector<16xf32>
        %add3A_748 = arith.addf %get3A_743, %get3A_747 : vector<16xf32>
        %swap3A_749 = arith.index_cast %scan3A_657 : i32 to index
        %swap3A_750 = arith.constant 96 : index
        %swap3A_751 = tpu.vector_load %arg10[%swap3A_749, %swap3A_750] {strides = array<i32>} : memref<200x128xf32, #tpu.memory_space<vmem>>, vector<1x16xf32>,
        %swap3A_752 = vector.shape_cast %swap3A_751 : vector<1x16xf32> to vector<16xf32>
        %swap3A_753 = vector.shape_cast %add3A_748 : vector<16xf32> to vector<1x16xf32>
        tpu.vector_store %arg10[%swap3A_749, %swap3A_750], %swap3A_753 {strides = array<i32>} : memref<200x128xf32, #tpu.memory_space<vmem>>, vector<1x16xf32>,
        %get3A_754 = arith.index_cast %scan3A_657 : i32 to index
        %get3A_755 = arith.constant 112 : index
        %get3A_756 = tpu.vector_load %arg10[%get3A_754, %get3A_755] {strides = array<i32>} : memref<200x128xf32, #tpu.memory_space<vmem>>, vector<1x16xf32>,
        %get3A_757 = vector.shape_cast %get3A_756 : vector<1x16xf32> to vector<16xf32>
        %get3A_758 = arith.index_cast %scan3A_657 : i32 to index
        %get3A_759 = arith.constant 112 : index
        %get3A_760 = tpu.vector_load %arg6[%get3A_758, %get3A_759] {strides = array<i32>} : memref<200x128xf32, #tpu.memory_space<vmem>>, vector<1x16xf32>,
        %get3A_761 = vector.shape_cast %get3A_760 : vector<1x16xf32> to vector<16xf32>
        %add3A_762 = arith.addf %get3A_757, %get3A_761 : vector<16xf32>
        %swap3A_763 = arith.index_cast %scan3A_657 : i32 to index
        %swap3A_764 = arith.constant 112 : index
        %swap3A_765 = tpu.vector_load %arg10[%swap3A_763, %swap3A_764] {strides = array<i32>} : memref<200x128xf32, #tpu.memory_space<vmem>>, vector<1x16xf32>,
        %swap3A_766 = vector.shape_cast %swap3A_765 : vector<1x16xf32> to vector<16xf32>
        %swap3A_767 = vector.shape_cast %add3A_762 : vector<16xf32> to vector<1x16xf32>
        tpu.vector_store %arg10[%swap3A_763, %swap3A_764], %swap3A_767 {strides = array<i32>} : memref<200x128xf32, #tpu.memory_space<vmem>>, vector<1x16xf32>,
      }
      %scan3A_639 = arith.constant 96 : i32
      %add3A_640 = arith.constant 2 : i32
      %add3A_641 = arith.addi %mul3A_398, %add3A_640 : i32
      %add3A_642 = arith.addi %mul3A_2, %add3A_641 : i32
      %mul3A_643 = arith.constant 200 : i32
      %mul3A_644 = arith.muli %add3A_642, %mul3A_643 : i32
      %add3A_645 = arith.constant 104 : i32
      %add3A_646 = arith.addi %mul3A_644, %add3A_645 : i32
      %dma_start3A_647 = arith.constant 104 : i32
      %dma_start3A_648 = arith.constant 0 : i32
      %dma_start3A_649 = tpu.memref_slice %arg10[%dma_start3A_647, %dma_start3A_648] : memref<200x128xf32, #tpu.memory_space<vmem>> -> memref<96x128xf32, #tpu.memory_space<vmem>>
      %dma_start3A_650 = arith.constant 0 : i32
      %dma_start3A_651 = tpu.memref_slice %arg5[%add3A_646, %dma_start3A_650] : memref<204800x128xf32, #tpu.memory_space<hbm>> -> memref<96x128xf32, #tpu.memory_space<hbm>>
      %dma_start3A_652 = arith.constant 0 : i32
      %dma_start3A_653 = tpu.memref_slice %arg5[%add3A_646, %dma_start3A_652] : memref<204800x128xf32, #tpu.memory_space<hbm>> -> memref<96x128xf32, #tpu.memory_space<hbm>>
      %dma_start3A_654 = arith.constant 104 : i32
      %dma_start3A_655 = arith.constant 0 : i32
      %dma_start3A_656 = tpu.memref_slice %arg10[%dma_start3A_654, %dma_start3A_655] : memref<200x128xf32, #tpu.memory_space<vmem>> -> memref<96x128xf32, #tpu.memory_space<vmem>>
      tpu.enqueue_dma source(%dma_start3A_656 : memref<96x128xf32, #tpu.memory_space<vmem>>) target(%dma_start3A_653 : memref<96x128xf32, #tpu.memory_space<hbm>>) target_semaphore(%arg16 : memref<!tpu.dma_semaphore, #tpu.memory_space<semaphore_mem>>)
    }
    %scan3A_277 = arith.constant 9 : i32
    %dma_wait3A_278 = arith.constant 0 : i32
    %dma_wait3A_279 = arith.constant 0 : i32
    %dma_wait3A_280 = tpu.memref_slice %arg3[%dma_wait3A_278, %dma_wait3A_279] : memref<100000x128xf32, #tpu.memory_space<hbm>> -> memref<200x128xf32, #tpu.memory_space<hbm>>
    %dma_wait3A_281 = arith.constant 0 : i32
    %dma_wait3A_282 = arith.constant 0 : i32
    %dma_wait3A_283 = tpu.memref_slice %arg3[%dma_wait3A_281, %dma_wait3A_282] : memref<100000x128xf32, #tpu.memory_space<hbm>> -> memref<200x128xf32, #tpu.memory_space<hbm>>
    tpu.wait_dma2 semaphore(%arg11 : memref<!tpu.dma_semaphore, #tpu.memory_space<semaphore_mem>>) src(%dma_wait3A_283 : memref<200x128xf32, #tpu.memory_space<hbm>>) dst(%arg8 : memref<200x128xf32, #tpu.memory_space<vmem>>)
    %scan3A_284 = arith.constant 0 : i32
    %scan3A_285 = arith.constant 0 : i32
    %scan3A_286 = arith.constant 104 : i32
    %scan3A_287 = arith.addi %scan3A_285, %scan3A_286 : i32
    %scan3A_288 = arith.constant 1 : i32
    scf.for %scan3A_396 = %scan3A_285 to %scan3A_287 step %scan3A_288  : i32 {
      %get3A = arith.index_cast %scan3A_396 : i32 to index
      %get3A_397 = arith.constant 0 : index
      %get3A_398 = tpu.vector_load %arg8[%get3A, %get3A_397] {strides = array<i32>} : memref<200x128xf32, #tpu.memory_space<vmem>>, vector<1x16xf32>,
      %get3A_399 = vector.shape_cast %get3A_398 : vector<1x16xf32> to vector<16xf32>
      %get3A_400 = arith.index_cast %scan3A_396 : i32 to index
      %get3A_401 = arith.constant 0 : index
      %get3A_402 = tpu.vector_load %arg6[%get3A_400, %get3A_401] {strides = array<i32>} : memref<200x128xf32, #tpu.memory_space<vmem>>, vector<1x16xf32>,
      %get3A_403 = vector.shape_cast %get3A_402 : vector<1x16xf32> to vector<16xf32>
      %add3A_404 = arith.addf %get3A_399, %get3A_403 : vector<16xf32>
      %swap3A = arith.index_cast %scan3A_396 : i32 to index
      %swap3A_405 = arith.constant 0 : index
      %swap3A_406 = tpu.vector_load %arg8[%swap3A, %swap3A_405] {strides = array<i32>} : memref<200x128xf32, #tpu.memory_space<vmem>>, vector<1x16xf32>,
      %swap3A_407 = vector.shape_cast %swap3A_406 : vector<1x16xf32> to vector<16xf32>
      %swap3A_408 = vector.shape_cast %add3A_404 : vector<16xf32> to vector<1x16xf32>
      tpu.vector_store %arg8[%swap3A, %swap3A_405], %swap3A_408 {strides = array<i32>} : memref<200x128xf32, #tpu.memory_space<vmem>>, vector<1x16xf32>,
      %get3A_409 = arith.index_cast %scan3A_396 : i32 to index
      %get3A_410 = arith.constant 16 : index
      %get3A_411 = tpu.vector_load %arg8[%get3A_409, %get3A_410] {strides = array<i32>} : memref<200x128xf32, #tpu.memory_space<vmem>>, vector<1x16xf32>,
      %get3A_412 = vector.shape_cast %get3A_411 : vector<1x16xf32> to vector<16xf32>
      %get3A_413 = arith.index_cast %scan3A_396 : i32 to index
      %get3A_414 = arith.constant 16 : index
      %get3A_415 = tpu.vector_load %arg6[%get3A_413, %get3A_414] {strides = array<i32>} : memref<200x128xf32, #tpu.memory_space<vmem>>, vector<1x16xf32>,
      %get3A_416 = vector.shape_cast %get3A_415 : vector<1x16xf32> to vector<16xf32>
      %add3A_417 = arith.addf %get3A_412, %get3A_416 : vector<16xf32>
      %swap3A_418 = arith.index_cast %scan3A_396 : i32 to index
      %swap3A_419 = arith.constant 16 : index
      %swap3A_420 = tpu.vector_load %arg8[%swap3A_418, %swap3A_419] {strides = array<i32>} : memref<200x128xf32, #tpu.memory_space<vmem>>, vector<1x16xf32>,
      %swap3A_421 = vector.shape_cast %swap3A_420 : vector<1x16xf32> to vector<16xf32>
      %swap3A_422 = vector.shape_cast %add3A_417 : vector<16xf32> to vector<1x16xf32>
      tpu.vector_store %arg8[%swap3A_418, %swap3A_419], %swap3A_422 {strides = array<i32>} : memref<200x128xf32, #tpu.memory_space<vmem>>, vector<1x16xf32>,
      %get3A_423 = arith.index_cast %scan3A_396 : i32 to index
      %get3A_424 = arith.constant 32 : index
      %get3A_425 = tpu.vector_load %arg8[%get3A_423, %get3A_424] {strides = array<i32>} : memref<200x128xf32, #tpu.memory_space<vmem>>, vector<1x16xf32>,
      %get3A_426 = vector.shape_cast %get3A_425 : vector<1x16xf32> to vector<16xf32>
      %get3A_427 = arith.index_cast %scan3A_396 : i32 to index
      %get3A_428 = arith.constant 32 : index
      %get3A_429 = tpu.vector_load %arg6[%get3A_427, %get3A_428] {strides = array<i32>} : memref<200x128xf32, #tpu.memory_space<vmem>>, vector<1x16xf32>,
      %get3A_430 = vector.shape_cast %get3A_429 : vector<1x16xf32> to vector<16xf32>
      %add3A_431 = arith.addf %get3A_426, %get3A_430 : vector<16xf32>
      %swap3A_432 = arith.index_cast %scan3A_396 : i32 to index
      %swap3A_433 = arith.constant 32 : index
      %swap3A_434 = tpu.vector_load %arg8[%swap3A_432, %swap3A_433] {strides = array<i32>} : memref<200x128xf32, #tpu.memory_space<vmem>>, vector<1x16xf32>,
      %swap3A_435 = vector.shape_cast %swap3A_434 : vector<1x16xf32> to vector<16xf32>
      %swap3A_436 = vector.shape_cast %add3A_431 : vector<16xf32> to vector<1x16xf32>
      tpu.vector_store %arg8[%swap3A_432, %swap3A_433], %swap3A_436 {strides = array<i32>} : memref<200x128xf32, #tpu.memory_space<vmem>>, vector<1x16xf32>,
      %get3A_437 = arith.index_cast %scan3A_396 : i32 to index
      %get3A_438 = arith.constant 48 : index
      %get3A_439 = tpu.vector_load %arg8[%get3A_437, %get3A_438] {strides = array<i32>} : memref<200x128xf32, #tpu.memory_space<vmem>>, vector<1x16xf32>,
      %get3A_440 = vector.shape_cast %get3A_439 : vector<1x16xf32> to vector<16xf32>
      %get3A_441 = arith.index_cast %scan3A_396 : i32 to index
      %get3A_442 = arith.constant 48 : index
      %get3A_443 = tpu.vector_load %arg6[%get3A_441, %get3A_442] {strides = array<i32>} : memref<200x128xf32, #tpu.memory_space<vmem>>, vector<1x16xf32>,
      %get3A_444 = vector.shape_cast %get3A_443 : vector<1x16xf32> to vector<16xf32>
      %add3A_445 = arith.addf %get3A_440, %get3A_444 : vector<16xf32>
      %swap3A_446 = arith.index_cast %scan3A_396 : i32 to index
      %swap3A_447 = arith.constant 48 : index
      %swap3A_448 = tpu.vector_load %arg8[%swap3A_446, %swap3A_447] {strides = array<i32>} : memref<200x128xf32, #tpu.memory_space<vmem>>, vector<1x16xf32>,
      %swap3A_449 = vector.shape_cast %swap3A_448 : vector<1x16xf32> to vector<16xf32>
      %swap3A_450 = vector.shape_cast %add3A_445 : vector<16xf32> to vector<1x16xf32>
      tpu.vector_store %arg8[%swap3A_446, %swap3A_447], %swap3A_450 {strides = array<i32>} : memref<200x128xf32, #tpu.memory_space<vmem>>, vector<1x16xf32>,
      %get3A_451 = arith.index_cast %scan3A_396 : i32 to index
      %get3A_452 = arith.constant 64 : index
      %get3A_453 = tpu.vector_load %arg8[%get3A_451, %get3A_452] {strides = array<i32>} : memref<200x128xf32, #tpu.memory_space<vmem>>, vector<1x16xf32>,
      %get3A_454 = vector.shape_cast %get3A_453 : vector<1x16xf32> to vector<16xf32>
      %get3A_455 = arith.index_cast %scan3A_396 : i32 to index
      %get3A_456 = arith.constant 64 : index
      %get3A_457 = tpu.vector_load %arg6[%get3A_455, %get3A_456] {strides = array<i32>} : memref<200x128xf32, #tpu.memory_space<vmem>>, vector<1x16xf32>,
      %get3A_458 = vector.shape_cast %get3A_457 : vector<1x16xf32> to vector<16xf32>
      %add3A_459 = arith.addf %get3A_454, %get3A_458 : vector<16xf32>
      %swap3A_460 = arith.index_cast %scan3A_396 : i32 to index
      %swap3A_461 = arith.constant 64 : index
      %swap3A_462 = tpu.vector_load %arg8[%swap3A_460, %swap3A_461] {strides = array<i32>} : memref<200x128xf32, #tpu.memory_space<vmem>>, vector<1x16xf32>,
      %swap3A_463 = vector.shape_cast %swap3A_462 : vector<1x16xf32> to vector<16xf32>
      %swap3A_464 = vector.shape_cast %add3A_459 : vector<16xf32> to vector<1x16xf32>
      tpu.vector_store %arg8[%swap3A_460, %swap3A_461], %swap3A_464 {strides = array<i32>} : memref<200x128xf32, #tpu.memory_space<vmem>>, vector<1x16xf32>,
      %get3A_465 = arith.index_cast %scan3A_396 : i32 to index
      %get3A_466 = arith.constant 80 : index
      %get3A_467 = tpu.vector_load %arg8[%get3A_465, %get3A_466] {strides = array<i32>} : memref<200x128xf32, #tpu.memory_space<vmem>>, vector<1x16xf32>,
      %get3A_468 = vector.shape_cast %get3A_467 : vector<1x16xf32> to vector<16xf32>
      %get3A_469 = arith.index_cast %scan3A_396 : i32 to index
      %get3A_470 = arith.constant 80 : index
      %get3A_471 = tpu.vector_load %arg6[%get3A_469, %get3A_470] {strides = array<i32>} : memref<200x128xf32, #tpu.memory_space<vmem>>, vector<1x16xf32>,
      %get3A_472 = vector.shape_cast %get3A_471 : vector<1x16xf32> to vector<16xf32>
      %add3A_473 = arith.addf %get3A_468, %get3A_472 : vector<16xf32>
      %swap3A_474 = arith.index_cast %scan3A_396 : i32 to index
      %swap3A_475 = arith.constant 80 : index
      %swap3A_476 = tpu.vector_load %arg8[%swap3A_474, %swap3A_475] {strides = array<i32>} : memref<200x128xf32, #tpu.memory_space<vmem>>, vector<1x16xf32>,
      %swap3A_477 = vector.shape_cast %swap3A_476 : vector<1x16xf32> to vector<16xf32>
      %swap3A_478 = vector.shape_cast %add3A_473 : vector<16xf32> to vector<1x16xf32>
      tpu.vector_store %arg8[%swap3A_474, %swap3A_475], %swap3A_478 {strides = array<i32>} : memref<200x128xf32, #tpu.memory_space<vmem>>, vector<1x16xf32>,
      %get3A_479 = arith.index_cast %scan3A_396 : i32 to index
      %get3A_480 = arith.constant 96 : index
      %get3A_481 = tpu.vector_load %arg8[%get3A_479, %get3A_480] {strides = array<i32>} : memref<200x128xf32, #tpu.memory_space<vmem>>, vector<1x16xf32>,
      %get3A_482 = vector.shape_cast %get3A_481 : vector<1x16xf32> to vector<16xf32>
      %get3A_483 = arith.index_cast %scan3A_396 : i32 to index
      %get3A_484 = arith.constant 96 : index
      %get3A_485 = tpu.vector_load %arg6[%get3A_483, %get3A_484] {strides = array<i32>} : memref<200x128xf32, #tpu.memory_space<vmem>>, vector<1x16xf32>,
      %get3A_486 = vector.shape_cast %get3A_485 : vector<1x16xf32> to vector<16xf32>
      %add3A_487 = arith.addf %get3A_482, %get3A_486 : vector<16xf32>
      %swap3A_488 = arith.index_cast %scan3A_396 : i32 to index
      %swap3A_489 = arith.constant 96 : index
      %swap3A_490 = tpu.vector_load %arg8[%swap3A_488, %swap3A_489] {strides = array<i32>} : memref<200x128xf32, #tpu.memory_space<vmem>>, vector<1x16xf32>,
      %swap3A_491 = vector.shape_cast %swap3A_490 : vector<1x16xf32> to vector<16xf32>
      %swap3A_492 = vector.shape_cast %add3A_487 : vector<16xf32> to vector<1x16xf32>
      tpu.vector_store %arg8[%swap3A_488, %swap3A_489], %swap3A_492 {strides = array<i32>} : memref<200x128xf32, #tpu.memory_space<vmem>>, vector<1x16xf32>,
      %get3A_493 = arith.index_cast %scan3A_396 : i32 to index
      %get3A_494 = arith.constant 112 : index
      %get3A_495 = tpu.vector_load %arg8[%get3A_493, %get3A_494] {strides = array<i32>} : memref<200x128xf32, #tpu.memory_space<vmem>>, vector<1x16xf32>,
      %get3A_496 = vector.shape_cast %get3A_495 : vector<1x16xf32> to vector<16xf32>
      %get3A_497 = arith.index_cast %scan3A_396 : i32 to index
      %get3A_498 = arith.constant 112 : index
      %get3A_499 = tpu.vector_load %arg6[%get3A_497, %get3A_498] {strides = array<i32>} : memref<200x128xf32, #tpu.memory_space<vmem>>, vector<1x16xf32>,
      %get3A_500 = vector.shape_cast %get3A_499 : vector<1x16xf32> to vector<16xf32>
      %add3A_501 = arith.addf %get3A_496, %get3A_500 : vector<16xf32>
      %swap3A_502 = arith.index_cast %scan3A_396 : i32 to index
      %swap3A_503 = arith.constant 112 : index
      %swap3A_504 = tpu.vector_load %arg8[%swap3A_502, %swap3A_503] {strides = array<i32>} : memref<200x128xf32, #tpu.memory_space<vmem>>, vector<1x16xf32>,
      %swap3A_505 = vector.shape_cast %swap3A_504 : vector<1x16xf32> to vector<16xf32>
      %swap3A_506 = vector.shape_cast %add3A_501 : vector<16xf32> to vector<1x16xf32>
      tpu.vector_store %arg8[%swap3A_502, %swap3A_503], %swap3A_506 {strides = array<i32>} : memref<200x128xf32, #tpu.memory_space<vmem>>, vector<1x16xf32>,
    }
    %scan3A_289 = arith.constant 104 : i32
    %add3A_290 = arith.constant 30 : i32
    %add3A_291 = arith.addi %mul3A_2, %add3A_290 : i32
    %mul3A_292 = arith.constant 200 : i32
    %mul3A_293 = arith.muli %add3A_291, %mul3A_292 : i32
    %add3A_294 = arith.constant 0 : i32
    %add3A_295 = arith.addi %mul3A_293, %add3A_294 : i32
    %dma_start3A_296 = arith.constant 0 : i32
    %dma_start3A_297 = arith.constant 0 : i32
    %dma_start3A_298 = tpu.memref_slice %arg8[%dma_start3A_296, %dma_start3A_297] : memref<200x128xf32, #tpu.memory_space<vmem>> -> memref<104x128xf32, #tpu.memory_space<vmem>>
    %dma_start3A_299 = arith.constant 0 : i32
    %dma_start3A_300 = tpu.memref_slice %arg5[%add3A_295, %dma_start3A_299] : memref<204800x128xf32, #tpu.memory_space<hbm>> -> memref<104x128xf32, #tpu.memory_space<hbm>>
    %dma_start3A_301 = arith.constant 0 : i32
    %dma_start3A_302 = tpu.memref_slice %arg5[%add3A_295, %dma_start3A_301] : memref<204800x128xf32, #tpu.memory_space<hbm>> -> memref<104x128xf32, #tpu.memory_space<hbm>>
    %dma_start3A_303 = arith.constant 0 : i32
    %dma_start3A_304 = arith.constant 0 : i32
    %dma_start3A_305 = tpu.memref_slice %arg8[%dma_start3A_303, %dma_start3A_304] : memref<200x128xf32, #tpu.memory_space<vmem>> -> memref<104x128xf32, #tpu.memory_space<vmem>>
    tpu.enqueue_dma source(%dma_start3A_305 : memref<104x128xf32, #tpu.memory_space<vmem>>) target(%dma_start3A_302 : memref<104x128xf32, #tpu.memory_space<hbm>>) target_semaphore(%arg14 : memref<!tpu.dma_semaphore, #tpu.memory_space<semaphore_mem>>)
    %scan3A_306 = arith.constant 0 : i32
    %scan3A_307 = arith.constant 104 : i32
    %scan3A_308 = arith.constant 96 : i32
    %scan3A_309 = arith.addi %scan3A_307, %scan3A_308 : i32
    %scan3A_310 = arith.constant 1 : i32
    scf.for %scan3A_396 = %scan3A_307 to %scan3A_309 step %scan3A_310  : i32 {
      %get3A = arith.index_cast %scan3A_396 : i32 to index
      %get3A_397 = arith.constant 0 : index
      %get3A_398 = tpu.vector_load %arg8[%get3A, %get3A_397] {strides = array<i32>} : memref<200x128xf32, #tpu.memory_space<vmem>>, vector<1x16xf32>,
      %get3A_399 = vector.shape_cast %get3A_398 : vector<1x16xf32> to vector<16xf32>
      %get3A_400 = arith.index_cast %scan3A_396 : i32 to index
      %get3A_401 = arith.constant 0 : index
      %get3A_402 = tpu.vector_load %arg6[%get3A_400, %get3A_401] {strides = array<i32>} : memref<200x128xf32, #tpu.memory_space<vmem>>, vector<1x16xf32>,
      %get3A_403 = vector.shape_cast %get3A_402 : vector<1x16xf32> to vector<16xf32>
      %add3A_404 = arith.addf %get3A_399, %get3A_403 : vector<16xf32>
      %swap3A = arith.index_cast %scan3A_396 : i32 to index
      %swap3A_405 = arith.constant 0 : index
      %swap3A_406 = tpu.vector_load %arg8[%swap3A, %swap3A_405] {strides = array<i32>} : memref<200x128xf32, #tpu.memory_space<vmem>>, vector<1x16xf32>,
      %swap3A_407 = vector.shape_cast %swap3A_406 : vector<1x16xf32> to vector<16xf32>
      %swap3A_408 = vector.shape_cast %add3A_404 : vector<16xf32> to vector<1x16xf32>
      tpu.vector_store %arg8[%swap3A, %swap3A_405], %swap3A_408 {strides = array<i32>} : memref<200x128xf32, #tpu.memory_space<vmem>>, vector<1x16xf32>,
      %get3A_409 = arith.index_cast %scan3A_396 : i32 to index
      %get3A_410 = arith.constant 16 : index
      %get3A_411 = tpu.vector_load %arg8[%get3A_409, %get3A_410] {strides = array<i32>} : memref<200x128xf32, #tpu.memory_space<vmem>>, vector<1x16xf32>,
      %get3A_412 = vector.shape_cast %get3A_411 : vector<1x16xf32> to vector<16xf32>
      %get3A_413 = arith.index_cast %scan3A_396 : i32 to index
      %get3A_414 = arith.constant 16 : index
      %get3A_415 = tpu.vector_load %arg6[%get3A_413, %get3A_414] {strides = array<i32>} : memref<200x128xf32, #tpu.memory_space<vmem>>, vector<1x16xf32>,
      %get3A_416 = vector.shape_cast %get3A_415 : vector<1x16xf32> to vector<16xf32>
      %add3A_417 = arith.addf %get3A_412, %get3A_416 : vector<16xf32>
      %swap3A_418 = arith.index_cast %scan3A_396 : i32 to index
      %swap3A_419 = arith.constant 16 : index
      %swap3A_420 = tpu.vector_load %arg8[%swap3A_418, %swap3A_419] {strides = array<i32>} : memref<200x128xf32, #tpu.memory_space<vmem>>, vector<1x16xf32>,
      %swap3A_421 = vector.shape_cast %swap3A_420 : vector<1x16xf32> to vector<16xf32>
      %swap3A_422 = vector.shape_cast %add3A_417 : vector<16xf32> to vector<1x16xf32>
      tpu.vector_store %arg8[%swap3A_418, %swap3A_419], %swap3A_422 {strides = array<i32>} : memref<200x128xf32, #tpu.memory_space<vmem>>, vector<1x16xf32>,
      %get3A_423 = arith.index_cast %scan3A_396 : i32 to index
      %get3A_424 = arith.constant 32 : index
      %get3A_425 = tpu.vector_load %arg8[%get3A_423, %get3A_424] {strides = array<i32>} : memref<200x128xf32, #tpu.memory_space<vmem>>, vector<1x16xf32>,
      %get3A_426 = vector.shape_cast %get3A_425 : vector<1x16xf32> to vector<16xf32>
      %get3A_427 = arith.index_cast %scan3A_396 : i32 to index
      %get3A_428 = arith.constant 32 : index
      %get3A_429 = tpu.vector_load %arg6[%get3A_427, %get3A_428] {strides = array<i32>} : memref<200x128xf32, #tpu.memory_space<vmem>>, vector<1x16xf32>,
      %get3A_430 = vector.shape_cast %get3A_429 : vector<1x16xf32> to vector<16xf32>
      %add3A_431 = arith.addf %get3A_426, %get3A_430 : vector<16xf32>
      %swap3A_432 = arith.index_cast %scan3A_396 : i32 to index
      %swap3A_433 = arith.constant 32 : index
      %swap3A_434 = tpu.vector_load %arg8[%swap3A_432, %swap3A_433] {strides = array<i32>} : memref<200x128xf32, #tpu.memory_space<vmem>>, vector<1x16xf32>,
      %swap3A_435 = vector.shape_cast %swap3A_434 : vector<1x16xf32> to vector<16xf32>
      %swap3A_436 = vector.shape_cast %add3A_431 : vector<16xf32> to vector<1x16xf32>
      tpu.vector_store %arg8[%swap3A_432, %swap3A_433], %swap3A_436 {strides = array<i32>} : memref<200x128xf32, #tpu.memory_space<vmem>>, vector<1x16xf32>,
      %get3A_437 = arith.index_cast %scan3A_396 : i32 to index
      %get3A_438 = arith.constant 48 : index
      %get3A_439 = tpu.vector_load %arg8[%get3A_437, %get3A_438] {strides = array<i32>} : memref<200x128xf32, #tpu.memory_space<vmem>>, vector<1x16xf32>,
      %get3A_440 = vector.shape_cast %get3A_439 : vector<1x16xf32> to vector<16xf32>
      %get3A_441 = arith.index_cast %scan3A_396 : i32 to index
      %get3A_442 = arith.constant 48 : index
      %get3A_443 = tpu.vector_load %arg6[%get3A_441, %get3A_442] {strides = array<i32>} : memref<200x128xf32, #tpu.memory_space<vmem>>, vector<1x16xf32>,
      %get3A_444 = vector.shape_cast %get3A_443 : vector<1x16xf32> to vector<16xf32>
      %add3A_445 = arith.addf %get3A_440, %get3A_444 : vector<16xf32>
      %swap3A_446 = arith.index_cast %scan3A_396 : i32 to index
      %swap3A_447 = arith.constant 48 : index
      %swap3A_448 = tpu.vector_load %arg8[%swap3A_446, %swap3A_447] {strides = array<i32>} : memref<200x128xf32, #tpu.memory_space<vmem>>, vector<1x16xf32>,
      %swap3A_449 = vector.shape_cast %swap3A_448 : vector<1x16xf32> to vector<16xf32>
      %swap3A_450 = vector.shape_cast %add3A_445 : vector<16xf32> to vector<1x16xf32>
      tpu.vector_store %arg8[%swap3A_446, %swap3A_447], %swap3A_450 {strides = array<i32>} : memref<200x128xf32, #tpu.memory_space<vmem>>, vector<1x16xf32>,
      %get3A_451 = arith.index_cast %scan3A_396 : i32 to index
      %get3A_452 = arith.constant 64 : index
      %get3A_453 = tpu.vector_load %arg8[%get3A_451, %get3A_452] {strides = array<i32>} : memref<200x128xf32, #tpu.memory_space<vmem>>, vector<1x16xf32>,
      %get3A_454 = vector.shape_cast %get3A_453 : vector<1x16xf32> to vector<16xf32>
      %get3A_455 = arith.index_cast %scan3A_396 : i32 to index
      %get3A_456 = arith.constant 64 : index
      %get3A_457 = tpu.vector_load %arg6[%get3A_455, %get3A_456] {strides = array<i32>} : memref<200x128xf32, #tpu.memory_space<vmem>>, vector<1x16xf32>,
      %get3A_458 = vector.shape_cast %get3A_457 : vector<1x16xf32> to vector<16xf32>
      %add3A_459 = arith.addf %get3A_454, %get3A_458 : vector<16xf32>
      %swap3A_460 = arith.index_cast %scan3A_396 : i32 to index
      %swap3A_461 = arith.constant 64 : index
      %swap3A_462 = tpu.vector_load %arg8[%swap3A_460, %swap3A_461] {strides = array<i32>} : memref<200x128xf32, #tpu.memory_space<vmem>>, vector<1x16xf32>,
      %swap3A_463 = vector.shape_cast %swap3A_462 : vector<1x16xf32> to vector<16xf32>
      %swap3A_464 = vector.shape_cast %add3A_459 : vector<16xf32> to vector<1x16xf32>
      tpu.vector_store %arg8[%swap3A_460, %swap3A_461], %swap3A_464 {strides = array<i32>} : memref<200x128xf32, #tpu.memory_space<vmem>>, vector<1x16xf32>,
      %get3A_465 = arith.index_cast %scan3A_396 : i32 to index
      %get3A_466 = arith.constant 80 : index
      %get3A_467 = tpu.vector_load %arg8[%get3A_465, %get3A_466] {strides = array<i32>} : memref<200x128xf32, #tpu.memory_space<vmem>>, vector<1x16xf32>,
      %get3A_468 = vector.shape_cast %get3A_467 : vector<1x16xf32> to vector<16xf32>
      %get3A_469 = arith.index_cast %scan3A_396 : i32 to index
      %get3A_470 = arith.constant 80 : index
      %get3A_471 = tpu.vector_load %arg6[%get3A_469, %get3A_470] {strides = array<i32>} : memref<200x128xf32, #tpu.memory_space<vmem>>, vector<1x16xf32>,
      %get3A_472 = vector.shape_cast %get3A_471 : vector<1x16xf32> to vector<16xf32>
      %add3A_473 = arith.addf %get3A_468, %get3A_472 : vector<16xf32>
      %swap3A_474 = arith.index_cast %scan3A_396 : i32 to index
      %swap3A_475 = arith.constant 80 : index
      %swap3A_476 = tpu.vector_load %arg8[%swap3A_474, %swap3A_475] {strides = array<i32>} : memref<200x128xf32, #tpu.memory_space<vmem>>, vector<1x16xf32>,
      %swap3A_477 = vector.shape_cast %swap3A_476 : vector<1x16xf32> to vector<16xf32>
      %swap3A_478 = vector.shape_cast %add3A_473 : vector<16xf32> to vector<1x16xf32>
      tpu.vector_store %arg8[%swap3A_474, %swap3A_475], %swap3A_478 {strides = array<i32>} : memref<200x128xf32, #tpu.memory_space<vmem>>, vector<1x16xf32>,
      %get3A_479 = arith.index_cast %scan3A_396 : i32 to index
      %get3A_480 = arith.constant 96 : index
      %get3A_481 = tpu.vector_load %arg8[%get3A_479, %get3A_480] {strides = array<i32>} : memref<200x128xf32, #tpu.memory_space<vmem>>, vector<1x16xf32>,
      %get3A_482 = vector.shape_cast %get3A_481 : vector<1x16xf32> to vector<16xf32>
      %get3A_483 = arith.index_cast %scan3A_396 : i32 to index
      %get3A_484 = arith.constant 96 : index
      %get3A_485 = tpu.vector_load %arg6[%get3A_483, %get3A_484] {strides = array<i32>} : memref<200x128xf32, #tpu.memory_space<vmem>>, vector<1x16xf32>,
      %get3A_486 = vector.shape_cast %get3A_485 : vector<1x16xf32> to vector<16xf32>
      %add3A_487 = arith.addf %get3A_482, %get3A_486 : vector<16xf32>
      %swap3A_488 = arith.index_cast %scan3A_396 : i32 to index
      %swap3A_489 = arith.constant 96 : index
      %swap3A_490 = tpu.vector_load %arg8[%swap3A_488, %swap3A_489] {strides = array<i32>} : memref<200x128xf32, #tpu.memory_space<vmem>>, vector<1x16xf32>,
      %swap3A_491 = vector.shape_cast %swap3A_490 : vector<1x16xf32> to vector<16xf32>
      %swap3A_492 = vector.shape_cast %add3A_487 : vector<16xf32> to vector<1x16xf32>
      tpu.vector_store %arg8[%swap3A_488, %swap3A_489], %swap3A_492 {strides = array<i32>} : memref<200x128xf32, #tpu.memory_space<vmem>>, vector<1x16xf32>,
      %get3A_493 = arith.index_cast %scan3A_396 : i32 to index
      %get3A_494 = arith.constant 112 : index
      %get3A_495 = tpu.vector_load %arg8[%get3A_493, %get3A_494] {strides = array<i32>} : memref<200x128xf32, #tpu.memory_space<vmem>>, vector<1x16xf32>,
      %get3A_496 = vector.shape_cast %get3A_495 : vector<1x16xf32> to vector<16xf32>
      %get3A_497 = arith.index_cast %scan3A_396 : i32 to index
      %get3A_498 = arith.constant 112 : index
      %get3A_499 = tpu.vector_load %arg6[%get3A_497, %get3A_498] {strides = array<i32>} : memref<200x128xf32, #tpu.memory_space<vmem>>, vector<1x16xf32>,
      %get3A_500 = vector.shape_cast %get3A_499 : vector<1x16xf32> to vector<16xf32>
      %add3A_501 = arith.addf %get3A_496, %get3A_500 : vector<16xf32>
      %swap3A_502 = arith.index_cast %scan3A_396 : i32 to index
      %swap3A_503 = arith.constant 112 : index
      %swap3A_504 = tpu.vector_load %arg8[%swap3A_502, %swap3A_503] {strides = array<i32>} : memref<200x128xf32, #tpu.memory_space<vmem>>, vector<1x16xf32>,
      %swap3A_505 = vector.shape_cast %swap3A_504 : vector<1x16xf32> to vector<16xf32>
      %swap3A_506 = vector.shape_cast %add3A_501 : vector<16xf32> to vector<1x16xf32>
      tpu.vector_store %arg8[%swap3A_502, %swap3A_503], %swap3A_506 {strides = array<i32>} : memref<200x128xf32, #tpu.memory_space<vmem>>, vector<1x16xf32>,
    }
    %scan3A_311 = arith.constant 96 : i32
    %add3A_312 = arith.constant 30 : i32
    %add3A_313 = arith.addi %mul3A_2, %add3A_312 : i32
    %mul3A_314 = arith.constant 200 : i32
    %mul3A_315 = arith.muli %add3A_313, %mul3A_314 : i32
    %add3A_316 = arith.constant 104 : i32
    %add3A_317 = arith.addi %mul3A_315, %add3A_316 : i32
    %dma_start3A_318 = arith.constant 104 : i32
    %dma_start3A_319 = arith.constant 0 : i32
    %dma_start3A_320 = tpu.memref_slice %arg8[%dma_start3A_318, %dma_start3A_319] : memref<200x128xf32, #tpu.memory_space<vmem>> -> memref<96x128xf32, #tpu.memory_space<vmem>>
    %dma_start3A_321 = arith.constant 0 : i32
    %dma_start3A_322 = tpu.memref_slice %arg5[%add3A_317, %dma_start3A_321] : memref<204800x128xf32, #tpu.memory_space<hbm>> -> memref<96x128xf32, #tpu.memory_space<hbm>>
    %dma_start3A_323 = arith.constant 0 : i32
    %dma_start3A_324 = tpu.memref_slice %arg5[%add3A_317, %dma_start3A_323] : memref<204800x128xf32, #tpu.memory_space<hbm>> -> memref<96x128xf32, #tpu.memory_space<hbm>>
    %dma_start3A_325 = arith.constant 104 : i32
    %dma_start3A_326 = arith.constant 0 : i32
    %dma_start3A_327 = tpu.memref_slice %arg8[%dma_start3A_325, %dma_start3A_326] : memref<200x128xf32, #tpu.memory_space<vmem>> -> memref<96x128xf32, #tpu.memory_space<vmem>>
    tpu.enqueue_dma source(%dma_start3A_327 : memref<96x128xf32, #tpu.memory_space<vmem>>) target(%dma_start3A_324 : memref<96x128xf32, #tpu.memory_space<hbm>>) target_semaphore(%arg14 : memref<!tpu.dma_semaphore, #tpu.memory_space<semaphore_mem>>)
    %dma_wait3A_328 = arith.constant 0 : i32
    %dma_wait3A_329 = arith.constant 0 : i32
    %dma_wait3A_330 = tpu.memref_slice %arg3[%dma_wait3A_328, %dma_wait3A_329] : memref<100000x128xf32, #tpu.memory_space<hbm>> -> memref<200x128xf32, #tpu.memory_space<hbm>>
    %dma_wait3A_331 = arith.constant 0 : i32
    %dma_wait3A_332 = arith.constant 0 : i32
    %dma_wait3A_333 = tpu.memref_slice %arg3[%dma_wait3A_331, %dma_wait3A_332] : memref<100000x128xf32, #tpu.memory_space<hbm>> -> memref<200x128xf32, #tpu.memory_space<hbm>>
    tpu.wait_dma2 semaphore(%arg12 : memref<!tpu.dma_semaphore, #tpu.memory_space<semaphore_mem>>) src(%dma_wait3A_333 : memref<200x128xf32, #tpu.memory_space<hbm>>) dst(%arg9 : memref<200x128xf32, #tpu.memory_space<vmem>>)
    %scan3A_334 = arith.constant 0 : i32
    %scan3A_335 = arith.constant 0 : i32
    %scan3A_336 = arith.constant 104 : i32
    %scan3A_337 = arith.addi %scan3A_335, %scan3A_336 : i32
    %scan3A_338 = arith.constant 1 : i32
    scf.for %scan3A_396 = %scan3A_335 to %scan3A_337 step %scan3A_338  : i32 {
      %get3A = arith.index_cast %scan3A_396 : i32 to index
      %get3A_397 = arith.constant 0 : index
      %get3A_398 = tpu.vector_load %arg9[%get3A, %get3A_397] {strides = array<i32>} : memref<200x128xf32, #tpu.memory_space<vmem>>, vector<1x16xf32>,
      %get3A_399 = vector.shape_cast %get3A_398 : vector<1x16xf32> to vector<16xf32>
      %get3A_400 = arith.index_cast %scan3A_396 : i32 to index
      %get3A_401 = arith.constant 0 : index
      %get3A_402 = tpu.vector_load %arg6[%get3A_400, %get3A_401] {strides = array<i32>} : memref<200x128xf32, #tpu.memory_space<vmem>>, vector<1x16xf32>,
      %get3A_403 = vector.shape_cast %get3A_402 : vector<1x16xf32> to vector<16xf32>
      %add3A_404 = arith.addf %get3A_399, %get3A_403 : vector<16xf32>
      %swap3A = arith.index_cast %scan3A_396 : i32 to index
      %swap3A_405 = arith.constant 0 : index
      %swap3A_406 = tpu.vector_load %arg9[%swap3A, %swap3A_405] {strides = array<i32>} : memref<200x128xf32, #tpu.memory_space<vmem>>, vector<1x16xf32>,
      %swap3A_407 = vector.shape_cast %swap3A_406 : vector<1x16xf32> to vector<16xf32>
      %swap3A_408 = vector.shape_cast %add3A_404 : vector<16xf32> to vector<1x16xf32>
      tpu.vector_store %arg9[%swap3A, %swap3A_405], %swap3A_408 {strides = array<i32>} : memref<200x128xf32, #tpu.memory_space<vmem>>, vector<1x16xf32>,
      %get3A_409 = arith.index_cast %scan3A_396 : i32 to index
      %get3A_410 = arith.constant 16 : index
      %get3A_411 = tpu.vector_load %arg9[%get3A_409, %get3A_410] {strides = array<i32>} : memref<200x128xf32, #tpu.memory_space<vmem>>, vector<1x16xf32>,
      %get3A_412 = vector.shape_cast %get3A_411 : vector<1x16xf32> to vector<16xf32>
      %get3A_413 = arith.index_cast %scan3A_396 : i32 to index
      %get3A_414 = arith.constant 16 : index
      %get3A_415 = tpu.vector_load %arg6[%get3A_413, %get3A_414] {strides = array<i32>} : memref<200x128xf32, #tpu.memory_space<vmem>>, vector<1x16xf32>,
      %get3A_416 = vector.shape_cast %get3A_415 : vector<1x16xf32> to vector<16xf32>
      %add3A_417 = arith.addf %get3A_412, %get3A_416 : vector<16xf32>
      %swap3A_418 = arith.index_cast %scan3A_396 : i32 to index
      %swap3A_419 = arith.constant 16 : index
      %swap3A_420 = tpu.vector_load %arg9[%swap3A_418, %swap3A_419] {strides = array<i32>} : memref<200x128xf32, #tpu.memory_space<vmem>>, vector<1x16xf32>,
      %swap3A_421 = vector.shape_cast %swap3A_420 : vector<1x16xf32> to vector<16xf32>
      %swap3A_422 = vector.shape_cast %add3A_417 : vector<16xf32> to vector<1x16xf32>
      tpu.vector_store %arg9[%swap3A_418, %swap3A_419], %swap3A_422 {strides = array<i32>} : memref<200x128xf32, #tpu.memory_space<vmem>>, vector<1x16xf32>,
      %get3A_423 = arith.index_cast %scan3A_396 : i32 to index
      %get3A_424 = arith.constant 32 : index
      %get3A_425 = tpu.vector_load %arg9[%get3A_423, %get3A_424] {strides = array<i32>} : memref<200x128xf32, #tpu.memory_space<vmem>>, vector<1x16xf32>,
      %get3A_426 = vector.shape_cast %get3A_425 : vector<1x16xf32> to vector<16xf32>
      %get3A_427 = arith.index_cast %scan3A_396 : i32 to index
      %get3A_428 = arith.constant 32 : index
      %get3A_429 = tpu.vector_load %arg6[%get3A_427, %get3A_428] {strides = array<i32>} : memref<200x128xf32, #tpu.memory_space<vmem>>, vector<1x16xf32>,
      %get3A_430 = vector.shape_cast %get3A_429 : vector<1x16xf32> to vector<16xf32>
      %add3A_431 = arith.addf %get3A_426, %get3A_430 : vector<16xf32>
      %swap3A_432 = arith.index_cast %scan3A_396 : i32 to index
      %swap3A_433 = arith.constant 32 : index
      %swap3A_434 = tpu.vector_load %arg9[%swap3A_432, %swap3A_433] {strides = array<i32>} : memref<200x128xf32, #tpu.memory_space<vmem>>, vector<1x16xf32>,
      %swap3A_435 = vector.shape_cast %swap3A_434 : vector<1x16xf32> to vector<16xf32>
      %swap3A_436 = vector.shape_cast %add3A_431 : vector<16xf32> to vector<1x16xf32>
      tpu.vector_store %arg9[%swap3A_432, %swap3A_433], %swap3A_436 {strides = array<i32>} : memref<200x128xf32, #tpu.memory_space<vmem>>, vector<1x16xf32>,
      %get3A_437 = arith.index_cast %scan3A_396 : i32 to index
      %get3A_438 = arith.constant 48 : index
      %get3A_439 = tpu.vector_load %arg9[%get3A_437, %get3A_438] {strides = array<i32>} : memref<200x128xf32, #tpu.memory_space<vmem>>, vector<1x16xf32>,
      %get3A_440 = vector.shape_cast %get3A_439 : vector<1x16xf32> to vector<16xf32>
      %get3A_441 = arith.index_cast %scan3A_396 : i32 to index
      %get3A_442 = arith.constant 48 : index
      %get3A_443 = tpu.vector_load %arg6[%get3A_441, %get3A_442] {strides = array<i32>} : memref<200x128xf32, #tpu.memory_space<vmem>>, vector<1x16xf32>,
      %get3A_444 = vector.shape_cast %get3A_443 : vector<1x16xf32> to vector<16xf32>
      %add3A_445 = arith.addf %get3A_440, %get3A_444 : vector<16xf32>
      %swap3A_446 = arith.index_cast %scan3A_396 : i32 to index
      %swap3A_447 = arith.constant 48 : index
      %swap3A_448 = tpu.vector_load %arg9[%swap3A_446, %swap3A_447] {strides = array<i32>} : memref<200x128xf32, #tpu.memory_space<vmem>>, vector<1x16xf32>,
      %swap3A_449 = vector.shape_cast %swap3A_448 : vector<1x16xf32> to vector<16xf32>
      %swap3A_450 = vector.shape_cast %add3A_445 : vector<16xf32> to vector<1x16xf32>
      tpu.vector_store %arg9[%swap3A_446, %swap3A_447], %swap3A_450 {strides = array<i32>} : memref<200x128xf32, #tpu.memory_space<vmem>>, vector<1x16xf32>,
      %get3A_451 = arith.index_cast %scan3A_396 : i32 to index
      %get3A_452 = arith.constant 64 : index
      %get3A_453 = tpu.vector_load %arg9[%get3A_451, %get3A_452] {strides = array<i32>} : memref<200x128xf32, #tpu.memory_space<vmem>>, vector<1x16xf32>,
      %get3A_454 = vector.shape_cast %get3A_453 : vector<1x16xf32> to vector<16xf32>
      %get3A_455 = arith.index_cast %scan3A_396 : i32 to index
      %get3A_456 = arith.constant 64 : index
      %get3A_457 = tpu.vector_load %arg6[%get3A_455, %get3A_456] {strides = array<i32>} : memref<200x128xf32, #tpu.memory_space<vmem>>, vector<1x16xf32>,
      %get3A_458 = vector.shape_cast %get3A_457 : vector<1x16xf32> to vector<16xf32>
      %add3A_459 = arith.addf %get3A_454, %get3A_458 : vector<16xf32>
      %swap3A_460 = arith.index_cast %scan3A_396 : i32 to index
      %swap3A_461 = arith.constant 64 : index
      %swap3A_462 = tpu.vector_load %arg9[%swap3A_460, %swap3A_461] {strides = array<i32>} : memref<200x128xf32, #tpu.memory_space<vmem>>, vector<1x16xf32>,
      %swap3A_463 = vector.shape_cast %swap3A_462 : vector<1x16xf32> to vector<16xf32>
      %swap3A_464 = vector.shape_cast %add3A_459 : vector<16xf32> to vector<1x16xf32>
      tpu.vector_store %arg9[%swap3A_460, %swap3A_461], %swap3A_464 {strides = array<i32>} : memref<200x128xf32, #tpu.memory_space<vmem>>, vector<1x16xf32>,
      %get3A_465 = arith.index_cast %scan3A_396 : i32 to index
      %get3A_466 = arith.constant 80 : index
      %get3A_467 = tpu.vector_load %arg9[%get3A_465, %get3A_466] {strides = array<i32>} : memref<200x128xf32, #tpu.memory_space<vmem>>, vector<1x16xf32>,
      %get3A_468 = vector.shape_cast %get3A_467 : vector<1x16xf32> to vector<16xf32>
      %get3A_469 = arith.index_cast %scan3A_396 : i32 to index
      %get3A_470 = arith.constant 80 : index
      %get3A_471 = tpu.vector_load %arg6[%get3A_469, %get3A_470] {strides = array<i32>} : memref<200x128xf32, #tpu.memory_space<vmem>>, vector<1x16xf32>,
      %get3A_472 = vector.shape_cast %get3A_471 : vector<1x16xf32> to vector<16xf32>
      %add3A_473 = arith.addf %get3A_468, %get3A_472 : vector<16xf32>
      %swap3A_474 = arith.index_cast %scan3A_396 : i32 to index
      %swap3A_475 = arith.constant 80 : index
      %swap3A_476 = tpu.vector_load %arg9[%swap3A_474, %swap3A_475] {strides = array<i32>} : memref<200x128xf32, #tpu.memory_space<vmem>>, vector<1x16xf32>,
      %swap3A_477 = vector.shape_cast %swap3A_476 : vector<1x16xf32> to vector<16xf32>
      %swap3A_478 = vector.shape_cast %add3A_473 : vector<16xf32> to vector<1x16xf32>
      tpu.vector_store %arg9[%swap3A_474, %swap3A_475], %swap3A_478 {strides = array<i32>} : memref<200x128xf32, #tpu.memory_space<vmem>>, vector<1x16xf32>,
      %get3A_479 = arith.index_cast %scan3A_396 : i32 to index
      %get3A_480 = arith.constant 96 : index
      %get3A_481 = tpu.vector_load %arg9[%get3A_479, %get3A_480] {strides = array<i32>} : memref<200x128xf32, #tpu.memory_space<vmem>>, vector<1x16xf32>,
      %get3A_482 = vector.shape_cast %get3A_481 : vector<1x16xf32> to vector<16xf32>
      %get3A_483 = arith.index_cast %scan3A_396 : i32 to index
      %get3A_484 = arith.constant 96 : index
      %get3A_485 = tpu.vector_load %arg6[%get3A_483, %get3A_484] {strides = array<i32>} : memref<200x128xf32, #tpu.memory_space<vmem>>, vector<1x16xf32>,
      %get3A_486 = vector.shape_cast %get3A_485 : vector<1x16xf32> to vector<16xf32>
      %add3A_487 = arith.addf %get3A_482, %get3A_486 : vector<16xf32>
      %swap3A_488 = arith.index_cast %scan3A_396 : i32 to index
      %swap3A_489 = arith.constant 96 : index
      %swap3A_490 = tpu.vector_load %arg9[%swap3A_488, %swap3A_489] {strides = array<i32>} : memref<200x128xf32, #tpu.memory_space<vmem>>, vector<1x16xf32>,
      %swap3A_491 = vector.shape_cast %swap3A_490 : vector<1x16xf32> to vector<16xf32>
      %swap3A_492 = vector.shape_cast %add3A_487 : vector<16xf32> to vector<1x16xf32>
      tpu.vector_store %arg9[%swap3A_488, %swap3A_489], %swap3A_492 {strides = array<i32>} : memref<200x128xf32, #tpu.memory_space<vmem>>, vector<1x16xf32>,
      %get3A_493 = arith.index_cast %scan3A_396 : i32 to index
      %get3A_494 = arith.constant 112 : index
      %get3A_495 = tpu.vector_load %arg9[%get3A_493, %get3A_494] {strides = array<i32>} : memref<200x128xf32, #tpu.memory_space<vmem>>, vector<1x16xf32>,
      %get3A_496 = vector.shape_cast %get3A_495 : vector<1x16xf32> to vector<16xf32>
      %get3A_497 = arith.index_cast %scan3A_396 : i32 to index
      %get3A_498 = arith.constant 112 : index
      %get3A_499 = tpu.vector_load %arg6[%get3A_497, %get3A_498] {strides = array<i32>} : memref<200x128xf32, #tpu.memory_space<vmem>>, vector<1x16xf32>,
      %get3A_500 = vector.shape_cast %get3A_499 : vector<1x16xf32> to vector<16xf32>
      %add3A_501 = arith.addf %get3A_496, %get3A_500 : vector<16xf32>
      %swap3A_502 = arith.index_cast %scan3A_396 : i32 to index
      %swap3A_503 = arith.constant 112 : index
      %swap3A_504 = tpu.vector_load %arg9[%swap3A_502, %swap3A_503] {strides = array<i32>} : memref<200x128xf32, #tpu.memory_space<vmem>>, vector<1x16xf32>,
      %swap3A_505 = vector.shape_cast %swap3A_504 : vector<1x16xf32> to vector<16xf32>
      %swap3A_506 = vector.shape_cast %add3A_501 : vector<16xf32> to vector<1x16xf32>
      tpu.vector_store %arg9[%swap3A_502, %swap3A_503], %swap3A_506 {strides = array<i32>} : memref<200x128xf32, #tpu.memory_space<vmem>>, vector<1x16xf32>,
    }
    %scan3A_339 = arith.constant 104 : i32
    %add3A_340 = arith.constant 31 : i32
    %add3A_341 = arith.addi %mul3A_2, %add3A_340 : i32
    %mul3A_342 = arith.constant 200 : i32
    %mul3A_343 = arith.muli %add3A_341, %mul3A_342 : i32
    %add3A_344 = arith.constant 0 : i32
    %add3A_345 = arith.addi %mul3A_343, %add3A_344 : i32
    %dma_start3A_346 = arith.constant 0 : i32
    %dma_start3A_347 = arith.constant 0 : i32
    %dma_start3A_348 = tpu.memref_slice %arg9[%dma_start3A_346, %dma_start3A_347] : memref<200x128xf32, #tpu.memory_space<vmem>> -> memref<104x128xf32, #tpu.memory_space<vmem>>
    %dma_start3A_349 = arith.constant 0 : i32
    %dma_start3A_350 = tpu.memref_slice %arg5[%add3A_345, %dma_start3A_349] : memref<204800x128xf32, #tpu.memory_space<hbm>> -> memref<104x128xf32, #tpu.memory_space<hbm>>
    %dma_start3A_351 = arith.constant 0 : i32
    %dma_start3A_352 = tpu.memref_slice %arg5[%add3A_345, %dma_start3A_351] : memref<204800x128xf32, #tpu.memory_space<hbm>> -> memref<104x128xf32, #tpu.memory_space<hbm>>
    %dma_start3A_353 = arith.constant 0 : i32
    %dma_start3A_354 = arith.constant 0 : i32
    %dma_start3A_355 = tpu.memref_slice %arg9[%dma_start3A_353, %dma_start3A_354] : memref<200x128xf32, #tpu.memory_space<vmem>> -> memref<104x128xf32, #tpu.memory_space<vmem>>
    tpu.enqueue_dma source(%dma_start3A_355 : memref<104x128xf32, #tpu.memory_space<vmem>>) target(%dma_start3A_352 : memref<104x128xf32, #tpu.memory_space<hbm>>) target_semaphore(%arg15 : memref<!tpu.dma_semaphore, #tpu.memory_space<semaphore_mem>>)
    %scan3A_356 = arith.constant 0 : i32
    %scan3A_357 = arith.constant 104 : i32
    %scan3A_358 = arith.constant 96 : i32
    %scan3A_359 = arith.addi %scan3A_357, %scan3A_358 : i32
    %scan3A_360 = arith.constant 1 : i32
    scf.for %scan3A_396 = %scan3A_357 to %scan3A_359 step %scan3A_360  : i32 {
      %get3A = arith.index_cast %scan3A_396 : i32 to index
      %get3A_397 = arith.constant 0 : index
      %get3A_398 = tpu.vector_load %arg9[%get3A, %get3A_397] {strides = array<i32>} : memref<200x128xf32, #tpu.memory_space<vmem>>, vector<1x16xf32>,
      %get3A_399 = vector.shape_cast %get3A_398 : vector<1x16xf32> to vector<16xf32>
      %get3A_400 = arith.index_cast %scan3A_396 : i32 to index
      %get3A_401 = arith.constant 0 : index
      %get3A_402 = tpu.vector_load %arg6[%get3A_400, %get3A_401] {strides = array<i32>} : memref<200x128xf32, #tpu.memory_space<vmem>>, vector<1x16xf32>,
      %get3A_403 = vector.shape_cast %get3A_402 : vector<1x16xf32> to vector<16xf32>
      %add3A_404 = arith.addf %get3A_399, %get3A_403 : vector<16xf32>
      %swap3A = arith.index_cast %scan3A_396 : i32 to index
      %swap3A_405 = arith.constant 0 : index
      %swap3A_406 = tpu.vector_load %arg9[%swap3A, %swap3A_405] {strides = array<i32>} : memref<200x128xf32, #tpu.memory_space<vmem>>, vector<1x16xf32>,
      %swap3A_407 = vector.shape_cast %swap3A_406 : vector<1x16xf32> to vector<16xf32>
      %swap3A_408 = vector.shape_cast %add3A_404 : vector<16xf32> to vector<1x16xf32>
      tpu.vector_store %arg9[%swap3A, %swap3A_405], %swap3A_408 {strides = array<i32>} : memref<200x128xf32, #tpu.memory_space<vmem>>, vector<1x16xf32>,
      %get3A_409 = arith.index_cast %scan3A_396 : i32 to index
      %get3A_410 = arith.constant 16 : index
      %get3A_411 = tpu.vector_load %arg9[%get3A_409, %get3A_410] {strides = array<i32>} : memref<200x128xf32, #tpu.memory_space<vmem>>, vector<1x16xf32>,
      %get3A_412 = vector.shape_cast %get3A_411 : vector<1x16xf32> to vector<16xf32>
      %get3A_413 = arith.index_cast %scan3A_396 : i32 to index
      %get3A_414 = arith.constant 16 : index
      %get3A_415 = tpu.vector_load %arg6[%get3A_413, %get3A_414] {strides = array<i32>} : memref<200x128xf32, #tpu.memory_space<vmem>>, vector<1x16xf32>,
      %get3A_416 = vector.shape_cast %get3A_415 : vector<1x16xf32> to vector<16xf32>
      %add3A_417 = arith.addf %get3A_412, %get3A_416 : vector<16xf32>
      %swap3A_418 = arith.index_cast %scan3A_396 : i32 to index
      %swap3A_419 = arith.constant 16 : index
      %swap3A_420 = tpu.vector_load %arg9[%swap3A_418, %swap3A_419] {strides = array<i32>} : memref<200x128xf32, #tpu.memory_space<vmem>>, vector<1x16xf32>,
      %swap3A_421 = vector.shape_cast %swap3A_420 : vector<1x16xf32> to vector<16xf32>
      %swap3A_422 = vector.shape_cast %add3A_417 : vector<16xf32> to vector<1x16xf32>
      tpu.vector_store %arg9[%swap3A_418, %swap3A_419], %swap3A_422 {strides = array<i32>} : memref<200x128xf32, #tpu.memory_space<vmem>>, vector<1x16xf32>,
      %get3A_423 = arith.index_cast %scan3A_396 : i32 to index
      %get3A_424 = arith.constant 32 : index
      %get3A_425 = tpu.vector_load %arg9[%get3A_423, %get3A_424] {strides = array<i32>} : memref<200x128xf32, #tpu.memory_space<vmem>>, vector<1x16xf32>,
      %get3A_426 = vector.shape_cast %get3A_425 : vector<1x16xf32> to vector<16xf32>
      %get3A_427 = arith.index_cast %scan3A_396 : i32 to index
      %get3A_428 = arith.constant 32 : index
      %get3A_429 = tpu.vector_load %arg6[%get3A_427, %get3A_428] {strides = array<i32>} : memref<200x128xf32, #tpu.memory_space<vmem>>, vector<1x16xf32>,
      %get3A_430 = vector.shape_cast %get3A_429 : vector<1x16xf32> to vector<16xf32>
      %add3A_431 = arith.addf %get3A_426, %get3A_430 : vector<16xf32>
      %swap3A_432 = arith.index_cast %scan3A_396 : i32 to index
      %swap3A_433 = arith.constant 32 : index
      %swap3A_434 = tpu.vector_load %arg9[%swap3A_432, %swap3A_433] {strides = array<i32>} : memref<200x128xf32, #tpu.memory_space<vmem>>, vector<1x16xf32>,
      %swap3A_435 = vector.shape_cast %swap3A_434 : vector<1x16xf32> to vector<16xf32>
      %swap3A_436 = vector.shape_cast %add3A_431 : vector<16xf32> to vector<1x16xf32>
      tpu.vector_store %arg9[%swap3A_432, %swap3A_433], %swap3A_436 {strides = array<i32>} : memref<200x128xf32, #tpu.memory_space<vmem>>, vector<1x16xf32>,
      %get3A_437 = arith.index_cast %scan3A_396 : i32 to index
      %get3A_438 = arith.constant 48 : index
      %get3A_439 = tpu.vector_load %arg9[%get3A_437, %get3A_438] {strides = array<i32>} : memref<200x128xf32, #tpu.memory_space<vmem>>, vector<1x16xf32>,
      %get3A_440 = vector.shape_cast %get3A_439 : vector<1x16xf32> to vector<16xf32>
      %get3A_441 = arith.index_cast %scan3A_396 : i32 to index
      %get3A_442 = arith.constant 48 : index
      %get3A_443 = tpu.vector_load %arg6[%get3A_441, %get3A_442] {strides = array<i32>} : memref<200x128xf32, #tpu.memory_space<vmem>>, vector<1x16xf32>,
      %get3A_444 = vector.shape_cast %get3A_443 : vector<1x16xf32> to vector<16xf32>
      %add3A_445 = arith.addf %get3A_440, %get3A_444 : vector<16xf32>
      %swap3A_446 = arith.index_cast %scan3A_396 : i32 to index
      %swap3A_447 = arith.constant 48 : index
      %swap3A_448 = tpu.vector_load %arg9[%swap3A_446, %swap3A_447] {strides = array<i32>} : memref<200x128xf32, #tpu.memory_space<vmem>>, vector<1x16xf32>,
      %swap3A_449 = vector.shape_cast %swap3A_448 : vector<1x16xf32> to vector<16xf32>
      %swap3A_450 = vector.shape_cast %add3A_445 : vector<16xf32> to vector<1x16xf32>
      tpu.vector_store %arg9[%swap3A_446, %swap3A_447], %swap3A_450 {strides = array<i32>} : memref<200x128xf32, #tpu.memory_space<vmem>>, vector<1x16xf32>,
      %get3A_451 = arith.index_cast %scan3A_396 : i32 to index
      %get3A_452 = arith.constant 64 : index
      %get3A_453 = tpu.vector_load %arg9[%get3A_451, %get3A_452] {strides = array<i32>} : memref<200x128xf32, #tpu.memory_space<vmem>>, vector<1x16xf32>,
      %get3A_454 = vector.shape_cast %get3A_453 : vector<1x16xf32> to vector<16xf32>
      %get3A_455 = arith.index_cast %scan3A_396 : i32 to index
      %get3A_456 = arith.constant 64 : index
      %get3A_457 = tpu.vector_load %arg6[%get3A_455, %get3A_456] {strides = array<i32>} : memref<200x128xf32, #tpu.memory_space<vmem>>, vector<1x16xf32>,
      %get3A_458 = vector.shape_cast %get3A_457 : vector<1x16xf32> to vector<16xf32>
      %add3A_459 = arith.addf %get3A_454, %get3A_458 : vector<16xf32>
      %swap3A_460 = arith.index_cast %scan3A_396 : i32 to index
      %swap3A_461 = arith.constant 64 : index
      %swap3A_462 = tpu.vector_load %arg9[%swap3A_460, %swap3A_461] {strides = array<i32>} : memref<200x128xf32, #tpu.memory_space<vmem>>, vector<1x16xf32>,
      %swap3A_463 = vector.shape_cast %swap3A_462 : vector<1x16xf32> to vector<16xf32>
      %swap3A_464 = vector.shape_cast %add3A_459 : vector<16xf32> to vector<1x16xf32>
      tpu.vector_store %arg9[%swap3A_460, %swap3A_461], %swap3A_464 {strides = array<i32>} : memref<200x128xf32, #tpu.memory_space<vmem>>, vector<1x16xf32>,
      %get3A_465 = arith.index_cast %scan3A_396 : i32 to index
      %get3A_466 = arith.constant 80 : index
      %get3A_467 = tpu.vector_load %arg9[%get3A_465, %get3A_466] {strides = array<i32>} : memref<200x128xf32, #tpu.memory_space<vmem>>, vector<1x16xf32>,
      %get3A_468 = vector.shape_cast %get3A_467 : vector<1x16xf32> to vector<16xf32>
      %get3A_469 = arith.index_cast %scan3A_396 : i32 to index
      %get3A_470 = arith.constant 80 : index
      %get3A_471 = tpu.vector_load %arg6[%get3A_469, %get3A_470] {strides = array<i32>} : memref<200x128xf32, #tpu.memory_space<vmem>>, vector<1x16xf32>,
      %get3A_472 = vector.shape_cast %get3A_471 : vector<1x16xf32> to vector<16xf32>
      %add3A_473 = arith.addf %get3A_468, %get3A_472 : vector<16xf32>
      %swap3A_474 = arith.index_cast %scan3A_396 : i32 to index
      %swap3A_475 = arith.constant 80 : index
      %swap3A_476 = tpu.vector_load %arg9[%swap3A_474, %swap3A_475] {strides = array<i32>} : memref<200x128xf32, #tpu.memory_space<vmem>>, vector<1x16xf32>,
      %swap3A_477 = vector.shape_cast %swap3A_476 : vector<1x16xf32> to vector<16xf32>
      %swap3A_478 = vector.shape_cast %add3A_473 : vector<16xf32> to vector<1x16xf32>
      tpu.vector_store %arg9[%swap3A_474, %swap3A_475], %swap3A_478 {strides = array<i32>} : memref<200x128xf32, #tpu.memory_space<vmem>>, vector<1x16xf32>,
      %get3A_479 = arith.index_cast %scan3A_396 : i32 to index
      %get3A_480 = arith.constant 96 : index
      %get3A_481 = tpu.vector_load %arg9[%get3A_479, %get3A_480] {strides = array<i32>} : memref<200x128xf32, #tpu.memory_space<vmem>>, vector<1x16xf32>,
      %get3A_482 = vector.shape_cast %get3A_481 : vector<1x16xf32> to vector<16xf32>
      %get3A_483 = arith.index_cast %scan3A_396 : i32 to index
      %get3A_484 = arith.constant 96 : index
      %get3A_485 = tpu.vector_load %arg6[%get3A_483, %get3A_484] {strides = array<i32>} : memref<200x128xf32, #tpu.memory_space<vmem>>, vector<1x16xf32>,
      %get3A_486 = vector.shape_cast %get3A_485 : vector<1x16xf32> to vector<16xf32>
      %add3A_487 = arith.addf %get3A_482, %get3A_486 : vector<16xf32>
      %swap3A_488 = arith.index_cast %scan3A_396 : i32 to index
      %swap3A_489 = arith.constant 96 : index
      %swap3A_490 = tpu.vector_load %arg9[%swap3A_488, %swap3A_489] {strides = array<i32>} : memref<200x128xf32, #tpu.memory_space<vmem>>, vector<1x16xf32>,
      %swap3A_491 = vector.shape_cast %swap3A_490 : vector<1x16xf32> to vector<16xf32>
      %swap3A_492 = vector.shape_cast %add3A_487 : vector<16xf32> to vector<1x16xf32>
      tpu.vector_store %arg9[%swap3A_488, %swap3A_489], %swap3A_492 {strides = array<i32>} : memref<200x128xf32, #tpu.memory_space<vmem>>, vector<1x16xf32>,
      %get3A_493 = arith.index_cast %scan3A_396 : i32 to index
      %get3A_494 = arith.constant 112 : index
      %get3A_495 = tpu.vector_load %arg9[%get3A_493, %get3A_494] {strides = array<i32>} : memref<200x128xf32, #tpu.memory_space<vmem>>, vector<1x16xf32>,
      %get3A_496 = vector.shape_cast %get3A_495 : vector<1x16xf32> to vector<16xf32>
      %get3A_497 = arith.index_cast %scan3A_396 : i32 to index
      %get3A_498 = arith.constant 112 : index
      %get3A_499 = tpu.vector_load %arg6[%get3A_497, %get3A_498] {strides = array<i32>} : memref<200x128xf32, #tpu.memory_space<vmem>>, vector<1x16xf32>,
      %get3A_500 = vector.shape_cast %get3A_499 : vector<1x16xf32> to vector<16xf32>
      %add3A_501 = arith.addf %get3A_496, %get3A_500 : vector<16xf32>
      %swap3A_502 = arith.index_cast %scan3A_396 : i32 to index
      %swap3A_503 = arith.constant 112 : index
      %swap3A_504 = tpu.vector_load %arg9[%swap3A_502, %swap3A_503] {strides = array<i32>} : memref<200x128xf32, #tpu.memory_space<vmem>>, vector<1x16xf32>,
      %swap3A_505 = vector.shape_cast %swap3A_504 : vector<1x16xf32> to vector<16xf32>
      %swap3A_506 = vector.shape_cast %add3A_501 : vector<16xf32> to vector<1x16xf32>
      tpu.vector_store %arg9[%swap3A_502, %swap3A_503], %swap3A_506 {strides = array<i32>} : memref<200x128xf32, #tpu.memory_space<vmem>>, vector<1x16xf32>,
    }
    %scan3A_361 = arith.constant 96 : i32
    %add3A_362 = arith.constant 31 : i32
    %add3A_363 = arith.addi %mul3A_2, %add3A_362 : i32
    %mul3A_364 = arith.constant 200 : i32
    %mul3A_365 = arith.muli %add3A_363, %mul3A_364 : i32
    %add3A_366 = arith.constant 104 : i32
    %add3A_367 = arith.addi %mul3A_365, %add3A_366 : i32
    %dma_start3A_368 = arith.constant 104 : i32
    %dma_start3A_369 = arith.constant 0 : i32
    %dma_start3A_370 = tpu.memref_slice %arg9[%dma_start3A_368, %dma_start3A_369] : memref<200x128xf32, #tpu.memory_space<vmem>> -> memref<96x128xf32, #tpu.memory_space<vmem>>
    %dma_start3A_371 = arith.constant 0 : i32
    %dma_start3A_372 = tpu.memref_slice %arg5[%add3A_367, %dma_start3A_371] : memref<204800x128xf32, #tpu.memory_space<hbm>> -> memref<96x128xf32, #tpu.memory_space<hbm>>
    %dma_start3A_373 = arith.constant 0 : i32
    %dma_start3A_374 = tpu.memref_slice %arg5[%add3A_367, %dma_start3A_373] : memref<204800x128xf32, #tpu.memory_space<hbm>> -> memref<96x128xf32, #tpu.memory_space<hbm>>
    %dma_start3A_375 = arith.constant 104 : i32
    %dma_start3A_376 = arith.constant 0 : i32
    %dma_start3A_377 = tpu.memref_slice %arg9[%dma_start3A_375, %dma_start3A_376] : memref<200x128xf32, #tpu.memory_space<vmem>> -> memref<96x128xf32, #tpu.memory_space<vmem>>
    tpu.enqueue_dma source(%dma_start3A_377 : memref<96x128xf32, #tpu.memory_space<vmem>>) target(%dma_start3A_374 : memref<96x128xf32, #tpu.memory_space<hbm>>) target_semaphore(%arg15 : memref<!tpu.dma_semaphore, #tpu.memory_space<semaphore_mem>>)
    %dma_wait3A_378 = arith.constant 0 : i32
    %dma_wait3A_379 = arith.constant 0 : i32
    %dma_wait3A_380 = tpu.memref_slice %arg5[%dma_wait3A_378, %dma_wait3A_379] : memref<204800x128xf32, #tpu.memory_space<hbm>> -> memref<200x128xf32, #tpu.memory_space<hbm>>
    %dma_wait3A_381 = arith.constant 0 : i32
    %dma_wait3A_382 = arith.constant 0 : i32
    %dma_wait3A_383 = tpu.memref_slice %arg5[%dma_wait3A_381, %dma_wait3A_382] : memref<204800x128xf32, #tpu.memory_space<hbm>> -> memref<200x128xf32, #tpu.memory_space<hbm>>
    tpu.wait_dma2 semaphore(%arg16 : memref<!tpu.dma_semaphore, #tpu.memory_space<semaphore_mem>>) src(%arg10 : memref<200x128xf32, #tpu.memory_space<vmem>>) dst(%dma_wait3A_383 : memref<200x128xf32, #tpu.memory_space<hbm>>)
    %dma_wait3A_384 = arith.constant 0 : i32
    %dma_wait3A_385 = arith.constant 0 : i32
    %dma_wait3A_386 = tpu.memref_slice %arg5[%dma_wait3A_384, %dma_wait3A_385] : memref<204800x128xf32, #tpu.memory_space<hbm>> -> memref<200x128xf32, #tpu.memory_space<hbm>>
    %dma_wait3A_387 = arith.constant 0 : i32
    %dma_wait3A_388 = arith.constant 0 : i32
    %dma_wait3A_389 = tpu.memref_slice %arg5[%dma_wait3A_387, %dma_wait3A_388] : memref<204800x128xf32, #tpu.memory_space<hbm>> -> memref<200x128xf32, #tpu.memory_space<hbm>>
    tpu.wait_dma2 semaphore(%arg14 : memref<!tpu.dma_semaphore, #tpu.memory_space<semaphore_mem>>) src(%arg8 : memref<200x128xf32, #tpu.memory_space<vmem>>) dst(%dma_wait3A_389 : memref<200x128xf32, #tpu.memory_space<hbm>>)
    %dma_wait3A_390 = arith.constant 0 : i32
    %dma_wait3A_391 = arith.constant 0 : i32
    %dma_wait3A_392 = tpu.memref_slice %arg5[%dma_wait3A_390, %dma_wait3A_391] : memref<204800x128xf32, #tpu.memory_space<hbm>> -> memref<200x128xf32, #tpu.memory_space<hbm>>
    %dma_wait3A_393 = arith.constant 0 : i32
    %dma_wait3A_394 = arith.constant 0 : i32
    %dma_wait3A_395 = tpu.memref_slice %arg5[%dma_wait3A_393, %dma_wait3A_394] : memref<204800x128xf32, #tpu.memory_space<hbm>> -> memref<200x128xf32, #tpu.memory_space<hbm>>
    tpu.wait_dma2 semaphore(%arg15 : memref<!tpu.dma_semaphore, #tpu.memory_space<semaphore_mem>>) src(%arg9 : memref<200x128xf32, #tpu.memory_space<vmem>>) dst(%dma_wait3A_395 : memref<200x128xf32, #tpu.memory_space<hbm>>)
    return
  }
}

</mosaic_0001>

<sc_bundles>
// kernel: kernel.3.cloned.1.call-start
scs
__scs_entry_jumppad:
0x0: {  	(pc) =	sbr.rel $0x88, $3  }
0x1: {  	(tag) =	ssettag $0x0;
	lr =	simm.s32 $0x1  }
0x2: {  	[smem:$0x3F9E] =	sst lr;
	_ =	strace $0xD0000000  }
0x3: {  	_ = 	snop  }
0x4: {  	_ = 	snop  }
0x5: {  	_ = 	snop  }
0x6: {  	_ = 	snop  }
0x7: {  	_ = 	snop  }
__scs_overlays_trampoline_lowered:
0x8: {  	[smem:$0x3FAD] =	sst s0  }
0x9: {  	[smem:$0x3FAE] =	sst s1  }
0xa: {  	[smem:$0x3FAF] =	sst s2  }
0xb: {  	[smem:$0x3FB0] =	sst s3  }
0xc: {  	[smem:$0x3FB1] =	sst s4  }
0xd: {  	[smem:$0x3FB2] =	sst s5  }
0xe: {  	[smem:$0x3FB3] =	sst s6  }
0xf: {  	[smem:$0x3FB4] =	sst s7  }
0x10: {  	[smem:$0x3FB5] =	sst s8  }
0x11: {  	[smem:$0x3FB6] =	sst s9;
	s0 =	simm.s32 @!p0 $0x0  }
0x12: {  	s1 =	sld [smem:$0x3F9C];
	s0 =	simm.s32 @p0 $0x1  }
0x13: {  	[smem:$0x3FB7] =	sst s0;
	s0 =	simm.s32 @!p1 $0x0  }
0x14: {  	s2 =	sld [smem:$0x3F9B];
	s0 =	simm.s32 @p1 $0x1  }
0x15: {  	[smem:$0x3FB8] =	sst s0;
	s0 =	simm.s32 @!p2 $0x0  }
0x16: {  	s3 =	sld [smem:$0x3FDB];
	s0 =	simm.s32 @p2 $0x1  }
0x17: {  	s4 =	simm.s32 $0x1BF5;
	[smem:$0x3FBA] =	sst s0  }
0x18: {  	s0 =	sld [smem:$0x3F9D];
	_ =	swait.ge [sflag:s4], $0x0  }
0x19: {  	s7 =	sld [smem:$0x3F9E]  }
0x1a: {  	s8 =	sadd.s32 $0xFFFFE003, lr  }
0x1b: {  	s9 =	sadd.s32 $0xFFFFFEF7, lr;
	s5 =	simm.s32 $0xFFFFFFFF;
	p2 =	slt.u32 s8, $0xFFFFF086  }
0x1c: {  	p1 =	slt.u32 s9, $0xF7A;
	s5 =	simm.s32 @!p2 $0x0  }
0x1d: {  	s5 =	simm.s32 @p1 $0x1;
	p0 =	seq.s32 s7, s2  }
0x1e: {  	s7 =	smul.u32 @!p0 $0xF7A, s2;
	p2 =	seq.s32 @!p0 s5, $0x0  }
0x1f: {  	s9 =	smul.u32 $0xF7A, s1;
	s8 =	simm.s32 @!p0 $0x1BF5;
	p2 =	por !p2, p0  }
0x20: {  	[sflag:s8] =	ssyncset.s32 @!p0 $0xFFFFF086;
	s6 =	sadd.s32 @!p0 s3, s7;
	s7 =	simm.s32 @!p0 $0x108  }
0x21: {  	s3 =	sadd.s32 s3, s9;
	s6 =	sadd.s32 @!p0 $0x88, s6;
	s7 =	simm.s32 @p2 $0x1082  }
0x22: {  	[simem:s7], [sflag:s8] =	dma.local @!p0 [hbm:s6], $0xF7A  }
0x23: {  	s9 =	sor.u32 $0xD0000000, s2;
	s6 =	simm.s32 $0x108;
	_ =	swait.ge @!p0 [sflag:s8], $0x0  }
0x24: {  	s3 =	sadd.s32 $0x88, s3;
	s6 =	simm.s32 @!p1 $0x1082;
	[sflag:s4] =	ssyncset.s32 $0xFFFFF086  }
0x25: {  	[simem:s6], [sflag:s4] =	dma.local [hbm:s3], $0xF7A  }
0x26: {  	[smem:$0x3F9E] =	sst s1;
	(tag) =	ssettag s2;
	_ =	strace s9  }
0x27: {  	s1 =	sld [smem:$0x3FAE]  }
0x28: {  	s2 =	sld [smem:$0x3FAF]  }
0x29: {  	s4 =	sld [smem:$0x3FB1]  }
0x2a: {  	p0 =	seq.s32 s5, $0x0;
	s5 =	sld [smem:$0x3FB2]  }
0x2b: {  	s6 =	sld [smem:$0x3FB3]  }
0x2c: {  	s7 =	sld [smem:$0x3FB4]  }
0x2d: {  	s3 =	simm.s32 $0x108;
	s8 =	sld [smem:$0x3FB5]  }
0x2e: {  	s3 =	simm.s32 @!p0 $0x1082;
	s9 =	sld [smem:$0x3FB6]  }
0x2f: {  	lr =	sadd.s32 s0, s3;
	s0 =	sld [smem:$0x3FAD]  }
0x30: {  	s3 =	sld [smem:$0x3FB0]  }
0x31: {  	[smem:$0x3FB9] =	sst s10  }
0x32: {  	s10 =	sld [smem:$0x3FB7];
	_ =	sdelay $0x3  }
0x33: {  	p0 =	seq.s32 s10, $0x1;
	s10 =	sld [smem:$0x3FB9];
	_ =	sdelay $0x3  }
0x34: {  	[smem:$0x3FB9] =	sst s10  }
0x35: {  	s10 =	sld [smem:$0x3FB8];
	_ =	sdelay $0x3  }
0x36: {  	p1 =	seq.s32 s10, $0x1;
	s10 =	sld [smem:$0x3FB9];
	_ =	sdelay $0x3  }
0x37: {  	[smem:$0x3FB9] =	sst s10  }
0x38: {  	s10 =	sld [smem:$0x3FBA]  }
0x39: {  	_ = 	snop;
	(pc) =	sbr.ind lr, $3  }
0x3a: {  	_ = 	snop  }
0x3b: {  	_ = 	snop  }
0x3c: {  	p2 =	seq.s32 s10, $0x1;
	s10 =	sld [smem:$0x3FB9]  }
0x3d: {  	_ =	shalt  }
0x3e: {  	_ =	shalt  }
0x3f: {  	_ =	shalt  }
0x40: {  	_ =	shalt  }
0x41: {  	_ =	shalt  }
0x42: {  	_ =	shalt  }
0x43: {  	_ =	shalt  }
0x44: {  	_ =	shalt  }
0x45: {  	_ =	shalt  }
0x46: {  	_ =	shalt  }
0x47: {  	_ =	shalt  }
0x48: {  	_ =	shalt  }
0x49: {  	_ =	shalt  }
0x4a: {  	_ =	shalt  }
0x4b: {  	_ =	shalt  }
0x4c: {  	_ =	shalt  }
0x4d: {  	_ =	shalt  }
0x4e: {  	_ =	shalt  }
0x4f: {  	_ =	shalt  }
0x50: {  	_ =	shalt  }
0x51: {  	_ =	shalt  }
0x52: {  	_ =	shalt  }
0x53: {  	_ =	shalt  }
0x54: {  	_ =	shalt  }
0x55: {  	_ =	shalt  }
0x56: {  	_ =	shalt  }
0x57: {  	_ =	shalt  }
0x58: {  	_ =	shalt  }
0x59: {  	_ =	shalt  }
0x5a: {  	_ =	shalt  }
0x5b: {  	_ =	shalt  }
0x5c: {  	_ =	shalt  }
0x5d: {  	_ =	shalt  }
0x5e: {  	_ =	shalt  }
0x5f: {  	_ =	shalt  }
0x60: {  	_ =	shalt  }
0x61: {  	_ =	shalt  }
0x62: {  	_ =	shalt  }
0x63: {  	_ =	shalt  }
0x64: {  	_ =	shalt  }
0x65: {  	_ =	shalt  }
0x66: {  	_ =	shalt  }
0x67: {  	_ =	shalt  }
0x68: {  	_ =	shalt  }
0x69: {  	_ =	shalt  }
0x6a: {  	_ =	shalt  }
0x6b: {  	_ =	shalt  }
0x6c: {  	_ =	shalt  }
0x6d: {  	_ =	shalt  }
0x6e: {  	_ =	shalt  }
0x6f: {  	_ =	shalt  }
0x70: {  	_ =	shalt  }
0x71: {  	_ =	shalt  }
0x72: {  	_ =	shalt  }
0x73: {  	_ =	shalt  }
0x74: {  	_ =	shalt  }
0x75: {  	_ =	shalt  }
0x76: {  	_ =	shalt  }
0x77: {  	_ =	shalt  }
0x78: {  	_ =	shalt  }
0x79: {  	_ =	shalt  }
0x7a: {  	_ =	shalt  }
0x7b: {  	_ =	shalt  }
0x7c: {  	_ =	shalt  }
0x7d: {  	_ =	shalt  }
0x7e: {  	_ =	shalt  }
0x7f: {  	_ =	shalt  }
0x80: {  	_ =	shalt  }
0x81: {  	_ =	shalt  }
0x82: {  	_ =	shalt  }
0x83: {  	_ =	shalt  }
0x84: {  	_ =	shalt  }
0x85: {  	_ =	shalt  }
0x86: {  	_ =	shalt  }
0x87: {  	_ =	shalt  }
.Lfunc_end0:
.L_simem_size_0:
called_computation_lowered:
.L_overlay_start_0:
0x88: {  	s2 =	sld [smem:$0x3FD9]  }
0x89: {  	s3 =	sld [smem:$0x3FFE];
	_ =	sdelay $0x1  }
0x8a: {  	s1 =	srdreg.scid  }
0x8b: {  	s0 =	sand.u32 $0x1, s1  }
0x8c: {  	s17 =	sshll.u32 s0, $0xA;
	s2 =	sadd.s32 s3, s2  }
0x8d: {  	s2 =	sadd.s32 s2, s17  }
0x8e: {  	[smem:$0x3FC5] =	sst s2  }
0x8f: {  	_ = 	snop  }
0x90: {  	s2 =	sld [smem:$0x3FC8]  }
0x91: {  	s18 =	sld [smem:$0x3FC7]  }
0x92: {  	s4 =	sld [smem:$0x3FD0];
	(tm) =	ssettm $0x1  }
0x93: {  	s5 =	sld [smem:$0x3FFB];
	_ =	sdelay $0x3  }
0x94: {  	_ =	strace s5  }
0x95: {  	s5 =	sld [smem:$0x3FFC];
	_ =	sdelay $0x3  }
0x96: {  	_ =	strace s5  }
0x97: {  	s5 =	sld [smem:$0x3FFD];
	_ =	sdelay $0x3  }
0x98: {  	_ =	strace s5  }
0x99: {  	_ =	strace $0x8FFFFFFF  }
0x9a: {  	s19 =	sld [smem:$0x3FDB];
	_ =	sdelay $0x1  }
0x9b: {  	s6 =	simm.s32 $_scs_section_size  }
0x9c: {  	s7 =	simm.s32 $_size__tile_overlayer_lowered;
	s8 =	simm.s32 $_tile_overlayer_lowered  }
0x9d: {  	s22 =	simm.s32 $0x1BFF;
	s21 =	sshll.u32 s8, $0x1;
	s5 =	sadd.s32 s6, s19  }
0x9e: {  	s9 =	simm.s32 $0x0;
	s20 =	sshll.u32 s7, $0x1;
	s7 =	sadd.s32 s21, s5  }
0x9f: {  	[timem:s9], [sflag:s22] =	dma.local [hbm:s7], s20  }
0xa0: {  	_ =	swait.ge [sflag:s22], s20  }
0xa1: {  	s6 =	ssub.s32 $0x0, s20;
	[sflag:s22] =	ssyncset.done $0x0  }
0xa2: {  	[sflag:s22] =	ssyncadd.s32 s6;
	_ =	sdelay $0x1  }
0xa3: {  	s23 =	simm.s32 $0x1B8B  }
0xa4: {  	_ =	swait.ge [sflag:s23], $0x1  }
0xa5: {  	[sflag:s23] =	ssyncset.done $0x0  }
0xa6: {  	s25 =	simm.s32 $0x1B8E;
	s24 =	sld [smem:$0x3FFE];
	[sflag:s23] =	ssyncadd.s32 $0xFFFFFFFF  }
0xa7: {  	s26 =	simm.s32 $execute0_lowered;
	[smem:$0x3FD2] =	sst s25  }
0xa8: {  	s7 =	sshll.u32 s26, $0x1;
	_ =	strace $0x80000046;
	[dreg:$0x1] =	wrdreg $0xFFFFFFFF  }
0xa9: {  	s28 =	simm.s32 $_size_execute0_lowered;
	s5 =	sadd.s32 s5, s7;
	[dreg:$0x0] =	wrdreg $0x0  }
0xaa: {  	s7 =	sshll.u32 s28, $0x1;
	[dreg:$0x2] =	wrdreg s5  }
0xab: {  	[dreg:$0x3] =	wrdreg s7  }
0xac: {  	[dreg:$0x4] =	wrdreg $0xC0  }
0xad: {  	_ =	task [dreg:s9], $0x5FFFF  }
0xae: {  	[dreg:$0x1] =	wrdreg $0xFFFFFFFF  }
0xaf: {  	[dreg:$0x0] =	wrdreg $0x60  }
0xb0: {  	[dreg:$0x2] =	wrdreg s24  }
0xb1: {  	[dreg:$0x3] =	wrdreg s2  }
0xb2: {  	[dreg:$0x4] =	wrdreg s18  }
0xb3: {  	[dreg:$0x5] =	wrdreg s4  }
0xb4: {  	[dreg:$0x6] =	wrdreg $0x9  }
0xb5: {  	_ =	task.clear_ibuf [dreg:s9], $0x7FFFF;
	_ =	strace $0x90000046  }
0xb6: {  	s29 =	simm.s32 $0x9;
	_ =	strace $0x80000048  }
0xb7: {  	_ =	swait.ge [sflag:s29], $0x1  }
0xb8: {  	[sflag:s29] =	ssyncadd.s32 $0xFFFFFFFF  }
0xb9: {  	_ =	strace $0x90000048  }
0xba: {  	_ =	sfence  }
0xbb: {  	s30 =	sld [smem:$0x0];
	_ =	sdelay $0x2  }
0xbc: {  	s31 =	sshll.u32 s1, $0xD;
	s1 =	sshrl.u32 s1, $0x2  }
0xbd: {  	s3 =	sand.u32 $0x4000, s31;
	s1 =	sadd.s32 s1, s30  }
0xbe: {  	s0 =	sor.u32 s3, s0;
	s1 =	sshll.u32 s1, $0x11  }
0xbf: {  	s0 =	sor.u32 s1, s0  }
0xc0: {  	s0 =	sadd.s32 $0x8F2B, s0  }
0xc1: {  	[sflag:s0] =	ssyncadd.remote.s32 $0x1  }
0xc2: {  	_ =	sfence.sel $0xFFFF  }
0xc3: {  	[dreg:$0x0] =	wrdreg $0xFFFFFFFF;
	(pc) =	sbr.abs _section_cstart, $3  }
0xc4: {  	[dreg:$0x1] =	wrdreg $0xFFFFFFFF  }
0xc5: {  	_ =	task.clear_ibuf [dreg:s9], $0x2FFFF;
	_ =	strace $0x9FFFFFFF  }
0xc6: {  	(tm) =	ssettm $0x7FFFFFFF  }
0xc7: {  	_ =	shalt  }
tec
execute0_lowered:
.L_overlay_start_1:
0x0: {  	(tag) =	ssettag $0x1  }
0x1: {  	s1 =	rddreg [dreg:$0x0]  }
0x2: {  	s0 =	rddreg [dreg:$0x1];
	s2 =	srdreg.scid  }
0x3: {  	s4 =	rddreg [dreg:$0x3];
	s6 =	stileid.u32  }
0x4: {  	s5 =	simm.s32 $0x0;
	s28 =	simm.s32 $0xE800;
	s30 =	simm.s32 $0x11A00  }
0x5: {  	s31 =	simm.s32 $0x1;
	s29 =	simm.s32 $0xB800;
	s10 =	simm.s32 $0x18000  }
0x6: {  	s11 =	simm.s32 $0x6;
	s12 =	simm.s32 $0x0;
	s2 =	sand.u32 $0x1, s2  }
0x7: {  	[smem:$0x7FF] =	sst s5;
	s3 =	sshll.u32 s2, $0x4;
	s2 =	ssub.s32 $0x2, s2  }
0x8: {  	_ =	strace $0x80000047;
	s3 =	sor.u32 s6, s3;
	s8 =	sshrl.u32 s2, $0x1  }
0x9: {  	s7 =	smul.u32 $0x19000, s3;
	s6 =	sshll.u32 s3, $0xA;
	s2 =	ssub.s32 s2, s8  }
0xa: {  	s9 =	smul.u32 $0xC8000, s3;
	s1 =	sadd.s32 s6, s1;
	s26 =	smax.u32 s2, $0x1  }
0xb: {  	s8 =	simm.s32 $0x3;
	s1 =	sadd.s32 $0x400, s1;
	[dreg:$0x10] =	wrdreg s26  }
0xc: {  	s6 =	sshll.u32 s3, $0x5;
	s7 =	sadd.s32 s4, s7;
	[dreg:$0x6] =	wrdreg s1  }
0xd: {  	s2 =	simm.s32 $0x14C00;
	s17 =	sadd.s32 $0x680, s7;
	[dreg:$0x5] =	wrdreg s7  }
0xe: {  	s3 =	simm.s32 $0x4;
	s19 =	sadd.s32 $0xC80, s7;
	[dreg:$0x7] =	wrdreg s17  }
0xf: {  	s16 =	sshrl.u32 s9, $0x3;
	s21 =	sadd.s32 $0x1900, s7;
	[dreg:$0x8] =	wrdreg s19  }
0x10: {  	s14 =	sor.u32 $0x1, s6;
	s23 =	sadd.s32 $0x17700, s7;
	[dreg:$0xa] =	wrdreg s21  }
0x11: {  	s18 =	sadd.s32 s4, s16;
	s25 =	sadd.s32 $0x18380, s7;
	[dreg:$0xc] =	wrdreg s23  }
0x12: {  	s26 =	simm.s32 $0x8;
	s20 =	sadd.s32 $0x1300, s18;
	[dreg:$0xe] =	wrdreg s25  }
0x13: {  	s9 =	simm.s32 $0x5;
	s22 =	sadd.s32 $0x1F80, s18;
	[dreg:$0x9] =	wrdreg s20  }
0x14: {  	s24 =	sadd.s32 $0x17D80, s18;
	s1 =	sadd.s32 $0x18A00, s18;
	[dreg:$0xb] =	wrdreg s22  }
0x15: {  	s21 =	simm.s32 $0x7;
	s23 =	simm.s32 $0x8400;
	[dreg:$0xd] =	wrdreg s24  }
0x16: {  	s25 =	simm.s32 $0xB600;
	[dreg:$0xf] =	wrdreg s1;
	s22 =	simm.s32 $0x64  }
0x17: {  	s24 =	simm.s32 $0x17E00;
	s1 =	simm.s32 $0x2;
	s20 =	simm.s32 $0x11C00  }
.LBB2_1:
0x18: {  	s7 =	rddreg [dreg:$0x6];
	s13 =	simm.s32 $0x6400  }
0x19: {  	[tilespmem:s13], [sflag:$0x7] =	stream.linear.gather [hbm4b:s7+s5], $0x2000, $0x38;
	[tilespmem:$0x1B000] =	vst v63  }
0x1a: {  	s19 =	rddreg [dreg:$0x2]  }
0x1b: {  	[tilespmem:s5], [sflag:$0x8] =	stream.linear.gather [hbm4b:s19+s5], $0x6400, $0x38;
	[tilespmem:$0x1B000] =	vst v63  }
0x1c: {  	_ =	swait.ge [sflag:s21], $0x2000  }
0x1d: {  	[sflag:s21] =	ssyncset.done $0x0  }
0x1e: {  	[sflag:s21] =	ssyncadd.s32 $0xFFFFE000  }
0x1f: {  	[tilespmem:s23], [sflag:$0x1] =	stream.indirect.gather [hbm4b:s0+s22], $0x80, s13, s22, $0xb8;
	[tilespmem:$0x1B000] =	vst v63  }
0x20: {  	s15 =	simm.s32 $0x6480  }
0x21: {  	[tilespmem:s25], [sflag:$0x1] =	stream.indirect.gather [hbm4b:s0+s22], $0x80, s15, s22, $0xb8;
	[tilespmem:$0x1B000] =	vst v63  }
0x22: {  	s16 =	simm.s32 $0x6500  }
0x23: {  	[tilespmem:s28], [sflag:$0x2] =	stream.indirect.gather [hbm4b:s0+s22], $0x80, s16, s22, $0xb8;
	[tilespmem:$0x1B000] =	vst v63  }
0x24: {  	s17 =	simm.s32 $0x6580  }
0x25: {  	[tilespmem:s30], [sflag:$0x2] =	stream.indirect.gather [hbm4b:s0+s22], $0x80, s17, s22, $0xb8;
	[tilespmem:$0x1B000] =	vst v63  }
0x26: {  	_ =	swait.ge [sflag:s31], $0x6400  }
0x27: {  	[sflag:s31] =	ssyncset.done $0x0  }
0x28: {  	s18 =	simm.s32 $0x6600;
	[sflag:s31] =	ssyncadd.s32 $0xFFFF9C00  }
0x29: {  	[tilespmem:s2], [sflag:$0x3] =	stream.indirect.gather [hbm4b:s0+s22], $0x80, s18, s22, $0xb8;
	[tilespmem:$0x1B000] =	vst v63  }
0x2a: {  	s19 =	simm.s32 $0x6680  }
0x2b: {  	[tilespmem:s24], [sflag:$0x3] =	stream.indirect.gather [hbm4b:s0+s22], $0x80, s19, s22, $0xb8;
	[tilespmem:$0x1B000] =	vst v63  }
0x2c: {  	_ =	swait.ge [sflag:s26], $0x6400  }
0x2d: {  	[sflag:s26] =	ssyncset.done $0x0  }
0x2e: {  	s13 =	simm.s32 $0x0;
	[sflag:s26] =	ssyncadd.s32 $0xFFFF9C00  }
0x2f: {  	v7 =	vld [tilespmem:s13+$0x0]  }
0x30: {  	v11 =	vld [tilespmem:s13+$0x10]  }
0x31: {  	v5 =	vld [tilespmem:s13+$0x20]  }
0x32: {  	v4 =	vld [tilespmem:s13+$0x30]  }
0x33: {  	v3 =	vld [tilespmem:s13+$0x40]  }
0x34: {  	v2 =	vld [tilespmem:s13+$0x50]  }
0x35: {  	v1 =	vld [tilespmem:s13+$0x60]  }
0x36: {  	v0 =	vld [tilespmem:s13+$0x70]  }
0x37: {  	v12 =	vld [tilespmem:s13+$0x8400]  }
0x38: {  	v13 =	vld [tilespmem:s13+$0x8410]  }
0x39: {  	v10 =	vld [tilespmem:s13+$0x8420]  }
0x3a: {  	v9 =	vld [tilespmem:s13+$0x8430]  }
0x3b: {  	v8 =	vld [tilespmem:s13+$0x8440]  }
0x3c: {  	v6 =	vld [tilespmem:s13+$0x8450];
	v12 =	vadd.f32 v7, v12  }
0x3d: {  	s15 =	simm.s32 $0x200;
	v11 =	vadd.f32 v11, v13;
	v7 =	vld [tilespmem:s13+$0x8460]  }
.LBB2_2:
0x3e: {  	s16 =	sshra.s32 s15, $0x2;
	p0 =	sne.s32 s15, $0xCE00;
	[tilespmem:s13+$0x8400] =	vst v12;
	v5 =	vadd.f32 v5, v10;
	v10 =	vld [tilespmem:s13+$0x8470]  }
0x3f: {  	v12 =	vld [tilespmem:s16+$0x0];
	[tilespmem:s13+$0x8410] =	vst v11;
	v4 =	vadd.f32 v4, v9  }
0x40: {  	v11 =	vld [tilespmem:s16+$0x10];
	[tilespmem:s13+$0x8420] =	vst v5;
	v3 =	vadd.f32 v3, v8  }
0x41: {  	v5 =	vld [tilespmem:s16+$0x20];
	[tilespmem:s13+$0x8430] =	vst v4;
	v2 =	vadd.f32 v2, v6  }
0x42: {  	v4 =	vld [tilespmem:s16+$0x30];
	[tilespmem:s13+$0x8440] =	vst v3;
	v1 =	vadd.f32 v1, v7  }
0x43: {  	v3 =	vld [tilespmem:s16+$0x40];
	[tilespmem:s13+$0x8450] =	vst v2;
	v0 =	vadd.f32 v0, v10  }
0x44: {  	v2 =	vld [tilespmem:s16+$0x50];
	[tilespmem:s13+$0x8460] =	vst v1  }
0x45: {  	v1 =	vld [tilespmem:s16+$0x60];
	[tilespmem:s13+$0x8470] =	vst v0;
	s13 =	smov.u32 s16  }
0x46: {  	v0 =	vld [tilespmem:s13+$0x70]  }
0x47: {  	v6 =	vld [tilespmem:s13+$0x8400]  }
0x48: {  	v7 =	vld [tilespmem:s13+$0x8410]  }
.Ltmp0:
0x49: {  	v10 =	vld [tilespmem:s13+$0x8420];
	(pc) =	sbr.rel @p0 .LBB2_2-.Ltmp0, $4  }
0x4a: {  	v9 =	vld [tilespmem:s13+$0x8430]  }
0x4b: {  	v8 =	vld [tilespmem:s13+$0x8440]  }
0x4c: {  	v12 =	vadd.f32 v12, v6;
	v6 =	vld [tilespmem:s13+$0x8450]  }
0x4d: {  	s15 =	sadd.s32 $0x200, s15;
	v11 =	vadd.f32 v11, v7;
	v7 =	vld [tilespmem:s13+$0x8460]  }
0x4e: {  	[tilespmem:s13+$0x8400] =	vst v12;
	v5 =	vadd.f32 v5, v10;
	v10 =	vld [tilespmem:s13+$0x8470]  }
0x4f: {  	[tilespmem:s13+$0x8410] =	vst v11;
	v4 =	vadd.f32 v4, v9  }
0x50: {  	[tilespmem:s13+$0x8420] =	vst v5;
	v3 =	vadd.f32 v3, v8  }
0x51: {  	[tilespmem:s13+$0x8430] =	vst v4;
	v2 =	vadd.f32 v2, v6  }
0x52: {  	[tilespmem:s13+$0x8440] =	vst v3;
	v1 =	vadd.f32 v1, v7  }
0x53: {  	[tilespmem:s13+$0x8450] =	vst v2;
	v0 =	vadd.f32 v0, v10  }
0x54: {  	[tilespmem:s13+$0x8460] =	vst v1  }
0x55: {  	s19 =	simm.s32 $0x0;
	s7 =	rddreg [dreg:$0x5];
	[tilespmem:s13+$0x8470] =	vst v0;
	s13 =	simm.s32 $0x0  }
0x56: {  	[hbm4b:s7+s19] =	stream.linear.scatter [tilespmem:s23], [sflag:$0x4], $0x3400, $0x38;
	[tilespmem:$0x1B000] =	vst v63  }
0x57: {  	v7 =	vld [tilespmem:s13+$0x3400]  }
0x58: {  	v11 =	vld [tilespmem:s13+$0x3410]  }
0x59: {  	v5 =	vld [tilespmem:s13+$0x3420]  }
0x5a: {  	v4 =	vld [tilespmem:s13+$0x3430]  }
0x5b: {  	v3 =	vld [tilespmem:s13+$0x3440]  }
0x5c: {  	v2 =	vld [tilespmem:s13+$0x3450]  }
0x5d: {  	v1 =	vld [tilespmem:s13+$0x3460]  }
0x5e: {  	v0 =	vld [tilespmem:s13+$0x3470]  }
0x5f: {  	v12 =	vld [tilespmem:s13+$0xB800]  }
0x60: {  	v13 =	vld [tilespmem:s13+$0xB810]  }
0x61: {  	v10 =	vld [tilespmem:s13+$0xB820]  }
0x62: {  	v9 =	vld [tilespmem:s13+$0xB830]  }
0x63: {  	v8 =	vld [tilespmem:s13+$0xB840]  }
0x64: {  	v6 =	vld [tilespmem:s13+$0xB850];
	v12 =	vadd.f32 v7, v12  }
0x65: {  	s15 =	simm.s32 $0x200;
	v11 =	vadd.f32 v11, v13;
	v7 =	vld [tilespmem:s13+$0xB860]  }
.LBB2_4:
0x66: {  	s16 =	sshra.s32 s15, $0x2;
	p0 =	sne.s32 s15, $0xBE00;
	[tilespmem:s13+$0xB800] =	vst v12;
	v5 =	vadd.f32 v5, v10;
	v10 =	vld [tilespmem:s13+$0xB870]  }
0x67: {  	v12 =	vld [tilespmem:s16+$0x3400];
	[tilespmem:s13+$0xB810] =	vst v11;
	v4 =	vadd.f32 v4, v9  }
0x68: {  	v11 =	vld [tilespmem:s16+$0x3410];
	[tilespmem:s13+$0xB820] =	vst v5;
	v3 =	vadd.f32 v3, v8  }
0x69: {  	v5 =	vld [tilespmem:s16+$0x3420];
	[tilespmem:s13+$0xB830] =	vst v4;
	v2 =	vadd.f32 v2, v6  }
0x6a: {  	v4 =	vld [tilespmem:s16+$0x3430];
	[tilespmem:s13+$0xB840] =	vst v3;
	v1 =	vadd.f32 v1, v7  }
0x6b: {  	v3 =	vld [tilespmem:s16+$0x3440];
	[tilespmem:s13+$0xB850] =	vst v2;
	v0 =	vadd.f32 v0, v10  }
0x6c: {  	v2 =	vld [tilespmem:s16+$0x3450];
	[tilespmem:s13+$0xB860] =	vst v1  }
0x6d: {  	v1 =	vld [tilespmem:s16+$0x3460];
	[tilespmem:s13+$0xB870] =	vst v0;
	s13 =	smov.u32 s16  }
0x6e: {  	v0 =	vld [tilespmem:s13+$0x3470]  }
0x6f: {  	v6 =	vld [tilespmem:s13+$0xB800]  }
0x70: {  	v7 =	vld [tilespmem:s13+$0xB810]  }
.Ltmp1:
0x71: {  	v10 =	vld [tilespmem:s13+$0xB820];
	(pc) =	sbr.rel @p0 .LBB2_4-.Ltmp1, $4  }
0x72: {  	v9 =	vld [tilespmem:s13+$0xB830]  }
0x73: {  	v8 =	vld [tilespmem:s13+$0xB840]  }
0x74: {  	v12 =	vadd.f32 v12, v6;
	v6 =	vld [tilespmem:s13+$0xB850]  }
0x75: {  	s15 =	sadd.s32 $0x200, s15;
	v11 =	vadd.f32 v11, v7;
	v7 =	vld [tilespmem:s13+$0xB860]  }
0x76: {  	[tilespmem:s13+$0xB800] =	vst v12;
	v5 =	vadd.f32 v5, v10;
	v10 =	vld [tilespmem:s13+$0xB870]  }
0x77: {  	[tilespmem:s13+$0xB810] =	vst v11;
	v4 =	vadd.f32 v4, v9  }
0x78: {  	[tilespmem:s13+$0xB820] =	vst v5;
	v3 =	vadd.f32 v3, v8  }
0x79: {  	[tilespmem:s13+$0xB830] =	vst v4;
	v2 =	vadd.f32 v2, v6  }
0x7a: {  	[tilespmem:s13+$0xB840] =	vst v3;
	v1 =	vadd.f32 v1, v7  }
0x7b: {  	[tilespmem:s13+$0xB850] =	vst v2;
	v0 =	vadd.f32 v0, v10  }
0x7c: {  	[tilespmem:s13+$0xB860] =	vst v1  }
0x7d: {  	s19 =	simm.s32 $0x0;
	s7 =	rddreg [dreg:$0x7];
	[tilespmem:s13+$0xB870] =	vst v0  }
0x7e: {  	[hbm4b:s7+s19] =	stream.linear.scatter [tilespmem:s29], [sflag:$0x4], $0x3000, $0x38;
	[tilespmem:$0x1B000] =	vst v63  }
0x7f: {  	_ =	swait.ge [sflag:s1], $0x6400  }
0x80: {  	[sflag:s1] =	ssyncset.done $0x0  }
0x81: {  	s13 =	simm.s32 $0x0;
	[sflag:s1] =	ssyncadd.s32 $0xFFFF9C00  }
0x82: {  	v7 =	vld [tilespmem:s13+$0x0]  }
0x83: {  	v11 =	vld [tilespmem:s13+$0x10]  }
0x84: {  	v5 =	vld [tilespmem:s13+$0x20]  }
0x85: {  	v4 =	vld [tilespmem:s13+$0x30]  }
0x86: {  	v3 =	vld [tilespmem:s13+$0x40]  }
0x87: {  	v2 =	vld [tilespmem:s13+$0x50]  }
0x88: {  	v1 =	vld [tilespmem:s13+$0x60]  }
0x89: {  	v0 =	vld [tilespmem:s13+$0x70]  }
0x8a: {  	v12 =	vld [tilespmem:s13+$0xE800]  }
0x8b: {  	v13 =	vld [tilespmem:s13+$0xE810]  }
0x8c: {  	v10 =	vld [tilespmem:s13+$0xE820]  }
0x8d: {  	v9 =	vld [tilespmem:s13+$0xE830]  }
0x8e: {  	v8 =	vld [tilespmem:s13+$0xE840]  }
0x8f: {  	v6 =	vld [tilespmem:s13+$0xE850];
	v12 =	vadd.f32 v7, v12  }
0x90: {  	s15 =	simm.s32 $0x200;
	v11 =	vadd.f32 v11, v13;
	v7 =	vld [tilespmem:s13+$0xE860]  }
.LBB2_6:
0x91: {  	s16 =	sshra.s32 s15, $0x2;
	p0 =	sne.s32 s15, $0xCE00;
	[tilespmem:s13+$0xE800] =	vst v12;
	v5 =	vadd.f32 v5, v10;
	v10 =	vld [tilespmem:s13+$0xE870]  }
0x92: {  	v12 =	vld [tilespmem:s16+$0x0];
	[tilespmem:s13+$0xE810] =	vst v11;
	v4 =	vadd.f32 v4, v9  }
0x93: {  	v11 =	vld [tilespmem:s16+$0x10];
	[tilespmem:s13+$0xE820] =	vst v5;
	v3 =	vadd.f32 v3, v8  }
0x94: {  	v5 =	vld [tilespmem:s16+$0x20];
	[tilespmem:s13+$0xE830] =	vst v4;
	v2 =	vadd.f32 v2, v6  }
0x95: {  	v4 =	vld [tilespmem:s16+$0x30];
	[tilespmem:s13+$0xE840] =	vst v3;
	v1 =	vadd.f32 v1, v7  }
0x96: {  	v3 =	vld [tilespmem:s16+$0x40];
	[tilespmem:s13+$0xE850] =	vst v2;
	v0 =	vadd.f32 v0, v10  }
0x97: {  	v2 =	vld [tilespmem:s16+$0x50];
	[tilespmem:s13+$0xE860] =	vst v1  }
0x98: {  	v1 =	vld [tilespmem:s16+$0x60];
	[tilespmem:s13+$0xE870] =	vst v0;
	s13 =	smov.u32 s16  }
0x99: {  	v0 =	vld [tilespmem:s13+$0x70]  }
0x9a: {  	v6 =	vld [tilespmem:s13+$0xE800]  }
0x9b: {  	v7 =	vld [tilespmem:s13+$0xE810]  }
.Ltmp2:
0x9c: {  	v10 =	vld [tilespmem:s13+$0xE820];
	(pc) =	sbr.rel @p0 .LBB2_6-.Ltmp2, $4  }
0x9d: {  	v9 =	vld [tilespmem:s13+$0xE830]  }
0x9e: {  	v8 =	vld [tilespmem:s13+$0xE840]  }
0x9f: {  	v12 =	vadd.f32 v12, v6;
	v6 =	vld [tilespmem:s13+$0xE850]  }
0xa0: {  	s15 =	sadd.s32 $0x200, s15;
	v11 =	vadd.f32 v11, v7;
	v7 =	vld [tilespmem:s13+$0xE860]  }
0xa1: {  	[tilespmem:s13+$0xE800] =	vst v12;
	v5 =	vadd.f32 v5, v10;
	v10 =	vld [tilespmem:s13+$0xE870]  }
0xa2: {  	[tilespmem:s13+$0xE810] =	vst v11;
	v4 =	vadd.f32 v4, v9  }
0xa3: {  	[tilespmem:s13+$0xE820] =	vst v5;
	v3 =	vadd.f32 v3, v8  }
0xa4: {  	[tilespmem:s13+$0xE830] =	vst v4;
	v2 =	vadd.f32 v2, v6  }
0xa5: {  	[tilespmem:s13+$0xE840] =	vst v3;
	v1 =	vadd.f32 v1, v7  }
0xa6: {  	[tilespmem:s13+$0xE850] =	vst v2;
	v0 =	vadd.f32 v0, v10  }
0xa7: {  	[tilespmem:s13+$0xE860] =	vst v1  }
0xa8: {  	s17 =	simm.s32 $0x0;
	s7 =	rddreg [dreg:$0x8];
	[tilespmem:s13+$0xE870] =	vst v0  }
0xa9: {  	[hbm4b:s7+s17] =	stream.linear.scatter [tilespmem:s28], [sflag:$0x5], $0x3400, $0x38;
	[tilespmem:$0x1B000] =	vst v63  }
0xaa: {  	_ =	swait.ge [sflag:s3], $0x6400  }
0xab: {  	[sflag:s3] =	ssyncset.done $0x0  }
0xac: {  	s18 =	simm.s32 $0x6700;
	[sflag:s3] =	ssyncadd.s32 $0xFFFF9C00  }
0xad: {  	[tilespmem:s23], [sflag:$0x1] =	stream.indirect.gather [hbm4b:s0+s22], $0x80, s18, s22, $0xb8;
	[tilespmem:$0x1B000] =	vst v63  }
0xae: {  	s19 =	simm.s32 $0x6780;
	s13 =	simm.s32 $0x0  }
0xaf: {  	[tilespmem:s25], [sflag:$0x1] =	stream.indirect.gather [hbm4b:s0+s22], $0x80, s19, s22, $0xb8;
	[tilespmem:$0x1B000] =	vst v63  }
0xb0: {  	v7 =	vld [tilespmem:s13+$0x3400]  }
0xb1: {  	v11 =	vld [tilespmem:s13+$0x3410]  }
0xb2: {  	v5 =	vld [tilespmem:s13+$0x3420]  }
0xb3: {  	v4 =	vld [tilespmem:s13+$0x3430]  }
0xb4: {  	v3 =	vld [tilespmem:s13+$0x3440]  }
0xb5: {  	v2 =	vld [tilespmem:s13+$0x3450]  }
0xb6: {  	v1 =	vld [tilespmem:s13+$0x3460]  }
0xb7: {  	v0 =	vld [tilespmem:s13+$0x3470]  }
0xb8: {  	v12 =	vld [tilespmem:s13+$0x11C00]  }
0xb9: {  	v13 =	vld [tilespmem:s13+$0x11C10]  }
0xba: {  	v10 =	vld [tilespmem:s13+$0x11C20]  }
0xbb: {  	v9 =	vld [tilespmem:s13+$0x11C30]  }
0xbc: {  	v8 =	vld [tilespmem:s13+$0x11C40]  }
0xbd: {  	v6 =	vld [tilespmem:s13+$0x11C50];
	v12 =	vadd.f32 v7, v12  }
0xbe: {  	s15 =	simm.s32 $0x200;
	v11 =	vadd.f32 v11, v13;
	v7 =	vld [tilespmem:s13+$0x11C60]  }
.LBB2_8:
0xbf: {  	s16 =	sshra.s32 s15, $0x2;
	p0 =	sne.s32 s15, $0xBE00;
	[tilespmem:s13+$0x11C00] =	vst v12;
	v5 =	vadd.f32 v5, v10;
	v10 =	vld [tilespmem:s13+$0x11C70]  }
0xc0: {  	v12 =	vld [tilespmem:s16+$0x3400];
	[tilespmem:s13+$0x11C10] =	vst v11;
	v4 =	vadd.f32 v4, v9  }
0xc1: {  	v11 =	vld [tilespmem:s16+$0x3410];
	[tilespmem:s13+$0x11C20] =	vst v5;
	v3 =	vadd.f32 v3, v8  }
0xc2: {  	v5 =	vld [tilespmem:s16+$0x3420];
	[tilespmem:s13+$0x11C30] =	vst v4;
	v2 =	vadd.f32 v2, v6  }
0xc3: {  	v4 =	vld [tilespmem:s16+$0x3430];
	[tilespmem:s13+$0x11C40] =	vst v3;
	v1 =	vadd.f32 v1, v7  }
0xc4: {  	v3 =	vld [tilespmem:s16+$0x3440];
	[tilespmem:s13+$0x11C50] =	vst v2;
	v0 =	vadd.f32 v0, v10  }
0xc5: {  	v2 =	vld [tilespmem:s16+$0x3450];
	[tilespmem:s13+$0x11C60] =	vst v1  }
0xc6: {  	v1 =	vld [tilespmem:s16+$0x3460];
	[tilespmem:s13+$0x11C70] =	vst v0;
	s13 =	smov.u32 s16  }
0xc7: {  	v0 =	vld [tilespmem:s13+$0x3470]  }
0xc8: {  	v6 =	vld [tilespmem:s13+$0x11C00]  }
0xc9: {  	v7 =	vld [tilespmem:s13+$0x11C10]  }
.Ltmp3:
0xca: {  	v10 =	vld [tilespmem:s13+$0x11C20];
	(pc) =	sbr.rel @p0 .LBB2_8-.Ltmp3, $4  }
0xcb: {  	v9 =	vld [tilespmem:s13+$0x11C30]  }
0xcc: {  	v8 =	vld [tilespmem:s13+$0x11C40]  }
0xcd: {  	v12 =	vadd.f32 v12, v6;
	v6 =	vld [tilespmem:s13+$0x11C50]  }
0xce: {  	s15 =	sadd.s32 $0x200, s15;
	v11 =	vadd.f32 v11, v7;
	v7 =	vld [tilespmem:s13+$0x11C60]  }
0xcf: {  	[tilespmem:s13+$0x11C00] =	vst v12;
	v5 =	vadd.f32 v5, v10;
	v10 =	vld [tilespmem:s13+$0x11C70]  }
0xd0: {  	[tilespmem:s13+$0x11C10] =	vst v11;
	v4 =	vadd.f32 v4, v9  }
0xd1: {  	[tilespmem:s13+$0x11C20] =	vst v5;
	v3 =	vadd.f32 v3, v8  }
0xd2: {  	[tilespmem:s13+$0x11C30] =	vst v4;
	v2 =	vadd.f32 v2, v6  }
0xd3: {  	[tilespmem:s13+$0x11C40] =	vst v3;
	v1 =	vadd.f32 v1, v7  }
0xd4: {  	[tilespmem:s13+$0x11C50] =	vst v2;
	v0 =	vadd.f32 v0, v10  }
0xd5: {  	[tilespmem:s13+$0x11C60] =	vst v1  }
0xd6: {  	s19 =	simm.s32 $0x0;
	s7 =	rddreg [dreg:$0x9];
	[tilespmem:s13+$0x11C70] =	vst v0  }
0xd7: {  	[hbm4b:s7+s19] =	stream.linear.scatter [tilespmem:s20], [sflag:$0x5], $0x3000, $0x38;
	[tilespmem:$0x1B000] =	vst v63  }
0xd8: {  	_ =	swait.ge [sflag:s8], $0x6400  }
0xd9: {  	[sflag:s8] =	ssyncset.done $0x0  }
0xda: {  	s13 =	simm.s32 $0x0;
	[sflag:s8] =	ssyncadd.s32 $0xFFFF9C00  }
0xdb: {  	v7 =	vld [tilespmem:s13+$0x0]  }
0xdc: {  	v11 =	vld [tilespmem:s13+$0x10]  }
0xdd: {  	v5 =	vld [tilespmem:s13+$0x20]  }
0xde: {  	v4 =	vld [tilespmem:s13+$0x30]  }
0xdf: {  	v3 =	vld [tilespmem:s13+$0x40]  }
0xe0: {  	v2 =	vld [tilespmem:s13+$0x50]  }
0xe1: {  	v1 =	vld [tilespmem:s13+$0x60]  }
0xe2: {  	v0 =	vld [tilespmem:s13+$0x70]  }
0xe3: {  	v12 =	vld [tilespmem:s13+$0x14C00]  }
0xe4: {  	v13 =	vld [tilespmem:s13+$0x14C10]  }
0xe5: {  	v10 =	vld [tilespmem:s13+$0x14C20]  }
0xe6: {  	v9 =	vld [tilespmem:s13+$0x14C30]  }
0xe7: {  	v8 =	vld [tilespmem:s13+$0x14C40]  }
0xe8: {  	v6 =	vld [tilespmem:s13+$0x14C50];
	v12 =	vadd.f32 v7, v12  }
0xe9: {  	s15 =	simm.s32 $0x200;
	v11 =	vadd.f32 v11, v13;
	v7 =	vld [tilespmem:s13+$0x14C60]  }
.LBB2_10:
0xea: {  	s16 =	sshra.s32 s15, $0x2;
	p0 =	sne.s32 s15, $0xCE00;
	[tilespmem:s13+$0x14C00] =	vst v12;
	v5 =	vadd.f32 v5, v10;
	v10 =	vld [tilespmem:s13+$0x14C70]  }
0xeb: {  	v12 =	vld [tilespmem:s16+$0x0];
	[tilespmem:s13+$0x14C10] =	vst v11;
	v4 =	vadd.f32 v4, v9  }
0xec: {  	v11 =	vld [tilespmem:s16+$0x10];
	[tilespmem:s13+$0x14C20] =	vst v5;
	v3 =	vadd.f32 v3, v8  }
0xed: {  	v5 =	vld [tilespmem:s16+$0x20];
	[tilespmem:s13+$0x14C30] =	vst v4;
	v2 =	vadd.f32 v2, v6  }
0xee: {  	v4 =	vld [tilespmem:s16+$0x30];
	[tilespmem:s13+$0x14C40] =	vst v3;
	v1 =	vadd.f32 v1, v7  }
0xef: {  	v3 =	vld [tilespmem:s16+$0x40];
	[tilespmem:s13+$0x14C50] =	vst v2;
	v0 =	vadd.f32 v0, v10  }
0xf0: {  	v2 =	vld [tilespmem:s16+$0x50];
	[tilespmem:s13+$0x14C60] =	vst v1  }
0xf1: {  	v1 =	vld [tilespmem:s16+$0x60];
	[tilespmem:s13+$0x14C70] =	vst v0;
	s13 =	smov.u32 s16  }
0xf2: {  	v0 =	vld [tilespmem:s13+$0x70]  }
0xf3: {  	v6 =	vld [tilespmem:s13+$0x14C00]  }
0xf4: {  	v7 =	vld [tilespmem:s13+$0x14C10]  }
.Ltmp4:
0xf5: {  	v10 =	vld [tilespmem:s13+$0x14C20];
	(pc) =	sbr.rel @p0 .LBB2_10-.Ltmp4, $4  }
0xf6: {  	v9 =	vld [tilespmem:s13+$0x14C30]  }
0xf7: {  	v8 =	vld [tilespmem:s13+$0x14C40]  }
0xf8: {  	v12 =	vadd.f32 v12, v6;
	v6 =	vld [tilespmem:s13+$0x14C50]  }
0xf9: {  	s15 =	sadd.s32 $0x200, s15;
	v11 =	vadd.f32 v11, v7;
	v7 =	vld [tilespmem:s13+$0x14C60]  }
0xfa: {  	[tilespmem:s13+$0x14C00] =	vst v12;
	v5 =	vadd.f32 v5, v10;
	v10 =	vld [tilespmem:s13+$0x14C70]  }
0xfb: {  	[tilespmem:s13+$0x14C10] =	vst v11;
	v4 =	vadd.f32 v4, v9  }
0xfc: {  	[tilespmem:s13+$0x14C20] =	vst v5;
	v3 =	vadd.f32 v3, v8  }
0xfd: {  	[tilespmem:s13+$0x14C30] =	vst v4;
	v2 =	vadd.f32 v2, v6  }
0xfe: {  	[tilespmem:s13+$0x14C40] =	vst v3;
	v1 =	vadd.f32 v1, v7  }
0xff: {  	[tilespmem:s13+$0x14C50] =	vst v2;
	v0 =	vadd.f32 v0, v10  }
0x100: {  	[tilespmem:s13+$0x14C60] =	vst v1  }
0x101: {  	s17 =	simm.s32 $0x0;
	s7 =	rddreg [dreg:$0xa];
	[tilespmem:s13+$0x14C70] =	vst v0  }
0x102: {  	[hbm4b:s7+s17] =	stream.linear.scatter [tilespmem:s2], [sflag:$0x6], $0x3400, $0x38;
	[tilespmem:$0x1B000] =	vst v63  }
0x103: {  	_ =	swait.ge [sflag:s9], $0x6400  }
0x104: {  	[sflag:s9] =	ssyncset.done $0x0  }
0x105: {  	s18 =	simm.s32 $0x6800;
	[sflag:s9] =	ssyncadd.s32 $0xFFFF9C00  }
0x106: {  	[tilespmem:s28], [sflag:$0x2] =	stream.indirect.gather [hbm4b:s0+s22], $0x80, s18, s22, $0xb8;
	[tilespmem:$0x1B000] =	vst v63  }
0x107: {  	s19 =	simm.s32 $0x6880;
	s13 =	simm.s32 $0x0  }
0x108: {  	[tilespmem:s30], [sflag:$0x2] =	stream.indirect.gather [hbm4b:s0+s22], $0x80, s19, s22, $0xb8;
	[tilespmem:$0x1B000] =	vst v63  }
0x109: {  	v7 =	vld [tilespmem:s13+$0x3400]  }
0x10a: {  	v11 =	vld [tilespmem:s13+$0x3410]  }
0x10b: {  	v5 =	vld [tilespmem:s13+$0x3420]  }
0x10c: {  	v4 =	vld [tilespmem:s13+$0x3430]  }
0x10d: {  	v3 =	vld [tilespmem:s13+$0x3440]  }
0x10e: {  	v2 =	vld [tilespmem:s13+$0x3450]  }
0x10f: {  	v1 =	vld [tilespmem:s13+$0x3460]  }
0x110: {  	v0 =	vld [tilespmem:s13+$0x3470]  }
0x111: {  	v12 =	vld [tilespmem:s13+$0x18000]  }
0x112: {  	v13 =	vld [tilespmem:s13+$0x18010]  }
0x113: {  	v10 =	vld [tilespmem:s13+$0x18020]  }
0x114: {  	v9 =	vld [tilespmem:s13+$0x18030]  }
0x115: {  	v8 =	vld [tilespmem:s13+$0x18040]  }
0x116: {  	v6 =	vld [tilespmem:s13+$0x18050];
	v12 =	vadd.f32 v7, v12  }
0x117: {  	s15 =	simm.s32 $0x200;
	v11 =	vadd.f32 v11, v13;
	v7 =	vld [tilespmem:s13+$0x18060]  }
.LBB2_12:
0x118: {  	s16 =	sshra.s32 s15, $0x2;
	p0 =	sne.s32 s15, $0xBE00;
	[tilespmem:s13+$0x18000] =	vst v12;
	v5 =	vadd.f32 v5, v10;
	v10 =	vld [tilespmem:s13+$0x18070]  }
0x119: {  	v12 =	vld [tilespmem:s16+$0x3400];
	[tilespmem:s13+$0x18010] =	vst v11;
	v4 =	vadd.f32 v4, v9  }
0x11a: {  	v11 =	vld [tilespmem:s16+$0x3410];
	[tilespmem:s13+$0x18020] =	vst v5;
	v3 =	vadd.f32 v3, v8  }
0x11b: {  	v5 =	vld [tilespmem:s16+$0x3420];
	[tilespmem:s13+$0x18030] =	vst v4;
	v2 =	vadd.f32 v2, v6  }
0x11c: {  	v4 =	vld [tilespmem:s16+$0x3430];
	[tilespmem:s13+$0x18040] =	vst v3;
	v1 =	vadd.f32 v1, v7  }
0x11d: {  	v3 =	vld [tilespmem:s16+$0x3440];
	[tilespmem:s13+$0x18050] =	vst v2;
	v0 =	vadd.f32 v0, v10  }
0x11e: {  	v2 =	vld [tilespmem:s16+$0x3450];
	[tilespmem:s13+$0x18060] =	vst v1  }
0x11f: {  	v1 =	vld [tilespmem:s16+$0x3460];
	[tilespmem:s13+$0x18070] =	vst v0;
	s13 =	smov.u32 s16  }
0x120: {  	v0 =	vld [tilespmem:s13+$0x3470]  }
0x121: {  	v6 =	vld [tilespmem:s13+$0x18000]  }
0x122: {  	v7 =	vld [tilespmem:s13+$0x18010]  }
.Ltmp5:
0x123: {  	v10 =	vld [tilespmem:s13+$0x18020];
	(pc) =	sbr.rel @p0 .LBB2_12-.Ltmp5, $4  }
0x124: {  	v9 =	vld [tilespmem:s13+$0x18030]  }
0x125: {  	v8 =	vld [tilespmem:s13+$0x18040]  }
0x126: {  	v12 =	vadd.f32 v12, v6;
	v6 =	vld [tilespmem:s13+$0x18050]  }
0x127: {  	s15 =	sadd.s32 $0x200, s15;
	v11 =	vadd.f32 v11, v7;
	v7 =	vld [tilespmem:s13+$0x18060]  }
0x128: {  	[tilespmem:s13+$0x18000] =	vst v12;
	v5 =	vadd.f32 v5, v10;
	v63 =	vld [tilespmem:s13+$0x18070]  }
0x129: {  	[tilespmem:s13+$0x18010] =	vst v11;
	v4 =	vadd.f32 v4, v9  }
0x12a: {  	[tilespmem:s13+$0x18020] =	vst v5;
	v3 =	vadd.f32 v3, v8  }
0x12b: {  	[tilespmem:s13+$0x18030] =	vst v4;
	v2 =	vadd.f32 v2, v6  }
0x12c: {  	[tilespmem:s13+$0x18040] =	vst v3;
	v1 =	vadd.f32 v1, v7  }
0x12d: {  	[tilespmem:s13+$0x18050] =	vst v2;
	v0 =	vadd.f32 v0, v63  }
0x12e: {  	[tilespmem:s13+$0x18060] =	vst v1  }
0x12f: {  	s7 =	rddreg [dreg:$0xb];
	[tilespmem:s13+$0x18070] =	vst v0;
	s13 =	simm.s32 $0x1  }
0x130: {  	[hbm4b:s7+s5] =	stream.linear.scatter [tilespmem:s10], [sflag:$0x6], $0x3000, $0x38;
	[tilespmem:$0x1B000] =	vst v63  }
.LBB2_14:
0x131: {  	_ =	swait.ge [sflag:s31], $0x6400  }
0x132: {  	[sflag:s31] =	ssyncset.done $0x0  }
0x133: {  	s15 =	simm.s32 $0x0;
	[sflag:s31] =	ssyncadd.s32 $0xFFFF9C00  }
0x134: {  	v7 =	vld [tilespmem:s15+$0x0]  }
0x135: {  	v11 =	vld [tilespmem:s15+$0x10]  }
0x136: {  	v5 =	vld [tilespmem:s15+$0x20]  }
0x137: {  	v4 =	vld [tilespmem:s15+$0x30]  }
0x138: {  	v3 =	vld [tilespmem:s15+$0x40]  }
0x139: {  	v2 =	vld [tilespmem:s15+$0x50]  }
0x13a: {  	v1 =	vld [tilespmem:s15+$0x60]  }
0x13b: {  	v0 =	vld [tilespmem:s15+$0x70]  }
0x13c: {  	v12 =	vld [tilespmem:s15+$0x8400]  }
0x13d: {  	v13 =	vld [tilespmem:s15+$0x8410]  }
0x13e: {  	v10 =	vld [tilespmem:s15+$0x8420]  }
0x13f: {  	v9 =	vld [tilespmem:s15+$0x8430]  }
0x140: {  	v8 =	vld [tilespmem:s15+$0x8440]  }
0x141: {  	v6 =	vld [tilespmem:s15+$0x8450];
	v12 =	vadd.f32 v7, v12  }
0x142: {  	s16 =	simm.s32 $0x200;
	v11 =	vadd.f32 v11, v13;
	v7 =	vld [tilespmem:s15+$0x8460]  }
.LBB2_15:
0x143: {  	s17 =	sshra.s32 s16, $0x2;
	p0 =	sne.s32 s16, $0xCE00;
	[tilespmem:s15+$0x8400] =	vst v12;
	v5 =	vadd.f32 v5, v10;
	v10 =	vld [tilespmem:s15+$0x8470]  }
0x144: {  	v12 =	vld [tilespmem:s17+$0x0];
	[tilespmem:s15+$0x8410] =	vst v11;
	v4 =	vadd.f32 v4, v9  }
0x145: {  	v11 =	vld [tilespmem:s17+$0x10];
	[tilespmem:s15+$0x8420] =	vst v5;
	v3 =	vadd.f32 v3, v8  }
0x146: {  	v5 =	vld [tilespmem:s17+$0x20];
	[tilespmem:s15+$0x8430] =	vst v4;
	v2 =	vadd.f32 v2, v6  }
0x147: {  	v4 =	vld [tilespmem:s17+$0x30];
	[tilespmem:s15+$0x8440] =	vst v3;
	v1 =	vadd.f32 v1, v7  }
0x148: {  	v3 =	vld [tilespmem:s17+$0x40];
	[tilespmem:s15+$0x8450] =	vst v2;
	v0 =	vadd.f32 v0, v10  }
0x149: {  	v2 =	vld [tilespmem:s17+$0x50];
	[tilespmem:s15+$0x8460] =	vst v1  }
0x14a: {  	v1 =	vld [tilespmem:s17+$0x60];
	[tilespmem:s15+$0x8470] =	vst v0;
	s15 =	smov.u32 s17  }
0x14b: {  	v0 =	vld [tilespmem:s15+$0x70]  }
0x14c: {  	v6 =	vld [tilespmem:s15+$0x8400]  }
0x14d: {  	v7 =	vld [tilespmem:s15+$0x8410]  }
.Ltmp6:
0x14e: {  	v10 =	vld [tilespmem:s15+$0x8420];
	(pc) =	sbr.rel @p0 .LBB2_15-.Ltmp6, $4  }
0x14f: {  	v9 =	vld [tilespmem:s15+$0x8430]  }
0x150: {  	v8 =	vld [tilespmem:s15+$0x8440]  }
0x151: {  	v12 =	vadd.f32 v12, v6;
	v6 =	vld [tilespmem:s15+$0x8450]  }
0x152: {  	s16 =	sadd.s32 $0x200, s16;
	v11 =	vadd.f32 v11, v7;
	v7 =	vld [tilespmem:s15+$0x8460]  }
0x153: {  	[tilespmem:s15+$0x8400] =	vst v12;
	v5 =	vadd.f32 v5, v10;
	v10 =	vld [tilespmem:s15+$0x8470]  }
0x154: {  	[tilespmem:s15+$0x8410] =	vst v11;
	v4 =	vadd.f32 v4, v9  }
0x155: {  	s16 =	smul.u32 $0x3, s13;
	[tilespmem:s15+$0x8420] =	vst v5;
	v3 =	vadd.f32 v3, v8  }
0x156: {  	[tilespmem:s15+$0x8430] =	vst v4;
	v2 =	vadd.f32 v2, v6  }
0x157: {  	s17 =	sadd.s32 s6, s16;
	[tilespmem:s15+$0x8440] =	vst v3;
	v1 =	vadd.f32 v1, v7  }
0x158: {  	s18 =	smul.u32 $0xC80, s17;
	[tilespmem:s15+$0x8450] =	vst v2;
	v0 =	vadd.f32 v0, v10  }
0x159: {  	[tilespmem:s15+$0x8460] =	vst v1  }
0x15a: {  	s7 =	simm.s32 $0x0;
	s19 =	sadd.s32 s4, s18;
	[tilespmem:s15+$0x8470] =	vst v0;
	s15 =	sadd.s32 $0x2, s16  }
0x15b: {  	[hbm4b:s19+s7] =	stream.linear.scatter [tilespmem:s23], [sflag:$0x4], $0x3400, $0x38;
	[tilespmem:$0x1B000] =	vst v63  }
0x15c: {  	s19 =	sshll.u32 s15, $0x8;
	_ =	swait.ge [sflag:s11], $0x6400  }
0x15d: {  	s18 =	sand.u32 $0x3FFFFF00, s19;
	[sflag:s11] =	ssyncset.done $0x0  }
0x15e: {  	s19 =	sadd.s32 $0x6400, s18;
	[sflag:s11] =	ssyncadd.s32 $0xFFFF9C00  }
0x15f: {  	[tilespmem:s2], [sflag:$0x3] =	stream.indirect.gather [hbm4b:s0+s22], $0x80, s19, s22, $0xb8;
	[tilespmem:$0x1B000] =	vst v63  }
0x160: {  	s18 =	sadd.s32 $0x6480, s18  }
0x161: {  	[tilespmem:s24], [sflag:$0x3] =	stream.indirect.gather [hbm4b:s0+s22], $0x80, s18, s22, $0xb8;
	[tilespmem:$0x1B000] =	vst v63  }
0x162: {  	s18 =	simm.s32 $0x0  }
0x163: {  	v6 =	vld [tilespmem:s18+$0x3400]  }
0x164: {  	v11 =	vld [tilespmem:s18+$0x3410]  }
0x165: {  	v5 =	vld [tilespmem:s18+$0x3420]  }
0x166: {  	v4 =	vld [tilespmem:s18+$0x3430]  }
0x167: {  	v3 =	vld [tilespmem:s18+$0x3440]  }
0x168: {  	v2 =	vld [tilespmem:s18+$0x3450]  }
0x169: {  	v1 =	vld [tilespmem:s18+$0x3460]  }
0x16a: {  	v0 =	vld [tilespmem:s18+$0x3470]  }
0x16b: {  	v12 =	vld [tilespmem:s18+$0xB800]  }
0x16c: {  	v13 =	vld [tilespmem:s18+$0xB810]  }
0x16d: {  	v10 =	vld [tilespmem:s18+$0xB820]  }
0x16e: {  	v9 =	vld [tilespmem:s18+$0xB830]  }
0x16f: {  	v8 =	vld [tilespmem:s18+$0xB840]  }
0x170: {  	v7 =	vld [tilespmem:s18+$0xB850];
	v12 =	vadd.f32 v6, v12  }
0x171: {  	s19 =	simm.s32 $0x200;
	v11 =	vadd.f32 v11, v13;
	v6 =	vld [tilespmem:s18+$0xB860]  }
.LBB2_17:
0x172: {  	s7 =	sshra.s32 s19, $0x2;
	p0 =	sne.s32 s19, $0xBE00;
	[tilespmem:s18+$0xB800] =	vst v12;
	v5 =	vadd.f32 v5, v10;
	v10 =	vld [tilespmem:s18+$0xB870]  }
0x173: {  	v12 =	vld [tilespmem:s7+$0x3400];
	[tilespmem:s18+$0xB810] =	vst v11;
	v4 =	vadd.f32 v4, v9  }
0x174: {  	v11 =	vld [tilespmem:s7+$0x3410];
	[tilespmem:s18+$0xB820] =	vst v5;
	v3 =	vadd.f32 v3, v8  }
0x175: {  	v5 =	vld [tilespmem:s7+$0x3420];
	[tilespmem:s18+$0xB830] =	vst v4;
	v2 =	vadd.f32 v2, v7  }
0x176: {  	v4 =	vld [tilespmem:s7+$0x3430];
	[tilespmem:s18+$0xB840] =	vst v3;
	v1 =	vadd.f32 v1, v6  }
0x177: {  	v3 =	vld [tilespmem:s7+$0x3440];
	[tilespmem:s18+$0xB850] =	vst v2;
	v0 =	vadd.f32 v0, v10  }
0x178: {  	v2 =	vld [tilespmem:s7+$0x3450];
	[tilespmem:s18+$0xB860] =	vst v1  }
0x179: {  	v1 =	vld [tilespmem:s7+$0x3460];
	[tilespmem:s18+$0xB870] =	vst v0;
	s18 =	smov.u32 s7  }
0x17a: {  	v0 =	vld [tilespmem:s18+$0x3470]  }
0x17b: {  	v6 =	vld [tilespmem:s18+$0xB800]  }
0x17c: {  	v13 =	vld [tilespmem:s18+$0xB810]  }
.Ltmp7:
0x17d: {  	v10 =	vld [tilespmem:s18+$0xB820];
	(pc) =	sbr.rel @p0 .LBB2_17-.Ltmp7, $4  }
0x17e: {  	v9 =	vld [tilespmem:s18+$0xB830]  }
0x17f: {  	v8 =	vld [tilespmem:s18+$0xB840]  }
0x180: {  	v12 =	vadd.f32 v12, v6;
	v7 =	vld [tilespmem:s18+$0xB850]  }
0x181: {  	s19 =	sadd.s32 $0x200, s19;
	v11 =	vadd.f32 v11, v13;
	v6 =	vld [tilespmem:s18+$0xB860]  }
0x182: {  	[tilespmem:s18+$0xB800] =	vst v12;
	v5 =	vadd.f32 v5, v10;
	v10 =	vld [tilespmem:s18+$0xB870]  }
0x183: {  	[tilespmem:s18+$0xB810] =	vst v11;
	v4 =	vadd.f32 v4, v9  }
0x184: {  	[tilespmem:s18+$0xB820] =	vst v5;
	v3 =	vadd.f32 v3, v8  }
0x185: {  	s7 =	smul.u32 $0x6400, s17;
	[tilespmem:s18+$0xB830] =	vst v4;
	v2 =	vadd.f32 v2, v7  }
0x186: {  	[tilespmem:s18+$0xB840] =	vst v3;
	v1 =	vadd.f32 v1, v6  }
0x187: {  	s7 =	sshrl.u32 s7, $0x3;
	[tilespmem:s18+$0xB850] =	vst v2;
	v0 =	vadd.f32 v0, v10  }
0x188: {  	s7 =	sadd.s32 s4, s7;
	[tilespmem:s18+$0xB860] =	vst v1  }
0x189: {  	s19 =	simm.s32 $0x0;
	s7 =	sadd.s32 $0x680, s7;
	[tilespmem:s18+$0xB870] =	vst v0  }
0x18a: {  	[hbm4b:s7+s19] =	stream.linear.scatter [tilespmem:s29], [sflag:$0x4], $0x3000, $0x38;
	[tilespmem:$0x1B000] =	vst v63  }
0x18b: {  	_ =	swait.ge [sflag:s1], $0x6400  }
0x18c: {  	[sflag:s1] =	ssyncset.done $0x0  }
0x18d: {  	s18 =	simm.s32 $0x0;
	[sflag:s1] =	ssyncadd.s32 $0xFFFF9C00  }
0x18e: {  	v7 =	vld [tilespmem:s18+$0x0]  }
0x18f: {  	v11 =	vld [tilespmem:s18+$0x10]  }
0x190: {  	v5 =	vld [tilespmem:s18+$0x20]  }
0x191: {  	v4 =	vld [tilespmem:s18+$0x30]  }
0x192: {  	v3 =	vld [tilespmem:s18+$0x40]  }
0x193: {  	v2 =	vld [tilespmem:s18+$0x50]  }
0x194: {  	v1 =	vld [tilespmem:s18+$0x60]  }
0x195: {  	v0 =	vld [tilespmem:s18+$0x70]  }
0x196: {  	v12 =	vld [tilespmem:s18+$0xE800]  }
0x197: {  	v13 =	vld [tilespmem:s18+$0xE810]  }
0x198: {  	v10 =	vld [tilespmem:s18+$0xE820]  }
0x199: {  	v9 =	vld [tilespmem:s18+$0xE830]  }
0x19a: {  	v8 =	vld [tilespmem:s18+$0xE840]  }
0x19b: {  	v6 =	vld [tilespmem:s18+$0xE850];
	v12 =	vadd.f32 v7, v12  }
0x19c: {  	s17 =	simm.s32 $0x200;
	v11 =	vadd.f32 v11, v13;
	v7 =	vld [tilespmem:s18+$0xE860]  }
.LBB2_19:
0x19d: {  	s7 =	sshra.s32 s17, $0x2;
	p0 =	sne.s32 s17, $0xCE00;
	[tilespmem:s18+$0xE800] =	vst v12;
	v5 =	vadd.f32 v5, v10;
	v10 =	vld [tilespmem:s18+$0xE870]  }
0x19e: {  	v12 =	vld [tilespmem:s7+$0x0];
	[tilespmem:s18+$0xE810] =	vst v11;
	v4 =	vadd.f32 v4, v9  }
0x19f: {  	v11 =	vld [tilespmem:s7+$0x10];
	[tilespmem:s18+$0xE820] =	vst v5;
	v3 =	vadd.f32 v3, v8  }
0x1a0: {  	v5 =	vld [tilespmem:s7+$0x20];
	[tilespmem:s18+$0xE830] =	vst v4;
	v2 =	vadd.f32 v2, v6  }
0x1a1: {  	v4 =	vld [tilespmem:s7+$0x30];
	[tilespmem:s18+$0xE840] =	vst v3;
	v1 =	vadd.f32 v1, v7  }
0x1a2: {  	v3 =	vld [tilespmem:s7+$0x40];
	[tilespmem:s18+$0xE850] =	vst v2;
	v0 =	vadd.f32 v0, v10  }
0x1a3: {  	v2 =	vld [tilespmem:s7+$0x50];
	[tilespmem:s18+$0xE860] =	vst v1  }
0x1a4: {  	v1 =	vld [tilespmem:s7+$0x60];
	[tilespmem:s18+$0xE870] =	vst v0;
	s18 =	smov.u32 s7  }
0x1a5: {  	v0 =	vld [tilespmem:s18+$0x70]  }
0x1a6: {  	v6 =	vld [tilespmem:s18+$0xE800]  }
0x1a7: {  	v7 =	vld [tilespmem:s18+$0xE810]  }
.Ltmp8:
0x1a8: {  	v10 =	vld [tilespmem:s18+$0xE820];
	(pc) =	sbr.rel @p0 .LBB2_19-.Ltmp8, $4  }
0x1a9: {  	v9 =	vld [tilespmem:s18+$0xE830]  }
0x1aa: {  	v8 =	vld [tilespmem:s18+$0xE840]  }
0x1ab: {  	v12 =	vadd.f32 v12, v6;
	v6 =	vld [tilespmem:s18+$0xE850]  }
0x1ac: {  	s17 =	sadd.s32 $0x200, s17;
	v11 =	vadd.f32 v11, v7;
	v7 =	vld [tilespmem:s18+$0xE860]  }
0x1ad: {  	[tilespmem:s18+$0xE800] =	vst v12;
	v5 =	vadd.f32 v5, v10;
	v10 =	vld [tilespmem:s18+$0xE870]  }
0x1ae: {  	[tilespmem:s18+$0xE810] =	vst v11;
	v4 =	vadd.f32 v4, v9  }
0x1af: {  	[tilespmem:s18+$0xE820] =	vst v5;
	v3 =	vadd.f32 v3, v8  }
0x1b0: {  	[tilespmem:s18+$0xE830] =	vst v4;
	v2 =	vadd.f32 v2, v6  }
0x1b1: {  	s17 =	sadd.s32 s16, s14;
	[tilespmem:s18+$0xE840] =	vst v3;
	v1 =	vadd.f32 v1, v7  }
0x1b2: {  	s7 =	smul.u32 $0xC80, s17;
	[tilespmem:s18+$0xE850] =	vst v2;
	v0 =	vadd.f32 v0, v10  }
0x1b3: {  	[tilespmem:s18+$0xE860] =	vst v1  }
0x1b4: {  	s19 =	simm.s32 $0x0;
	s7 =	sadd.s32 s4, s7;
	[tilespmem:s18+$0xE870] =	vst v0;
	s18 =	smul.u32 $0xC00, s13  }
0x1b5: {  	[hbm4b:s7+s19] =	stream.linear.scatter [tilespmem:s28], [sflag:$0x5], $0x3400, $0x38;
	[tilespmem:$0x1B000] =	vst v63  }
0x1b6: {  	_ =	swait.ge [sflag:s3], $0x6400  }
0x1b7: {  	s16 =	sshra.s32 s18, $0x2;
	[sflag:s3] =	ssyncset.done $0x0  }
0x1b8: {  	s7 =	sadd.s32 $0x6700, s16;
	[sflag:s3] =	ssyncadd.s32 $0xFFFF9C00  }
0x1b9: {  	[tilespmem:s23], [sflag:$0x1] =	stream.indirect.gather [hbm4b:s0+s22], $0x80, s7, s22, $0xb8;
	[tilespmem:$0x1B000] =	vst v63  }
0x1ba: {  	s18 =	simm.s32 $0x0;
	s19 =	sadd.s32 $0x6780, s16  }
0x1bb: {  	[tilespmem:s25], [sflag:$0x1] =	stream.indirect.gather [hbm4b:s0+s22], $0x80, s19, s22, $0xb8;
	[tilespmem:$0x1B000] =	vst v63  }
0x1bc: {  	v6 =	vld [tilespmem:s18+$0x3400]  }
0x1bd: {  	v11 =	vld [tilespmem:s18+$0x3410]  }
0x1be: {  	v5 =	vld [tilespmem:s18+$0x3420]  }
0x1bf: {  	v4 =	vld [tilespmem:s18+$0x3430]  }
0x1c0: {  	v3 =	vld [tilespmem:s18+$0x3440]  }
0x1c1: {  	v2 =	vld [tilespmem:s18+$0x3450]  }
0x1c2: {  	v1 =	vld [tilespmem:s18+$0x3460]  }
0x1c3: {  	v0 =	vld [tilespmem:s18+$0x3470]  }
0x1c4: {  	v12 =	vld [tilespmem:s18+$0x11C00]  }
0x1c5: {  	v13 =	vld [tilespmem:s18+$0x11C10]  }
0x1c6: {  	v10 =	vld [tilespmem:s18+$0x11C20]  }
0x1c7: {  	v9 =	vld [tilespmem:s18+$0x11C30]  }
0x1c8: {  	v8 =	vld [tilespmem:s18+$0x11C40]  }
0x1c9: {  	v7 =	vld [tilespmem:s18+$0x11C50];
	v12 =	vadd.f32 v6, v12  }
0x1ca: {  	s19 =	simm.s32 $0x200;
	v11 =	vadd.f32 v11, v13;
	v6 =	vld [tilespmem:s18+$0x11C60]  }
.LBB2_21:
0x1cb: {  	s7 =	sshra.s32 s19, $0x2;
	p0 =	sne.s32 s19, $0xBE00;
	[tilespmem:s18+$0x11C00] =	vst v12;
	v5 =	vadd.f32 v5, v10;
	v10 =	vld [tilespmem:s18+$0x11C70]  }
0x1cc: {  	v12 =	vld [tilespmem:s7+$0x3400];
	[tilespmem:s18+$0x11C10] =	vst v11;
	v4 =	vadd.f32 v4, v9  }
0x1cd: {  	v11 =	vld [tilespmem:s7+$0x3410];
	[tilespmem:s18+$0x11C20] =	vst v5;
	v3 =	vadd.f32 v3, v8  }
0x1ce: {  	v5 =	vld [tilespmem:s7+$0x3420];
	[tilespmem:s18+$0x11C30] =	vst v4;
	v2 =	vadd.f32 v2, v7  }
0x1cf: {  	v4 =	vld [tilespmem:s7+$0x3430];
	[tilespmem:s18+$0x11C40] =	vst v3;
	v1 =	vadd.f32 v1, v6  }
0x1d0: {  	v3 =	vld [tilespmem:s7+$0x3440];
	[tilespmem:s18+$0x11C50] =	vst v2;
	v0 =	vadd.f32 v0, v10  }
0x1d1: {  	v2 =	vld [tilespmem:s7+$0x3450];
	[tilespmem:s18+$0x11C60] =	vst v1  }
0x1d2: {  	v1 =	vld [tilespmem:s7+$0x3460];
	[tilespmem:s18+$0x11C70] =	vst v0;
	s18 =	smov.u32 s7  }
0x1d3: {  	v0 =	vld [tilespmem:s18+$0x3470]  }
0x1d4: {  	v6 =	vld [tilespmem:s18+$0x11C00]  }
0x1d5: {  	v13 =	vld [tilespmem:s18+$0x11C10]  }
.Ltmp9:
0x1d6: {  	v10 =	vld [tilespmem:s18+$0x11C20];
	(pc) =	sbr.rel @p0 .LBB2_21-.Ltmp9, $4  }
0x1d7: {  	v9 =	vld [tilespmem:s18+$0x11C30]  }
0x1d8: {  	v8 =	vld [tilespmem:s18+$0x11C40]  }
0x1d9: {  	v12 =	vadd.f32 v12, v6;
	v7 =	vld [tilespmem:s18+$0x11C50]  }
0x1da: {  	s19 =	sadd.s32 $0x200, s19;
	v11 =	vadd.f32 v11, v13;
	v6 =	vld [tilespmem:s18+$0x11C60]  }
0x1db: {  	[tilespmem:s18+$0x11C00] =	vst v12;
	v5 =	vadd.f32 v5, v10;
	v10 =	vld [tilespmem:s18+$0x11C70]  }
0x1dc: {  	[tilespmem:s18+$0x11C10] =	vst v11;
	v4 =	vadd.f32 v4, v9  }
0x1dd: {  	[tilespmem:s18+$0x11C20] =	vst v5;
	v3 =	vadd.f32 v3, v8  }
0x1de: {  	s7 =	smul.u32 $0x6400, s17;
	[tilespmem:s18+$0x11C30] =	vst v4;
	v2 =	vadd.f32 v2, v7  }
0x1df: {  	[tilespmem:s18+$0x11C40] =	vst v3;
	v1 =	vadd.f32 v1, v6  }
0x1e0: {  	s7 =	sshrl.u32 s7, $0x3;
	[tilespmem:s18+$0x11C50] =	vst v2;
	v0 =	vadd.f32 v0, v10  }
0x1e1: {  	s7 =	sadd.s32 s4, s7;
	[tilespmem:s18+$0x11C60] =	vst v1  }
0x1e2: {  	s19 =	simm.s32 $0x0;
	s7 =	sadd.s32 $0x680, s7;
	[tilespmem:s18+$0x11C70] =	vst v0  }
0x1e3: {  	[hbm4b:s7+s19] =	stream.linear.scatter [tilespmem:s20], [sflag:$0x5], $0x3000, $0x38;
	[tilespmem:$0x1B000] =	vst v63  }
0x1e4: {  	_ =	swait.ge [sflag:s8], $0x6400  }
0x1e5: {  	[sflag:s8] =	ssyncset.done $0x0  }
0x1e6: {  	s17 =	simm.s32 $0x0;
	[sflag:s8] =	ssyncadd.s32 $0xFFFF9C00  }
0x1e7: {  	v7 =	vld [tilespmem:s17+$0x0]  }
0x1e8: {  	v11 =	vld [tilespmem:s17+$0x10]  }
0x1e9: {  	v5 =	vld [tilespmem:s17+$0x20]  }
0x1ea: {  	v4 =	vld [tilespmem:s17+$0x30]  }
0x1eb: {  	v3 =	vld [tilespmem:s17+$0x40]  }
0x1ec: {  	v2 =	vld [tilespmem:s17+$0x50]  }
0x1ed: {  	v1 =	vld [tilespmem:s17+$0x60]  }
0x1ee: {  	v0 =	vld [tilespmem:s17+$0x70]  }
0x1ef: {  	v12 =	vld [tilespmem:s17+$0x14C00]  }
0x1f0: {  	v13 =	vld [tilespmem:s17+$0x14C10]  }
0x1f1: {  	v10 =	vld [tilespmem:s17+$0x14C20]  }
0x1f2: {  	v9 =	vld [tilespmem:s17+$0x14C30]  }
0x1f3: {  	v8 =	vld [tilespmem:s17+$0x14C40]  }
0x1f4: {  	v6 =	vld [tilespmem:s17+$0x14C50];
	v12 =	vadd.f32 v7, v12  }
0x1f5: {  	s18 =	simm.s32 $0x200;
	v11 =	vadd.f32 v11, v13;
	v7 =	vld [tilespmem:s17+$0x14C60]  }
.LBB2_23:
0x1f6: {  	s7 =	sshra.s32 s18, $0x2;
	p0 =	sne.s32 s18, $0xCE00;
	[tilespmem:s17+$0x14C00] =	vst v12;
	v5 =	vadd.f32 v5, v10;
	v10 =	vld [tilespmem:s17+$0x14C70]  }
0x1f7: {  	v12 =	vld [tilespmem:s7+$0x0];
	[tilespmem:s17+$0x14C10] =	vst v11;
	v4 =	vadd.f32 v4, v9  }
0x1f8: {  	v11 =	vld [tilespmem:s7+$0x10];
	[tilespmem:s17+$0x14C20] =	vst v5;
	v3 =	vadd.f32 v3, v8  }
0x1f9: {  	v5 =	vld [tilespmem:s7+$0x20];
	[tilespmem:s17+$0x14C30] =	vst v4;
	v2 =	vadd.f32 v2, v6  }
0x1fa: {  	v4 =	vld [tilespmem:s7+$0x30];
	[tilespmem:s17+$0x14C40] =	vst v3;
	v1 =	vadd.f32 v1, v7  }
0x1fb: {  	v3 =	vld [tilespmem:s7+$0x40];
	[tilespmem:s17+$0x14C50] =	vst v2;
	v0 =	vadd.f32 v0, v10  }
0x1fc: {  	v2 =	vld [tilespmem:s7+$0x50];
	[tilespmem:s17+$0x14C60] =	vst v1  }
0x1fd: {  	v1 =	vld [tilespmem:s7+$0x60];
	[tilespmem:s17+$0x14C70] =	vst v0;
	s17 =	smov.u32 s7  }
0x1fe: {  	v0 =	vld [tilespmem:s17+$0x70]  }
0x1ff: {  	v6 =	vld [tilespmem:s17+$0x14C00]  }
0x200: {  	v7 =	vld [tilespmem:s17+$0x14C10]  }
.Ltmp10:
0x201: {  	v10 =	vld [tilespmem:s17+$0x14C20];
	(pc) =	sbr.rel @p0 .LBB2_23-.Ltmp10, $4  }
0x202: {  	v9 =	vld [tilespmem:s17+$0x14C30]  }
0x203: {  	v8 =	vld [tilespmem:s17+$0x14C40]  }
0x204: {  	v12 =	vadd.f32 v12, v6;
	v6 =	vld [tilespmem:s17+$0x14C50]  }
0x205: {  	s18 =	sadd.s32 $0x200, s18;
	v11 =	vadd.f32 v11, v7;
	v7 =	vld [tilespmem:s17+$0x14C60]  }
0x206: {  	[tilespmem:s17+$0x14C00] =	vst v12;
	v5 =	vadd.f32 v5, v10;
	v10 =	vld [tilespmem:s17+$0x14C70]  }
0x207: {  	[tilespmem:s17+$0x14C10] =	vst v11;
	v4 =	vadd.f32 v4, v9  }
0x208: {  	[tilespmem:s17+$0x14C20] =	vst v5;
	v3 =	vadd.f32 v3, v8  }
0x209: {  	[tilespmem:s17+$0x14C30] =	vst v4;
	v2 =	vadd.f32 v2, v6  }
0x20a: {  	s15 =	sadd.s32 s6, s15;
	[tilespmem:s17+$0x14C40] =	vst v3;
	v1 =	vadd.f32 v1, v7  }
0x20b: {  	s7 =	smul.u32 $0xC80, s15;
	[tilespmem:s17+$0x14C50] =	vst v2;
	v0 =	vadd.f32 v0, v10  }
0x20c: {  	[tilespmem:s17+$0x14C60] =	vst v1  }
0x20d: {  	s19 =	simm.s32 $0x0;
	s7 =	sadd.s32 s4, s7;
	[tilespmem:s17+$0x14C70] =	vst v0  }
0x20e: {  	[hbm4b:s7+s19] =	stream.linear.scatter [tilespmem:s2], [sflag:$0x6], $0x3400, $0x38;
	[tilespmem:$0x1B000] =	vst v63  }
0x20f: {  	_ =	swait.ge [sflag:s9], $0x6400  }
0x210: {  	[sflag:s9] =	ssyncset.done $0x0  }
0x211: {  	s18 =	sadd.s32 $0x6800, s16;
	[sflag:s9] =	ssyncadd.s32 $0xFFFF9C00  }
0x212: {  	[tilespmem:s28], [sflag:$0x2] =	stream.indirect.gather [hbm4b:s0+s22], $0x80, s18, s22, $0xb8;
	[tilespmem:$0x1B000] =	vst v63  }
0x213: {  	s19 =	sadd.s32 $0x6880, s16;
	s16 =	simm.s32 $0x0  }
0x214: {  	[tilespmem:s30], [sflag:$0x2] =	stream.indirect.gather [hbm4b:s0+s22], $0x80, s19, s22, $0xb8;
	[tilespmem:$0x1B000] =	vst v63  }
0x215: {  	v6 =	vld [tilespmem:s16+$0x3400]  }
0x216: {  	v11 =	vld [tilespmem:s16+$0x3410]  }
0x217: {  	v5 =	vld [tilespmem:s16+$0x3420]  }
0x218: {  	v4 =	vld [tilespmem:s16+$0x3430]  }
0x219: {  	v3 =	vld [tilespmem:s16+$0x3440]  }
0x21a: {  	v2 =	vld [tilespmem:s16+$0x3450]  }
0x21b: {  	v1 =	vld [tilespmem:s16+$0x3460]  }
0x21c: {  	v0 =	vld [tilespmem:s16+$0x3470]  }
0x21d: {  	v12 =	vld [tilespmem:s16+$0x18000]  }
0x21e: {  	v13 =	vld [tilespmem:s16+$0x18010]  }
0x21f: {  	v10 =	vld [tilespmem:s16+$0x18020]  }
0x220: {  	v9 =	vld [tilespmem:s16+$0x18030]  }
0x221: {  	v8 =	vld [tilespmem:s16+$0x18040]  }
0x222: {  	v7 =	vld [tilespmem:s16+$0x18050];
	v12 =	vadd.f32 v6, v12  }
0x223: {  	s17 =	simm.s32 $0x200;
	v11 =	vadd.f32 v11, v13;
	v6 =	vld [tilespmem:s16+$0x18060]  }
.LBB2_25:
0x224: {  	s7 =	sshra.s32 s17, $0x2;
	p0 =	sne.s32 s17, $0xBE00;
	[tilespmem:s16+$0x18000] =	vst v12;
	v5 =	vadd.f32 v5, v10;
	v10 =	vld [tilespmem:s16+$0x18070]  }
0x225: {  	v12 =	vld [tilespmem:s7+$0x3400];
	[tilespmem:s16+$0x18010] =	vst v11;
	v4 =	vadd.f32 v4, v9  }
0x226: {  	v11 =	vld [tilespmem:s7+$0x3410];
	[tilespmem:s16+$0x18020] =	vst v5;
	v3 =	vadd.f32 v3, v8  }
0x227: {  	v5 =	vld [tilespmem:s7+$0x3420];
	[tilespmem:s16+$0x18030] =	vst v4;
	v2 =	vadd.f32 v2, v7  }
0x228: {  	v4 =	vld [tilespmem:s7+$0x3430];
	[tilespmem:s16+$0x18040] =	vst v3;
	v1 =	vadd.f32 v1, v6  }
0x229: {  	v3 =	vld [tilespmem:s7+$0x3440];
	[tilespmem:s16+$0x18050] =	vst v2;
	v0 =	vadd.f32 v0, v10  }
0x22a: {  	v2 =	vld [tilespmem:s7+$0x3450];
	[tilespmem:s16+$0x18060] =	vst v1  }
0x22b: {  	v1 =	vld [tilespmem:s7+$0x3460];
	[tilespmem:s16+$0x18070] =	vst v0;
	s16 =	smov.u32 s7  }
0x22c: {  	v0 =	vld [tilespmem:s16+$0x3470]  }
0x22d: {  	v6 =	vld [tilespmem:s16+$0x18000]  }
0x22e: {  	v13 =	vld [tilespmem:s16+$0x18010]  }
.Ltmp11:
0x22f: {  	v10 =	vld [tilespmem:s16+$0x18020];
	(pc) =	sbr.rel @p0 .LBB2_25-.Ltmp11, $4  }
0x230: {  	v9 =	vld [tilespmem:s16+$0x18030]  }
0x231: {  	v8 =	vld [tilespmem:s16+$0x18040]  }
0x232: {  	v12 =	vadd.f32 v12, v6;
	v7 =	vld [tilespmem:s16+$0x18050]  }
0x233: {  	s17 =	sadd.s32 $0x200, s17;
	v11 =	vadd.f32 v11, v13;
	v6 =	vld [tilespmem:s16+$0x18060]  }
0x234: {  	[tilespmem:s16+$0x18000] =	vst v12;
	v5 =	vadd.f32 v5, v10;
	v63 =	vld [tilespmem:s16+$0x18070]  }
0x235: {  	[tilespmem:s16+$0x18010] =	vst v11;
	v4 =	vadd.f32 v4, v9  }
0x236: {  	s13 =	sadd.s32 $0x1, s13;
	[tilespmem:s16+$0x18020] =	vst v5;
	v3 =	vadd.f32 v3, v8  }
0x237: {  	s7 =	smul.u32 $0x6400, s15;
	p0 =	sne.s32 s13, $0xA;
	[tilespmem:s16+$0x18030] =	vst v4;
	v2 =	vadd.f32 v2, v7  }
.Ltmp12:
0x238: {  	[tilespmem:s16+$0x18040] =	vst v3;
	v1 =	vadd.f32 v1, v6;
	(pc) =	sbr.rel @p0 .LBB2_14-.Ltmp12, $4  }
0x239: {  	s7 =	sshrl.u32 s7, $0x3;
	[tilespmem:s16+$0x18050] =	vst v2;
	v0 =	vadd.f32 v0, v63  }
0x23a: {  	s7 =	sadd.s32 s4, s7;
	[tilespmem:s16+$0x18060] =	vst v1  }
0x23b: {  	s7 =	sadd.s32 $0x680, s7;
	[tilespmem:s16+$0x18070] =	vst v0  }
0x23c: {  	[hbm4b:s7+s5] =	stream.linear.scatter [tilespmem:s10], [sflag:$0x6], $0x3000, $0x38;
	[tilespmem:$0x1B000] =	vst v63  }
0x23d: {  	_ =	swait.ge [sflag:s31], $0x6400  }
0x23e: {  	[sflag:s31] =	ssyncset.done $0x0  }
0x23f: {  	s13 =	simm.s32 $0x0;
	[sflag:s31] =	ssyncadd.s32 $0xFFFF9C00  }
0x240: {  	v7 =	vld [tilespmem:s13+$0x0]  }
0x241: {  	v11 =	vld [tilespmem:s13+$0x10]  }
0x242: {  	v5 =	vld [tilespmem:s13+$0x20]  }
0x243: {  	v4 =	vld [tilespmem:s13+$0x30]  }
0x244: {  	v3 =	vld [tilespmem:s13+$0x40]  }
0x245: {  	v2 =	vld [tilespmem:s13+$0x50]  }
0x246: {  	v1 =	vld [tilespmem:s13+$0x60]  }
0x247: {  	v0 =	vld [tilespmem:s13+$0x70]  }
0x248: {  	v12 =	vld [tilespmem:s13+$0x8400]  }
0x249: {  	v13 =	vld [tilespmem:s13+$0x8410]  }
0x24a: {  	v10 =	vld [tilespmem:s13+$0x8420]  }
0x24b: {  	v9 =	vld [tilespmem:s13+$0x8430]  }
0x24c: {  	v8 =	vld [tilespmem:s13+$0x8440]  }
0x24d: {  	v6 =	vld [tilespmem:s13+$0x8450];
	v12 =	vadd.f32 v7, v12  }
0x24e: {  	s15 =	simm.s32 $0x200;
	v11 =	vadd.f32 v11, v13;
	v7 =	vld [tilespmem:s13+$0x8460]  }
.LBB2_28:
0x24f: {  	s7 =	sshra.s32 s15, $0x2;
	p0 =	sne.s32 s15, $0xCE00;
	[tilespmem:s13+$0x8400] =	vst v12;
	v5 =	vadd.f32 v5, v10;
	v10 =	vld [tilespmem:s13+$0x8470]  }
0x250: {  	v12 =	vld [tilespmem:s7+$0x0];
	[tilespmem:s13+$0x8410] =	vst v11;
	v4 =	vadd.f32 v4, v9  }
0x251: {  	v11 =	vld [tilespmem:s7+$0x10];
	[tilespmem:s13+$0x8420] =	vst v5;
	v3 =	vadd.f32 v3, v8  }
0x252: {  	v5 =	vld [tilespmem:s7+$0x20];
	[tilespmem:s13+$0x8430] =	vst v4;
	v2 =	vadd.f32 v2, v6  }
0x253: {  	v4 =	vld [tilespmem:s7+$0x30];
	[tilespmem:s13+$0x8440] =	vst v3;
	v1 =	vadd.f32 v1, v7  }
0x254: {  	v3 =	vld [tilespmem:s7+$0x40];
	[tilespmem:s13+$0x8450] =	vst v2;
	v0 =	vadd.f32 v0, v10  }
0x255: {  	v2 =	vld [tilespmem:s7+$0x50];
	[tilespmem:s13+$0x8460] =	vst v1  }
0x256: {  	v1 =	vld [tilespmem:s7+$0x60];
	[tilespmem:s13+$0x8470] =	vst v0;
	s13 =	smov.u32 s7  }
0x257: {  	v0 =	vld [tilespmem:s13+$0x70]  }
0x258: {  	v6 =	vld [tilespmem:s13+$0x8400]  }
0x259: {  	v7 =	vld [tilespmem:s13+$0x8410]  }
.Ltmp13:
0x25a: {  	v10 =	vld [tilespmem:s13+$0x8420];
	(pc) =	sbr.rel @p0 .LBB2_28-.Ltmp13, $4  }
0x25b: {  	v9 =	vld [tilespmem:s13+$0x8430]  }
0x25c: {  	v8 =	vld [tilespmem:s13+$0x8440]  }
0x25d: {  	v12 =	vadd.f32 v12, v6;
	v6 =	vld [tilespmem:s13+$0x8450]  }
0x25e: {  	s15 =	sadd.s32 $0x200, s15;
	v11 =	vadd.f32 v11, v7;
	v7 =	vld [tilespmem:s13+$0x8460]  }
0x25f: {  	[tilespmem:s13+$0x8400] =	vst v12;
	v5 =	vadd.f32 v5, v10;
	v10 =	vld [tilespmem:s13+$0x8470]  }
0x260: {  	[tilespmem:s13+$0x8410] =	vst v11;
	v4 =	vadd.f32 v4, v9  }
0x261: {  	[tilespmem:s13+$0x8420] =	vst v5;
	v3 =	vadd.f32 v3, v8  }
0x262: {  	[tilespmem:s13+$0x8430] =	vst v4;
	v2 =	vadd.f32 v2, v6  }
0x263: {  	[tilespmem:s13+$0x8440] =	vst v3;
	v1 =	vadd.f32 v1, v7  }
0x264: {  	[tilespmem:s13+$0x8450] =	vst v2;
	v0 =	vadd.f32 v0, v10  }
0x265: {  	[tilespmem:s13+$0x8460] =	vst v1  }
0x266: {  	s7 =	simm.s32 $0x0;
	s19 =	rddreg [dreg:$0xc];
	[tilespmem:s13+$0x8470] =	vst v0;
	s13 =	simm.s32 $0x0  }
0x267: {  	[hbm4b:s19+s7] =	stream.linear.scatter [tilespmem:s23], [sflag:$0x4], $0x3400, $0x38;
	[tilespmem:$0x1B000] =	vst v63  }
0x268: {  	v7 =	vld [tilespmem:s13+$0x3400]  }
0x269: {  	v11 =	vld [tilespmem:s13+$0x3410]  }
0x26a: {  	v5 =	vld [tilespmem:s13+$0x3420]  }
0x26b: {  	v4 =	vld [tilespmem:s13+$0x3430]  }
0x26c: {  	v3 =	vld [tilespmem:s13+$0x3440]  }
0x26d: {  	v2 =	vld [tilespmem:s13+$0x3450]  }
0x26e: {  	v1 =	vld [tilespmem:s13+$0x3460]  }
0x26f: {  	v0 =	vld [tilespmem:s13+$0x3470]  }
0x270: {  	v12 =	vld [tilespmem:s13+$0xB800]  }
0x271: {  	v13 =	vld [tilespmem:s13+$0xB810]  }
0x272: {  	v10 =	vld [tilespmem:s13+$0xB820]  }
0x273: {  	v9 =	vld [tilespmem:s13+$0xB830]  }
0x274: {  	v8 =	vld [tilespmem:s13+$0xB840]  }
0x275: {  	v6 =	vld [tilespmem:s13+$0xB850];
	v12 =	vadd.f32 v7, v12  }
0x276: {  	s15 =	simm.s32 $0x200;
	v11 =	vadd.f32 v11, v13;
	v7 =	vld [tilespmem:s13+$0xB860]  }
.LBB2_30:
0x277: {  	s7 =	sshra.s32 s15, $0x2;
	p0 =	sne.s32 s15, $0xBE00;
	[tilespmem:s13+$0xB800] =	vst v12;
	v5 =	vadd.f32 v5, v10;
	v10 =	vld [tilespmem:s13+$0xB870]  }
0x278: {  	v12 =	vld [tilespmem:s7+$0x3400];
	[tilespmem:s13+$0xB810] =	vst v11;
	v4 =	vadd.f32 v4, v9  }
0x279: {  	v11 =	vld [tilespmem:s7+$0x3410];
	[tilespmem:s13+$0xB820] =	vst v5;
	v3 =	vadd.f32 v3, v8  }
0x27a: {  	v5 =	vld [tilespmem:s7+$0x3420];
	[tilespmem:s13+$0xB830] =	vst v4;
	v2 =	vadd.f32 v2, v6  }
0x27b: {  	v4 =	vld [tilespmem:s7+$0x3430];
	[tilespmem:s13+$0xB840] =	vst v3;
	v1 =	vadd.f32 v1, v7  }
0x27c: {  	v3 =	vld [tilespmem:s7+$0x3440];
	[tilespmem:s13+$0xB850] =	vst v2;
	v0 =	vadd.f32 v0, v10  }
0x27d: {  	v2 =	vld [tilespmem:s7+$0x3450];
	[tilespmem:s13+$0xB860] =	vst v1  }
0x27e: {  	v1 =	vld [tilespmem:s7+$0x3460];
	[tilespmem:s13+$0xB870] =	vst v0;
	s13 =	smov.u32 s7  }
0x27f: {  	v0 =	vld [tilespmem:s13+$0x3470]  }
0x280: {  	v6 =	vld [tilespmem:s13+$0xB800]  }
0x281: {  	v7 =	vld [tilespmem:s13+$0xB810]  }
.Ltmp14:
0x282: {  	v10 =	vld [tilespmem:s13+$0xB820];
	(pc) =	sbr.rel @p0 .LBB2_30-.Ltmp14, $4  }
0x283: {  	v9 =	vld [tilespmem:s13+$0xB830]  }
0x284: {  	v8 =	vld [tilespmem:s13+$0xB840]  }
0x285: {  	v12 =	vadd.f32 v12, v6;
	v6 =	vld [tilespmem:s13+$0xB850]  }
0x286: {  	s15 =	sadd.s32 $0x200, s15;
	v11 =	vadd.f32 v11, v7;
	v7 =	vld [tilespmem:s13+$0xB860]  }
0x287: {  	[tilespmem:s13+$0xB800] =	vst v12;
	v5 =	vadd.f32 v5, v10;
	v10 =	vld [tilespmem:s13+$0xB870]  }
0x288: {  	[tilespmem:s13+$0xB810] =	vst v11;
	v4 =	vadd.f32 v4, v9  }
0x289: {  	[tilespmem:s13+$0xB820] =	vst v5;
	v3 =	vadd.f32 v3, v8  }
0x28a: {  	[tilespmem:s13+$0xB830] =	vst v4;
	v2 =	vadd.f32 v2, v6  }
0x28b: {  	[tilespmem:s13+$0xB840] =	vst v3;
	v1 =	vadd.f32 v1, v7  }
0x28c: {  	[tilespmem:s13+$0xB850] =	vst v2;
	v0 =	vadd.f32 v0, v10  }
0x28d: {  	[tilespmem:s13+$0xB860] =	vst v1  }
0x28e: {  	s7 =	simm.s32 $0x0;
	s19 =	rddreg [dreg:$0xd];
	[tilespmem:s13+$0xB870] =	vst v0  }
0x28f: {  	[hbm4b:s19+s7] =	stream.linear.scatter [tilespmem:s29], [sflag:$0x4], $0x3000, $0x38;
	[tilespmem:$0x1B000] =	vst v63  }
0x290: {  	_ =	swait.ge [sflag:s1], $0x6400  }
0x291: {  	[sflag:s1] =	ssyncset.done $0x0  }
0x292: {  	s13 =	simm.s32 $0x0;
	[sflag:s1] =	ssyncadd.s32 $0xFFFF9C00  }
0x293: {  	v7 =	vld [tilespmem:s13+$0x0]  }
0x294: {  	v11 =	vld [tilespmem:s13+$0x10]  }
0x295: {  	v5 =	vld [tilespmem:s13+$0x20]  }
0x296: {  	v4 =	vld [tilespmem:s13+$0x30]  }
0x297: {  	v3 =	vld [tilespmem:s13+$0x40]  }
0x298: {  	v2 =	vld [tilespmem:s13+$0x50]  }
0x299: {  	v1 =	vld [tilespmem:s13+$0x60]  }
0x29a: {  	v0 =	vld [tilespmem:s13+$0x70]  }
0x29b: {  	v12 =	vld [tilespmem:s13+$0xE800]  }
0x29c: {  	v13 =	vld [tilespmem:s13+$0xE810]  }
0x29d: {  	v10 =	vld [tilespmem:s13+$0xE820]  }
0x29e: {  	v9 =	vld [tilespmem:s13+$0xE830]  }
0x29f: {  	v8 =	vld [tilespmem:s13+$0xE840]  }
0x2a0: {  	v6 =	vld [tilespmem:s13+$0xE850];
	v12 =	vadd.f32 v7, v12  }
0x2a1: {  	s15 =	simm.s32 $0x200;
	v11 =	vadd.f32 v11, v13;
	v7 =	vld [tilespmem:s13+$0xE860]  }
.LBB2_32:
0x2a2: {  	s7 =	sshra.s32 s15, $0x2;
	p0 =	sne.s32 s15, $0xCE00;
	[tilespmem:s13+$0xE800] =	vst v12;
	v5 =	vadd.f32 v5, v10;
	v10 =	vld [tilespmem:s13+$0xE870]  }
0x2a3: {  	v12 =	vld [tilespmem:s7+$0x0];
	[tilespmem:s13+$0xE810] =	vst v11;
	v4 =	vadd.f32 v4, v9  }
0x2a4: {  	v11 =	vld [tilespmem:s7+$0x10];
	[tilespmem:s13+$0xE820] =	vst v5;
	v3 =	vadd.f32 v3, v8  }
0x2a5: {  	v5 =	vld [tilespmem:s7+$0x20];
	[tilespmem:s13+$0xE830] =	vst v4;
	v2 =	vadd.f32 v2, v6  }
0x2a6: {  	v4 =	vld [tilespmem:s7+$0x30];
	[tilespmem:s13+$0xE840] =	vst v3;
	v1 =	vadd.f32 v1, v7  }
0x2a7: {  	v3 =	vld [tilespmem:s7+$0x40];
	[tilespmem:s13+$0xE850] =	vst v2;
	v0 =	vadd.f32 v0, v10  }
0x2a8: {  	v2 =	vld [tilespmem:s7+$0x50];
	[tilespmem:s13+$0xE860] =	vst v1  }
0x2a9: {  	v1 =	vld [tilespmem:s7+$0x60];
	[tilespmem:s13+$0xE870] =	vst v0;
	s13 =	smov.u32 s7  }
0x2aa: {  	v0 =	vld [tilespmem:s13+$0x70]  }
0x2ab: {  	v6 =	vld [tilespmem:s13+$0xE800]  }
0x2ac: {  	v7 =	vld [tilespmem:s13+$0xE810]  }
.Ltmp15:
0x2ad: {  	v10 =	vld [tilespmem:s13+$0xE820];
	(pc) =	sbr.rel @p0 .LBB2_32-.Ltmp15, $4  }
0x2ae: {  	v9 =	vld [tilespmem:s13+$0xE830]  }
0x2af: {  	v8 =	vld [tilespmem:s13+$0xE840]  }
0x2b0: {  	v12 =	vadd.f32 v12, v6;
	v6 =	vld [tilespmem:s13+$0xE850]  }
0x2b1: {  	s15 =	sadd.s32 $0x200, s15;
	v11 =	vadd.f32 v11, v7;
	v7 =	vld [tilespmem:s13+$0xE860]  }
0x2b2: {  	[tilespmem:s13+$0xE800] =	vst v12;
	v5 =	vadd.f32 v5, v10;
	v10 =	vld [tilespmem:s13+$0xE870]  }
0x2b3: {  	[tilespmem:s13+$0xE810] =	vst v11;
	v4 =	vadd.f32 v4, v9  }
0x2b4: {  	[tilespmem:s13+$0xE820] =	vst v5;
	v3 =	vadd.f32 v3, v8  }
0x2b5: {  	[tilespmem:s13+$0xE830] =	vst v4;
	v2 =	vadd.f32 v2, v6  }
0x2b6: {  	[tilespmem:s13+$0xE840] =	vst v3;
	v1 =	vadd.f32 v1, v7  }
0x2b7: {  	[tilespmem:s13+$0xE850] =	vst v2;
	v0 =	vadd.f32 v0, v10  }
0x2b8: {  	[tilespmem:s13+$0xE860] =	vst v1  }
0x2b9: {  	s7 =	simm.s32 $0x0;
	s19 =	rddreg [dreg:$0xe];
	[tilespmem:s13+$0xE870] =	vst v0;
	s13 =	simm.s32 $0x0  }
0x2ba: {  	[hbm4b:s19+s7] =	stream.linear.scatter [tilespmem:s28], [sflag:$0x5], $0x3400, $0x38;
	[tilespmem:$0x1B000] =	vst v63  }
0x2bb: {  	v7 =	vld [tilespmem:s13+$0x3400]  }
0x2bc: {  	v11 =	vld [tilespmem:s13+$0x3410]  }
0x2bd: {  	v5 =	vld [tilespmem:s13+$0x3420]  }
0x2be: {  	v4 =	vld [tilespmem:s13+$0x3430]  }
0x2bf: {  	v3 =	vld [tilespmem:s13+$0x3440]  }
0x2c0: {  	v2 =	vld [tilespmem:s13+$0x3450]  }
0x2c1: {  	v1 =	vld [tilespmem:s13+$0x3460]  }
0x2c2: {  	v0 =	vld [tilespmem:s13+$0x3470]  }
0x2c3: {  	v12 =	vld [tilespmem:s13+$0x11C00]  }
0x2c4: {  	v13 =	vld [tilespmem:s13+$0x11C10]  }
0x2c5: {  	v10 =	vld [tilespmem:s13+$0x11C20]  }
0x2c6: {  	v9 =	vld [tilespmem:s13+$0x11C30]  }
0x2c7: {  	v8 =	vld [tilespmem:s13+$0x11C40]  }
0x2c8: {  	v6 =	vld [tilespmem:s13+$0x11C50];
	v12 =	vadd.f32 v7, v12  }
0x2c9: {  	s15 =	simm.s32 $0x200;
	v11 =	vadd.f32 v11, v13;
	v7 =	vld [tilespmem:s13+$0x11C60]  }
.LBB2_34:
0x2ca: {  	s7 =	sshra.s32 s15, $0x2;
	p0 =	sne.s32 s15, $0xBE00;
	[tilespmem:s13+$0x11C00] =	vst v12;
	v5 =	vadd.f32 v5, v10;
	v10 =	vld [tilespmem:s13+$0x11C70]  }
0x2cb: {  	v12 =	vld [tilespmem:s7+$0x3400];
	[tilespmem:s13+$0x11C10] =	vst v11;
	v4 =	vadd.f32 v4, v9  }
0x2cc: {  	v11 =	vld [tilespmem:s7+$0x3410];
	[tilespmem:s13+$0x11C20] =	vst v5;
	v3 =	vadd.f32 v3, v8  }
0x2cd: {  	v5 =	vld [tilespmem:s7+$0x3420];
	[tilespmem:s13+$0x11C30] =	vst v4;
	v2 =	vadd.f32 v2, v6  }
0x2ce: {  	v4 =	vld [tilespmem:s7+$0x3430];
	[tilespmem:s13+$0x11C40] =	vst v3;
	v1 =	vadd.f32 v1, v7  }
0x2cf: {  	v3 =	vld [tilespmem:s7+$0x3440];
	[tilespmem:s13+$0x11C50] =	vst v2;
	v0 =	vadd.f32 v0, v10  }
0x2d0: {  	v2 =	vld [tilespmem:s7+$0x3450];
	[tilespmem:s13+$0x11C60] =	vst v1  }
0x2d1: {  	v1 =	vld [tilespmem:s7+$0x3460];
	[tilespmem:s13+$0x11C70] =	vst v0;
	s13 =	smov.u32 s7  }
0x2d2: {  	v0 =	vld [tilespmem:s13+$0x3470]  }
0x2d3: {  	v6 =	vld [tilespmem:s13+$0x11C00]  }
0x2d4: {  	v7 =	vld [tilespmem:s13+$0x11C10]  }
.Ltmp16:
0x2d5: {  	v10 =	vld [tilespmem:s13+$0x11C20];
	(pc) =	sbr.rel @p0 .LBB2_34-.Ltmp16, $4  }
0x2d6: {  	v9 =	vld [tilespmem:s13+$0x11C30]  }
0x2d7: {  	v8 =	vld [tilespmem:s13+$0x11C40]  }
0x2d8: {  	v12 =	vadd.f32 v12, v6;
	v6 =	vld [tilespmem:s13+$0x11C50]  }
0x2d9: {  	s15 =	sadd.s32 $0x200, s15;
	v11 =	vadd.f32 v11, v7;
	v7 =	vld [tilespmem:s13+$0x11C60]  }
0x2da: {  	[tilespmem:s13+$0x11C00] =	vst v12;
	v5 =	vadd.f32 v5, v10;
	v63 =	vld [tilespmem:s13+$0x11C70]  }
0x2db: {  	[tilespmem:s13+$0x11C10] =	vst v11;
	v4 =	vadd.f32 v4, v9  }
0x2dc: {  	[tilespmem:s13+$0x11C20] =	vst v5;
	v3 =	vadd.f32 v3, v8  }
0x2dd: {  	[tilespmem:s13+$0x11C30] =	vst v4;
	v2 =	vadd.f32 v2, v6  }
0x2de: {  	[tilespmem:s13+$0x11C40] =	vst v3;
	v1 =	vadd.f32 v1, v7  }
0x2df: {  	[tilespmem:s13+$0x11C50] =	vst v2;
	v0 =	vadd.f32 v0, v63  }
0x2e0: {  	[tilespmem:s13+$0x11C60] =	vst v1  }
0x2e1: {  	s7 =	rddreg [dreg:$0xf];
	[tilespmem:s13+$0x11C70] =	vst v0  }
0x2e2: {  	[hbm4b:s7+s5] =	stream.linear.scatter [tilespmem:s20], [sflag:$0x5], $0x3000, $0x38;
	[tilespmem:$0x1B000] =	vst v63  }
0x2e3: {  	_ =	swait.ge [sflag:s11], $0x6400  }
0x2e4: {  	[sflag:s11] =	ssyncset.done $0x0  }
0x2e5: {  	[sflag:s11] =	ssyncadd.s32 $0xFFFF9C00  }
0x2e6: {  	_ =	swait.ge [sflag:s3], $0x6400  }
0x2e7: {  	[sflag:s3] =	ssyncset.done $0x0  }
0x2e8: {  	[sflag:s3] =	ssyncadd.s32 $0xFFFF9C00  }
0x2e9: {  	_ =	swait.ge [sflag:s9], $0x6400  }
0x2ea: {  	s12 =	sadd.s32 $0x1, s12;
	s19 =	rddreg [dreg:$0x10]  }
0x2eb: {  	p0 =	sne.s32 s12, s19  }
.Ltmp17:
0x2ec: {  	_ = 	snop;
	(pc) =	sbr.rel @p0 .LBB2_1-.Ltmp17, $3  }
0x2ed: {  	_ =	sdelay $0x1  }
0x2ee: {  	[sflag:s9] =	ssyncset.done $0x0  }
0x2ef: {  	[sflag:s9] =	ssyncadd.s32 $0xFFFF9C00  }
0x2f0: {  	_ =	sfence.sel $0x180000  }
0x2f1: {  	[bflag:$0x0] =	sbarrier.arrive $0xFFFF  }
0x2f2: {  	_ =	strace $0x90000047  }
0x2f3: {  	s0 =	stileid.u32;
	[bflag:$0x2] =	sbarrier.arrive $0xFFFF  }
0x2f4: {  	p0 =	sne.s32 s0, $0x0;
	s0 =	rddreg [dreg:$0x4]  }
0x2f5: {  	s0 =	sadd.s32 @!p0 $0x100000, s0  }
0x2f6: {  	[sflag:s0] =	ssyncadd.tile.s32 @!p0 $0x1;
	_ =	shalt  }
.Lfunc_end2:
_tile_overlayer_lowered:
.L_overlay_start_2:
0x2f7: {  	(tag) =	ssettag $0x2  }
0x2f8: {  	s0 =	rddreg [dreg:$0x0];
	s2 =	stileid.u32  }
0x2f9: {  	s1 =	rddreg [dreg:$0x1];
	p0 =	sne.s32 s2, $0x0  }
0x2fa: {  	s3 =	rddreg [dreg:$0x2];
	[bflag:$0x3] =	sbarrier.arrive $0xFFFF;
	s2 =	simm.s32 @!p0 $0x1C09  }
0x2fb: {  	[timem:s3], [sflag:s2] =	dma.local @!p0 [hbm:s0], s1  }
0x2fc: {  	s0 =	simm.s32 @!p0 $0x9  }
0x2fd: {  	_ =	swait.ge @!p0 [sflag:s0], s1  }
0x2fe: {  	s1 =	ssub.s32 @!p0 $0x0, s1;
	[sflag:s0] =	ssyncset.done @!p0 $0x0  }
0x2ff: {  	[sflag:s0] =	ssyncadd.s32 @!p0 s1  }
0x300: {  	[bflag:$0x3] =	sbarrier.arrive $0xFFFF  }
0x301: {  	_ =	shalt  }

</sc_bundles>
